<compile_context>
chip_gen: v7x
topology: tpu7x:2x2x1
jax: 0.10.2.dev20260603
libtpu: 0.0.44.dev20260713+nightly
codegen_flags: <defaults>
</compile_context>

<pallas_src>
import functools

import jax
import jax.numpy as jnp
from jax import lax
from jax.experimental import pallas as pl
from jax.experimental.pallas import tpu as pltpu
from jax.experimental.pallas import tpu_sc as plsc

HIDDEN = 128
EDGE_DIM = 16
EDGE_SCALE = 0.1
_NW = 32
_SQRT1_2 = 0.7071067811865476


def _gelu(x):
    return 0.5 * x * (1.0 + lax.erf(x * _SQRT1_2))


def _sc_gather(h, idx_flat):
    n_idx = idx_flat.shape[0]
    per_w = n_idx // _NW
    ch = 80
    n_ch = per_w // ch
    n_pair = n_ch // 2
    mesh = plsc.VectorSubcoreMesh(core_axis_name="c", subcore_axis_name="s")

    @functools.partial(
        pl.kernel,
        out_type=jax.ShapeDtypeStruct((n_idx, HIDDEN), jnp.float32),
        mesh=mesh,
        scratch_types=[
            pltpu.VMEM((per_w,), jnp.int32),
            pltpu.VMEM((ch, HIDDEN), jnp.float32),
            pltpu.VMEM((ch, HIDDEN), jnp.float32),
            pltpu.SemaphoreType.DMA,
            pltpu.SemaphoreType.DMA,
            pltpu.SemaphoreType.DMA,
            pltpu.SemaphoreType.DMA,
        ],
    )
    def k(h_hbm, idx_hbm, out_hbm, idx_all, rows0, rows1, gs0, gs1, ws0, ws1):
        c = lax.axis_index("c")
        s = lax.axis_index("s")
        base = (c * 16 + s) * per_w
        pltpu.sync_copy(idx_hbm.at[pl.ds(base, per_w)], idx_all)

        def gat(g, rows, sem):
            pltpu.async_copy(h_hbm.at[idx_all.at[pl.ds(g * ch, ch)]],
                             rows, sem)

        def wr(g, rows, sem):
            pltpu.async_copy(rows, out_hbm.at[pl.ds(base + g * ch, ch)], sem)

        def wr_wait(g, rows, sem):
            pltpu.make_async_copy(
                rows, out_hbm.at[pl.ds(base + g * ch, ch)], sem).wait()

        def g_wait(g, rows, sem):
            pltpu.make_async_copy(h_hbm.at[idx_all.at[pl.ds(g * ch, ch)]],
                                  rows, sem).wait()

        gat(0, rows0, gs0)

        def body(p, carry):
            c0 = 2 * p
            c1 = c0 + 1

            @pl.when(p > 0)
            def _():
                wr_wait(c1 - 2, rows1, ws1)

            gat(c1, rows1, gs1)
            g_wait(c0, rows0, gs0)
            wr(c0, rows0, ws0)
            g_wait(c1, rows1, gs1)
            wr(c1, rows1, ws1)

            @pl.when(p < n_pair - 1)
            def _():
                wr_wait(c0, rows0, ws0)
                gat(c0 + 2, rows0, gs0)

            return carry

        lax.fori_loop(0, n_pair, body, 0)
        wr_wait(2 * n_pair - 2, rows0, ws0)
        wr_wait(2 * n_pair - 1, rows1, ws1)
        for g_tail in range(2 * n_pair, n_ch):
            gat(g_tail, rows0, gs0)
            g_wait(g_tail, rows0, gs0)
            pltpu.sync_copy(rows0, out_hbm.at[pl.ds(base + g_tail * ch, ch)])

    return k(h, idx_flat)


def _sc_scatter(m, dst, n_nodes):
    n_edges = m.shape[0]
    ch = 80
    n_chunks = n_edges // ch
    nbase = n_chunks // _NW
    extra = n_chunks % _NW
    n_rch = n_nodes // ch
    mesh = plsc.VectorSubcoreMesh(core_axis_name="c", subcore_axis_name="s")

    n_pair = nbase // 2

    @functools.partial(
        pl.kernel,
        out_type=jax.ShapeDtypeStruct((2 * n_nodes, HIDDEN), jnp.float32),
        mesh=mesh,
        scratch_types=[
            pltpu.VMEM((ch,), jnp.int32),
            pltpu.VMEM((ch,), jnp.int32),
            pltpu.VMEM((ch, HIDDEN), jnp.float32),
            pltpu.VMEM((ch, HIDDEN), jnp.float32),
            pltpu.VMEM_SHARED((n_nodes, HIDDEN), jnp.float32),
            pltpu.SemaphoreType.DMA,
            pltpu.SemaphoreType.DMA,
            pltpu.SemaphoreType.DMA,
            pltpu.SemaphoreType.DMA,
        ],
    )
    def k(m_hbm, dst_hbm, out_hbm, i0, i1, m0, m1, acc_sh, ls0, ls1, ss0, ss1):
        c = lax.axis_index("c")
        s = lax.axis_index("s")

        zero16 = jnp.zeros((16,), jnp.float32)

        def zrow(i, carry):
            for j in range(HIDDEN // 16):
                m0[i, pl.ds(j * 16, 16)] = zero16
            return carry

        lax.fori_loop(0, ch, zrow, 0)

        n_mine = (n_rch - s + 15) // 16

        def zchunk(k_, carry):
            cid = s + k_ * 16
            pltpu.sync_copy(m0, acc_sh.at[pl.ds(cid * ch, ch)])
            return carry

        lax.fori_loop(0, n_mine, zchunk, 0)

        wid = c * 16 + s
        n_mine_e = nbase + jnp.where(wid < extra, 1, 0)
        base = ch * (nbase * wid + jnp.minimum(wid, extra))
        plsc.subcore_barrier()

        def ld(g, buf, sem):
            pltpu.async_copy(m_hbm.at[pl.ds(base + g * ch, ch)], buf, sem)

        def ld_wait(g, buf, sem):
            pltpu.make_async_copy(m_hbm.at[pl.ds(base + g * ch, ch)], buf,
                                  sem).wait()

        def ldi(g, ibuf):
            pltpu.sync_copy(dst_hbm.at[pl.ds(base + g * ch, ch)], ibuf)

        def sc(ibuf, buf, sem):
            pltpu.async_copy(buf, acc_sh.at[ibuf], sem, add=True)

        def sc_wait(ibuf, buf, sem):
            pltpu.make_async_copy(buf, acc_sh.at[ibuf], sem).wait()

        ldi(0, i0)
        ld(0, m0, ls0)

        def body(p, carry):
            c0 = 2 * p
            c1 = c0 + 1
            ld(c1, m1, ls1)
            ldi(c1, i1)
            ld_wait(c0, m0, ls0)
            pltpu.sync_copy(m0, acc_sh.at[i0], add=True)

            @pl.when(p < n_pair - 1)
            def _():
                ld(c0 + 2, m0, ls0)
                ldi(c0 + 2, i0)

            ld_wait(c1, m1, ls1)
            pltpu.sync_copy(m1, acc_sh.at[i1], add=True)
            return carry

        lax.fori_loop(0, n_pair, body, 0)
        for k_tail in range(2):
            g_tail = 2 * n_pair + k_tail

            @pl.when(g_tail < n_mine_e)
            def _():
                ldi(g_tail, i0)
                pltpu.sync_copy(m_hbm.at[pl.ds(base + g_tail * ch, ch)], m0)
                pltpu.sync_copy(m0, acc_sh.at[i0], add=True)

        plsc.subcore_barrier()

        def wchunk(k_, carry):
            r = (s + k_ * 16) * ch
            pltpu.sync_copy(acc_sh.at[pl.ds(r, ch)], m0)
            pltpu.sync_copy(m0, out_hbm.at[pl.ds(c * n_nodes + r, ch)])
            return carry

        lax.fori_loop(0, n_mine, wchunk, 0)

    return k(m, dst)


def _tc_edge(gathered, edge_attr, Ws, Wd, Wa, be1, We2, be2, bg, ge, be,
             Wm1b, bm1, Wm2, bm2, eoff):
    n_edges = gathered.shape[0] // 2
    blk = 1280
    nb = n_edges // blk
    bf = jnp.bfloat16

    def dot(a, b):
        return lax.dot_general(a, b, (((1,), (0,)), ((), ())),
                               preferred_element_type=jnp.float32)

    def body(hs_r, hd_r, ea_r, Ws_r, Wd_r, Wa_r, be1_r, We2_r, be2_r,
             bg_r, ge_r, be_r, Wm1b_r, bm1_r, Wm2_r, bm2_r, e_ref, m_ref):
        hs = hs_r[...].astype(bf)
        hd = hd_r[...].astype(bf)
        ea = ea_r[...]
        y_s = dot(hs, Ws_r[...])
        y_d = dot(hd, Wd_r[...])
        y_a = dot(ea.astype(bf), Wa_r[...])
        tg = y_s[:, HIDDEN:] + y_d + y_a
        t = _gelu(tg[:, :EDGE_DIM] + be1_r[...])
        gate = 0.5 * jnp.tanh((tg[:, EDGE_DIM:] + bg_r[...]) * 0.5) + 0.5
        x = ea + (dot(t.astype(bf), We2_r[...]) + be2_r[...]) * gate

        jmean = jnp.full((EDGE_DIM, EDGE_DIM), 1.0 / EDGE_DIM, bf)
        xc = x - dot(x.astype(bf), jmean)
        var = dot((xc * xc).astype(bf), jmean)
        e = xc * lax.rsqrt(var + 1e-5) * ge_r[...] + be_r[...]
        e_ref[...] = e
        u = _gelu(y_s[:, :HIDDEN] + dot(e.astype(bf), Wm1b_r[...]) + bm1_r[...])
        m_ref[...] = dot(u.astype(bf), Wm2_r[...]) + bm2_r[...]

    wspec = lambda shp: pl.BlockSpec(shp, lambda i: (0, 0))
    return pl.pallas_call(
        body,
        grid=(nb,),
        in_specs=[
            pl.BlockSpec((blk, HIDDEN), lambda i: (i, 0)),
            pl.BlockSpec((blk, HIDDEN), lambda i: (i + nb, 0)),
            pl.BlockSpec((blk, EDGE_DIM), lambda i: (i + eoff, 0)),
            wspec((HIDDEN, 145)), wspec((HIDDEN, 17)), wspec((EDGE_DIM, 17)),
            wspec((1, EDGE_DIM)),
            wspec((EDGE_DIM, EDGE_DIM)), wspec((1, EDGE_DIM)),
            wspec((1, 1)),
            wspec((1, EDGE_DIM)), wspec((1, EDGE_DIM)),
            wspec((EDGE_DIM, HIDDEN)), wspec((1, HIDDEN)),
            wspec((HIDDEN, HIDDEN)), wspec((1, HIDDEN)),
        ],
        out_specs=[
            pl.BlockSpec((blk, EDGE_DIM), lambda i: (i, 0)),
            pl.BlockSpec((blk, HIDDEN), lambda i: (i, 0)),
        ],
        out_shape=[
            jax.ShapeDtypeStruct((n_edges, EDGE_DIM), jnp.float32),
            jax.ShapeDtypeStruct((n_edges, HIDDEN), jnp.float32),
        ],
    )(gathered, gathered, edge_attr, Ws, Wd, Wa, be1, We2, be2,
      bg, ge, be, Wm1b, bm1, Wm2, bm2)


def _tc_node(h, parts_list, Wu1a, Wu1b, bu1, Wu2, bu2, gn, bn):
    n_nodes = h.shape[0]
    blk = 1000
    nb = n_nodes // blk
    np_ = len(parts_list)

    def dot(a, b):
        return lax.dot_general(a, b, (((1,), (0,)), ((), ())),
                               preferred_element_type=jnp.float32)

    bf = jnp.bfloat16

    def body(h_r, *rest):
        p_rs = rest[:2 * np_]
        Wu1a_r, Wu1b_r, bu1_r, Wu2_r, bu2_r, gn_r, bn_r, o_ref = rest[2 * np_:]
        hh = h_r[...]
        agg = p_rs[0][...]
        for p_r in p_rs[1:]:
            agg = agg + p_r[...]
        u = _gelu(dot(hh.astype(bf), Wu1a_r[...])
                  + dot(agg.astype(bf), Wu1b_r[...]) + bu1_r[...])
        h2 = dot(u.astype(bf), Wu2_r[...]) + bu2_r[...]
        x = hh + h2
        mu = jnp.mean(x, axis=-1, keepdims=True)
        var = jnp.mean((x - mu) ** 2, axis=-1, keepdims=True)
        o_ref[...] = (x - mu) / jnp.sqrt(var + 1e-5) * gn_r[...] + bn_r[...]

    wspec = lambda shp: pl.BlockSpec(shp, lambda i: (0, 0))
    part_specs = []
    part_args = []
    for parts in parts_list:
        part_specs += [pl.BlockSpec((blk, HIDDEN), lambda i: (i, 0)),
                       pl.BlockSpec((blk, HIDDEN), lambda i: (i + nb, 0))]
        part_args += [parts, parts]
    return pl.pallas_call(
        body,
        grid=(nb,),
        in_specs=[pl.BlockSpec((blk, HIDDEN), lambda i: (i, 0))] + part_specs + [
            wspec((HIDDEN, HIDDEN)), wspec((HIDDEN, HIDDEN)),
            wspec((1, HIDDEN)),
            wspec((HIDDEN, HIDDEN)), wspec((1, HIDDEN)),
            wspec((1, HIDDEN)), wspec((1, HIDDEN)),
        ],
        out_specs=pl.BlockSpec((blk, HIDDEN), lambda i: (i, 0)),
        out_shape=jax.ShapeDtypeStruct((n_nodes, HIDDEN), jnp.float32),
    )(h, *part_args, Wu1a, Wu1b, bu1, Wu2, bu2, gn, bn)


def kernel(h, edge_index, edge_attr, Wm1, bm1, Wm2, bm2, Wu1, bu1, Wu2, bu2,
           gn, bn, We1, be1, We2, be2, Wg, bg, ge, be):
    n_nodes = h.shape[0]
    H, D = HIDDEN, EDGE_DIM

    n_edges = edge_attr.shape[0]

    row = lambda v: v.reshape(1, -1)
    bf = jnp.bfloat16

    Ws = jnp.concatenate([Wm1[:H], We1[:H], Wg[:H]], axis=1).astype(bf)
    Wd = jnp.concatenate([We1[H:2 * H], Wg[H:2 * H]], axis=1).astype(bf)
    Wa = jnp.concatenate([We1[2 * H:], Wg[2 * H:]], axis=1).astype(bf)

    ns = 2
    es = n_edges // ns
    e_list, parts_list = [], []
    for j in range(ns):
        src_j = lax.dynamic_slice_in_dim(edge_index[0], j * es, es)
        dst_j = lax.dynamic_slice_in_dim(edge_index[1], j * es, es)
        idx_j = jnp.concatenate([src_j, dst_j])
        g_j = _sc_gather(h, idx_j)
        e_j, m_j = _tc_edge(
            g_j, edge_attr, Ws, Wd, Wa, row(be1),
            (EDGE_SCALE * We2).astype(bf), row(EDGE_SCALE * be2),
            row(bg), row(ge), row(be), Wm1[H:].astype(bf), row(bm1),
            Wm2.astype(bf), row(bm2), j * (es // 1280))
        parts_list.append(_sc_scatter(m_j, dst_j, n_nodes))
        e_list.append(e_j)
    e = jnp.concatenate(e_list, axis=0)
    hn = _tc_node(h, parts_list, Wu1[:H].astype(bf), Wu1[H:].astype(bf),
                  row(bu1), Wu2.astype(bf), row(bu2), row(gn), row(bn))
    return (hn, e)

# --- scband reference (transcript-rebuilt; emitter-appended) ---
"""Pipeline reference for scband-mpnnlayer-57123065037603 (READ-ONLY COPY).

The authoritative reference and input builder live on the scoring server;
editing this copy changes nothing except your own understanding.
"""

import jax, jax.numpy as jnp
import numpy as np

HIDDEN = 128; EDGE_DIM = 16; N_NODES = 10000; N_EDGES = 320000; EDGE_SCALE = 0.1

def _ln(x, g, b, eps=1e-5):
    mu = x.mean(axis=-1, keepdims=True)
    var = ((x - mu) ** 2).mean(axis=-1, keepdims=True)
    return (x - mu) / jnp.sqrt(var + eps) * g + b

def _lin(k, fi, fo):
    bound = 1.0 / np.sqrt(fi)
    kw, kb = jax.random.split(k)
    W = jax.random.uniform(kw, (fi, fo), minval=-bound, maxval=bound, dtype=jnp.float32)
    b = jax.random.uniform(kb, (fo,), minval=-bound, maxval=bound, dtype=jnp.float32)
    return W, b

def setup_inputs(seed: int = 0):
    key = jax.random.key(seed)
    ks = jax.random.split(key, 12)
    H, D = HIDDEN, EDGE_DIM
    h = jax.random.normal(ks[0], (N_NODES, H), dtype=jnp.float32)
    edge_index = jax.random.randint(ks[1], (2, N_EDGES), 0, N_NODES, dtype=jnp.int32)
    edge_attr = jax.random.normal(ks[2], (N_EDGES, D), dtype=jnp.float32)
    Wm1, bm1 = _lin(ks[3], H + D, H); Wm2, bm2 = _lin(ks[4], H, H)
    Wu1, bu1 = _lin(ks[5], 2 * H, H); Wu2, bu2 = _lin(ks[6], H, H)
    We1, be1 = _lin(ks[7], 2 * H + D, D); We2, be2 = _lin(ks[8], D, D)
    Wg, bg = _lin(ks[9], 2 * H + D, 1)
    return {'h': h, 'edge_index': edge_index, 'edge_attr': edge_attr,
            'Wm1': Wm1, 'bm1': bm1, 'Wm2': Wm2, 'bm2': bm2,
            'Wu1': Wu1, 'bu1': bu1, 'Wu2': Wu2, 'bu2': bu2,
            'gn': jnp.ones((H,), dtype=jnp.float32), 'bn': jnp.zeros((H,), dtype=jnp.float32),
            'We1': We1, 'be1': be1, 'We2': We2, 'be2': be2,
            'Wg': Wg, 'bg': bg,
            'ge': jnp.ones((D,), dtype=jnp.float32), 'be': jnp.zeros((D,), dtype=jnp.float32)}

def reference(h, edge_index, edge_attr, Wm1, bm1, Wm2, bm2, Wu1, bu1, Wu2, bu2, gn, bn, We1, be1, We2, be2, Wg, bg, ge, be):
    # eval mode: dropout off, edge keep mask = ones
    src, dst = edge_index[0], edge_index[1]
    hs = h[src]
    hd = h[dst]
    z = jnp.concatenate([hs, hd, edge_attr], axis=-1)
    gate = jax.nn.sigmoid(z @ Wg + bg)
    delta = (jax.nn.gelu(z @ We1 + be1, approximate=False) @ We2 + be2) * gate
    e = _ln(edge_attr + EDGE_SCALE * delta, ge, be)
    m = jax.nn.gelu(jnp.concatenate([hs, e], axis=-1) @ Wm1 + bm1, approximate=False) @ Wm2 + bm2
    agg = jax.ops.segment_sum(m, dst, num_segments=h.shape[0])
    h2 = jax.nn.gelu(jnp.concatenate([h, agg], axis=-1) @ Wu1 + bu1, approximate=False) @ Wu2 + bu2
    hn = _ln(h + h2, gn, bn)
    return (hn, e)

if __name__ == "__main__":
    import jax
    _d = setup_inputs()
    print(jax.jit(kernel)(*tuple(_d.values())))

</pallas_src>

<mosaic_0001>
#map = affine_map<(d0, d1) -> (0, 0)>
#map1 = affine_map<(d0, d1) -> (0)>
module attributes {stable_mosaic.version = 14 : i64} {
  func.func @k(%arg0: i32, %arg1: i32, %arg2: memref<160000x128xf32, #tpu.memory_space<hbm>>, %arg3: memref<160000xi32, #tpu.memory_space<hbm>>, %arg4: memref<20000x128xf32, #tpu.memory_space<hbm>>, %arg5: memref<80xi32, #tpu.memory_space<vmem>>, %arg6: memref<80xi32, #tpu.memory_space<vmem>>, %arg7: memref<80x128xf32, #tpu.memory_space<vmem>>, %arg8: memref<80x128xf32, #tpu.memory_space<vmem>>, %arg9: memref<10000x128xf32, #tpu.memory_space<vmem_shared>>, %arg10: memref<!tpu.dma_semaphore, #tpu.memory_space<semaphore_mem>>, %arg11: memref<!tpu.dma_semaphore, #tpu.memory_space<semaphore_mem>>, %arg12: memref<!tpu.dma_semaphore, #tpu.memory_space<semaphore_mem>>, %arg13: memref<!tpu.dma_semaphore, #tpu.memory_space<semaphore_mem>>) attributes {dimension_semantics = [#tpu.dimension_semantics<core_parallel>, #tpu.dimension_semantics<subcore_parallel>], iteration_bounds = array<i64: 2, 16>, scalar_prefetch = 0 : i64, scratch_operands = 9 : i64, tpu.core_type = #tpu.core_type<sc_vector_subcore>, window_params = [{transform_indices = #map}, {transform_indices = #map1}, {transform_indices = #map}]} {
    %broadcast_in_dim3A = arith.constant 0.000000e+00 : f32
    %broadcast_in_dim3A_0 = vector.broadcast %broadcast_in_dim3A : f32 to vector<16xf32>
    %scan3A = arith.constant 0 : i32
    %scan3A_1 = arith.constant 0 : i32
    %scan3A_2 = arith.constant 80 : i32
    %scan3A_3 = arith.addi %scan3A_1, %scan3A_2 : i32
    %scan3A_4 = arith.constant 1 : i32
    scf.for %scan3A_79 = %scan3A_1 to %scan3A_3 step %scan3A_4  : i32 {
      %swap3A = arith.index_cast %scan3A_79 : i32 to index
      %swap3A_80 = arith.constant 0 : index
      %swap3A_81 = tpu.vector_load %arg7[%swap3A, %swap3A_80] {strides = array<i32>} : memref<80x128xf32, #tpu.memory_space<vmem>>, vector<1x16xf32>,
      %swap3A_82 = vector.shape_cast %swap3A_81 : vector<1x16xf32> to vector<16xf32>
      %swap3A_83 = vector.shape_cast %broadcast_in_dim3A_0 : vector<16xf32> to vector<1x16xf32>
      tpu.vector_store %arg7[%swap3A, %swap3A_80], %swap3A_83 {strides = array<i32>} : memref<80x128xf32, #tpu.memory_space<vmem>>, vector<1x16xf32>,
      %swap3A_84 = arith.index_cast %scan3A_79 : i32 to index
      %swap3A_85 = arith.constant 16 : index
      %swap3A_86 = tpu.vector_load %arg7[%swap3A_84, %swap3A_85] {strides = array<i32>} : memref<80x128xf32, #tpu.memory_space<vmem>>, vector<1x16xf32>,
      %swap3A_87 = vector.shape_cast %swap3A_86 : vector<1x16xf32> to vector<16xf32>
      %swap3A_88 = vector.shape_cast %broadcast_in_dim3A_0 : vector<16xf32> to vector<1x16xf32>
      tpu.vector_store %arg7[%swap3A_84, %swap3A_85], %swap3A_88 {strides = array<i32>} : memref<80x128xf32, #tpu.memory_space<vmem>>, vector<1x16xf32>,
      %swap3A_89 = arith.index_cast %scan3A_79 : i32 to index
      %swap3A_90 = arith.constant 32 : index
      %swap3A_91 = tpu.vector_load %arg7[%swap3A_89, %swap3A_90] {strides = array<i32>} : memref<80x128xf32, #tpu.memory_space<vmem>>, vector<1x16xf32>,
      %swap3A_92 = vector.shape_cast %swap3A_91 : vector<1x16xf32> to vector<16xf32>
      %swap3A_93 = vector.shape_cast %broadcast_in_dim3A_0 : vector<16xf32> to vector<1x16xf32>
      tpu.vector_store %arg7[%swap3A_89, %swap3A_90], %swap3A_93 {strides = array<i32>} : memref<80x128xf32, #tpu.memory_space<vmem>>, vector<1x16xf32>,
      %swap3A_94 = arith.index_cast %scan3A_79 : i32 to index
      %swap3A_95 = arith.constant 48 : index
      %swap3A_96 = tpu.vector_load %arg7[%swap3A_94, %swap3A_95] {strides = array<i32>} : memref<80x128xf32, #tpu.memory_space<vmem>>, vector<1x16xf32>,
      %swap3A_97 = vector.shape_cast %swap3A_96 : vector<1x16xf32> to vector<16xf32>
      %swap3A_98 = vector.shape_cast %broadcast_in_dim3A_0 : vector<16xf32> to vector<1x16xf32>
      tpu.vector_store %arg7[%swap3A_94, %swap3A_95], %swap3A_98 {strides = array<i32>} : memref<80x128xf32, #tpu.memory_space<vmem>>, vector<1x16xf32>,
      %swap3A_99 = arith.index_cast %scan3A_79 : i32 to index
      %swap3A_100 = arith.constant 64 : index
      %swap3A_101 = tpu.vector_load %arg7[%swap3A_99, %swap3A_100] {strides = array<i32>} : memref<80x128xf32, #tpu.memory_space<vmem>>, vector<1x16xf32>,
      %swap3A_102 = vector.shape_cast %swap3A_101 : vector<1x16xf32> to vector<16xf32>
      %swap3A_103 = vector.shape_cast %broadcast_in_dim3A_0 : vector<16xf32> to vector<1x16xf32>
      tpu.vector_store %arg7[%swap3A_99, %swap3A_100], %swap3A_103 {strides = array<i32>} : memref<80x128xf32, #tpu.memory_space<vmem>>, vector<1x16xf32>,
      %swap3A_104 = arith.index_cast %scan3A_79 : i32 to index
      %swap3A_105 = arith.constant 80 : index
      %swap3A_106 = tpu.vector_load %arg7[%swap3A_104, %swap3A_105] {strides = array<i32>} : memref<80x128xf32, #tpu.memory_space<vmem>>, vector<1x16xf32>,
      %swap3A_107 = vector.shape_cast %swap3A_106 : vector<1x16xf32> to vector<16xf32>
      %swap3A_108 = vector.shape_cast %broadcast_in_dim3A_0 : vector<16xf32> to vector<1x16xf32>
      tpu.vector_store %arg7[%swap3A_104, %swap3A_105], %swap3A_108 {strides = array<i32>} : memref<80x128xf32, #tpu.memory_space<vmem>>, vector<1x16xf32>,
      %swap3A_109 = arith.index_cast %scan3A_79 : i32 to index
      %swap3A_110 = arith.constant 96 : index
      %swap3A_111 = tpu.vector_load %arg7[%swap3A_109, %swap3A_110] {strides = array<i32>} : memref<80x128xf32, #tpu.memory_space<vmem>>, vector<1x16xf32>,
      %swap3A_112 = vector.shape_cast %swap3A_111 : vector<1x16xf32> to vector<16xf32>
      %swap3A_113 = vector.shape_cast %broadcast_in_dim3A_0 : vector<16xf32> to vector<1x16xf32>
      tpu.vector_store %arg7[%swap3A_109, %swap3A_110], %swap3A_113 {strides = array<i32>} : memref<80x128xf32, #tpu.memory_space<vmem>>, vector<1x16xf32>,
      %swap3A_114 = arith.index_cast %scan3A_79 : i32 to index
      %swap3A_115 = arith.constant 112 : index
      %swap3A_116 = tpu.vector_load %arg7[%swap3A_114, %swap3A_115] {strides = array<i32>} : memref<80x128xf32, #tpu.memory_space<vmem>>, vector<1x16xf32>,
      %swap3A_117 = vector.shape_cast %swap3A_116 : vector<1x16xf32> to vector<16xf32>
      %swap3A_118 = vector.shape_cast %broadcast_in_dim3A_0 : vector<16xf32> to vector<1x16xf32>
      tpu.vector_store %arg7[%swap3A_114, %swap3A_115], %swap3A_118 {strides = array<i32>} : memref<80x128xf32, #tpu.memory_space<vmem>>, vector<1x16xf32>,
    }
    %scan3A_5 = arith.constant 80 : i32
    %sub3A = arith.constant 125 : i32
    %sub3A_6 = arith.subi %sub3A, %arg1 : i32
    %add3A = arith.constant 15 : i32
    %add3A_7 = arith.addi %sub3A_6, %add3A : i32
    %jit3A = arith.constant 16 : i32
    %div3A = arith.divsi %add3A_7, %jit3A : i32
    %sign3A = arith.constant 0 : i32
    %sign3A_8 = arith.cmpi sgt, %add3A_7, %sign3A : i32
    %sign3A_9 = arith.extui %sign3A_8 : i1 to i32
    %sign3A_10 = arith.constant 0 : i32
    %sign3A_11 = arith.cmpi slt, %add3A_7, %sign3A_10 : i32
    %sign3A_12 = arith.extui %sign3A_11 : i1 to i32
    %sign3A_13 = arith.subi %sign3A_9, %sign3A_12 : i32
    %sign3A_14 = arith.constant 0 : i32
    %sign3A_15 = arith.cmpi sgt, %jit3A, %sign3A_14 : i32
    %sign3A_16 = arith.extui %sign3A_15 : i1 to i32
    %sign3A_17 = arith.constant 0 : i32
    %sign3A_18 = arith.cmpi slt, %jit3A, %sign3A_17 : i32
    %sign3A_19 = arith.extui %sign3A_18 : i1 to i32
    %sign3A_20 = arith.subi %sign3A_16, %sign3A_19 : i32
    %ne3A = arith.cmpi ne, %sign3A_13, %sign3A_20 : i32
    %rem3A = arith.remsi %add3A_7, %jit3A : i32
    %ne3A_21 = arith.constant 0 : i32
    %ne3A_22 = arith.cmpi ne, %rem3A, %ne3A_21 : i32
    %and3A = arith.andi %ne3A, %ne3A_22 : i1
    %sub3A_23 = arith.constant 1 : i32
    %sub3A_24 = arith.subi %div3A, %sub3A_23 : i32
    %select_n3A = arith.select %and3A, %sub3A_24, %div3A : i32
    %while3A = arith.constant 0 : i32
    %while3A_25 = arith.constant 0 : i32
    %while3A_26 = arith.subi %select_n3A, %while3A_25 : i32
    %while3A_27 = arith.addi %while3A_25, %while3A_26 : i32
    %while3A_28 = arith.constant 1 : i32
    %while3A_29 = arith.divsi %while3A_26, %while3A_28 : i32
    %while3A_30 = arith.muli %while3A_29, %while3A_28 : i32
    %while3A_31 = arith.addi %while3A_25, %while3A_30 : i32
    %while3A_32 = arith.constant 1 : i32
    scf.for %while3A_79 = %while3A_25 to %while3A_31 step %while3A_32  : i32 {
      %mul3A_80 = arith.constant 16 : i32
      %mul3A_81 = arith.muli %while3A_79, %mul3A_80 : i32
      %add3A_82 = arith.addi %arg1, %mul3A_81 : i32
      %mul3A_83 = arith.constant 80 : i32
      %mul3A_84 = arith.muli %add3A_82, %mul3A_83 : i32
      "tpu.region"() ({
        %run_scoped3A = tpu.sem_alloc : memref<!tpu.dma_semaphore, #tpu.memory_space<semaphore_mem>>
        %dma_start3A_85 = arith.constant 0 : i32
        %dma_start3A_86 = tpu.memref_slice %arg9[%mul3A_84, %dma_start3A_85] : memref<10000x128xf32, #tpu.memory_space<vmem_shared>> -> memref<80x128xf32, #tpu.memory_space<vmem_shared>>
        %dma_start3A_87 = arith.constant 0 : i32
        %dma_start3A_88 = tpu.memref_slice %arg9[%mul3A_84, %dma_start3A_87] : memref<10000x128xf32, #tpu.memory_space<vmem_shared>> -> memref<80x128xf32, #tpu.memory_space<vmem_shared>>
        tpu.enqueue_dma source(%arg7 : memref<80x128xf32, #tpu.memory_space<vmem>>) target(%dma_start3A_88 : memref<80x128xf32, #tpu.memory_space<vmem_shared>>) target_semaphore(%run_scoped3A : memref<!tpu.dma_semaphore, #tpu.memory_space<semaphore_mem>>)
        %dma_wait3A = arith.constant 0 : i32
        %dma_wait3A_89 = tpu.memref_slice %arg9[%mul3A_84, %dma_wait3A] : memref<10000x128xf32, #tpu.memory_space<vmem_shared>> -> memref<80x128xf32, #tpu.memory_space<vmem_shared>>
        %dma_wait3A_90 = arith.constant 0 : i32
        %dma_wait3A_91 = tpu.memref_slice %arg9[%mul3A_84, %dma_wait3A_90] : memref<10000x128xf32, #tpu.memory_space<vmem_shared>> -> memref<80x128xf32, #tpu.memory_space<vmem_shared>>
        tpu.wait_dma2 semaphore(%run_scoped3A : memref<!tpu.dma_semaphore, #tpu.memory_space<semaphore_mem>>) src(%arg7 : memref<80x128xf32, #tpu.memory_space<vmem>>) dst(%dma_wait3A_91 : memref<80x128xf32, #tpu.memory_space<vmem_shared>>)
        tpu.yield
      }) : () -> ()
    }
    %while3A_33 = arith.constant 1 : i32
    scf.for %while3A_79 = %while3A_31 to %while3A_27 step %while3A_33  : i32 {
      %mul3A_80 = arith.constant 16 : i32
      %mul3A_81 = arith.muli %while3A_79, %mul3A_80 : i32
      %add3A_82 = arith.addi %arg1, %mul3A_81 : i32
      %mul3A_83 = arith.constant 80 : i32
      %mul3A_84 = arith.muli %add3A_82, %mul3A_83 : i32
      "tpu.region"() ({
        %run_scoped3A = tpu.sem_alloc : memref<!tpu.dma_semaphore, #tpu.memory_space<semaphore_mem>>
        %dma_start3A_85 = arith.constant 0 : i32
        %dma_start3A_86 = tpu.memref_slice %arg9[%mul3A_84, %dma_start3A_85] : memref<10000x128xf32, #tpu.memory_space<vmem_shared>> -> memref<80x128xf32, #tpu.memory_space<vmem_shared>>
        %dma_start3A_87 = arith.constant 0 : i32
        %dma_start3A_88 = tpu.memref_slice %arg9[%mul3A_84, %dma_start3A_87] : memref<10000x128xf32, #tpu.memory_space<vmem_shared>> -> memref<80x128xf32, #tpu.memory_space<vmem_shared>>
        tpu.enqueue_dma source(%arg7 : memref<80x128xf32, #tpu.memory_space<vmem>>) target(%dma_start3A_88 : memref<80x128xf32, #tpu.memory_space<vmem_shared>>) target_semaphore(%run_scoped3A : memref<!tpu.dma_semaphore, #tpu.memory_space<semaphore_mem>>)
        %dma_wait3A = arith.constant 0 : i32
        %dma_wait3A_89 = tpu.memref_slice %arg9[%mul3A_84, %dma_wait3A] : memref<10000x128xf32, #tpu.memory_space<vmem_shared>> -> memref<80x128xf32, #tpu.memory_space<vmem_shared>>
        %dma_wait3A_90 = arith.constant 0 : i32
        %dma_wait3A_91 = tpu.memref_slice %arg9[%mul3A_84, %dma_wait3A_90] : memref<10000x128xf32, #tpu.memory_space<vmem_shared>> -> memref<80x128xf32, #tpu.memory_space<vmem_shared>>
        tpu.wait_dma2 semaphore(%run_scoped3A : memref<!tpu.dma_semaphore, #tpu.memory_space<semaphore_mem>>) src(%arg7 : memref<80x128xf32, #tpu.memory_space<vmem>>) dst(%dma_wait3A_91 : memref<80x128xf32, #tpu.memory_space<vmem_shared>>)
        tpu.yield
      }) : () -> ()
    }
    %mul3A = arith.constant 16 : i32
    %mul3A_34 = arith.muli %arg0, %mul3A : i32
    %add3A_35 = arith.addi %mul3A_34, %arg1 : i32
    %lt3A = arith.constant 16 : i32
    %lt3A_36 = arith.cmpi slt, %add3A_35, %lt3A : i32
    %jit3A_37 = arith.constant 1 : i32
    %jit3A_38 = arith.constant 0 : i32
    %select_n3A_39 = arith.select %lt3A_36, %jit3A_37, %jit3A_38 : i32
    %add3A_40 = arith.constant 62 : i32
    %add3A_41 = arith.addi %add3A_40, %select_n3A_39 : i32
    %mul3A_42 = arith.constant 62 : i32
    %mul3A_43 = arith.muli %mul3A_42, %add3A_35 : i32
    %min3A = arith.constant 16 : i32
    %min3A_44 = arith.minsi %add3A_35, %min3A : i32
    %add3A_45 = arith.addi %mul3A_43, %min3A_44 : i32
    %mul3A_46 = arith.constant 80 : i32
    %mul3A_47 = arith.muli %mul3A_46, %add3A_45 : i32
    %barrier3A = arith.constant 0 : index
    tpu.barrier barrier_id(%barrier3A)
    %add3A_48 = arith.constant 0 : i32
    %add3A_49 = arith.addi %mul3A_47, %add3A_48 : i32
    "tpu.region"() ({
      %run_scoped3A = tpu.sem_alloc : memref<!tpu.dma_semaphore, #tpu.memory_space<semaphore_mem>>
      %dma_start3A_79 = tpu.memref_slice %arg3[%add3A_49] : memref<160000xi32, #tpu.memory_space<hbm>> -> memref<80xi32, #tpu.memory_space<hbm>>
      %dma_start3A_80 = tpu.memref_slice %arg3[%add3A_49] : memref<160000xi32, #tpu.memory_space<hbm>> -> memref<80xi32, #tpu.memory_space<hbm>>
      tpu.enqueue_dma source(%dma_start3A_80 : memref<80xi32, #tpu.memory_space<hbm>>) target(%arg5 : memref<80xi32, #tpu.memory_space<vmem>>) target_semaphore(%run_scoped3A : memref<!tpu.dma_semaphore, #tpu.memory_space<semaphore_mem>>)
      %dma_wait3A = tpu.memref_slice %arg3[%add3A_49] : memref<160000xi32, #tpu.memory_space<hbm>> -> memref<80xi32, #tpu.memory_space<hbm>>
      %dma_wait3A_81 = tpu.memref_slice %arg3[%add3A_49] : memref<160000xi32, #tpu.memory_space<hbm>> -> memref<80xi32, #tpu.memory_space<hbm>>
      tpu.wait_dma2 semaphore(%run_scoped3A : memref<!tpu.dma_semaphore, #tpu.memory_space<semaphore_mem>>) src(%dma_wait3A_81 : memref<80xi32, #tpu.memory_space<hbm>>) dst(%arg5 : memref<80xi32, #tpu.memory_space<vmem>>)
      tpu.yield
    }) : () -> ()
    %add3A_50 = arith.constant 0 : i32
    %add3A_51 = arith.addi %mul3A_47, %add3A_50 : i32
    %dma_start3A = arith.constant 0 : i32
    %dma_start3A_52 = tpu.memref_slice %arg2[%add3A_51, %dma_start3A] : memref<160000x128xf32, #tpu.memory_space<hbm>> -> memref<80x128xf32, #tpu.memory_space<hbm>>
    %dma_start3A_53 = arith.constant 0 : i32
    %dma_start3A_54 = tpu.memref_slice %arg2[%add3A_51, %dma_start3A_53] : memref<160000x128xf32, #tpu.memory_space<hbm>> -> memref<80x128xf32, #tpu.memory_space<hbm>>
    tpu.enqueue_dma source(%dma_start3A_54 : memref<80x128xf32, #tpu.memory_space<hbm>>) target(%arg7 : memref<80x128xf32, #tpu.memory_space<vmem>>) target_semaphore(%arg10 : memref<!tpu.dma_semaphore, #tpu.memory_space<semaphore_mem>>)
    %scan3A_55 = arith.constant 0 : i32
    %scan3A_56 = arith.constant 0 : i32
    %scan3A_57 = arith.constant 31 : i32
    %scan3A_58 = arith.addi %scan3A_56, %scan3A_57 : i32
    %scan3A_59 = arith.constant 1 : i32
    scf.for %scan3A_79 = %scan3A_56 to %scan3A_58 step %scan3A_59  : i32 {
      %mul3A_80 = arith.constant 2 : i32
      %mul3A_81 = arith.muli %mul3A_80, %scan3A_79 : i32
      %add3A_82 = arith.constant 1 : i32
      %add3A_83 = arith.addi %mul3A_81, %add3A_82 : i32
      %mul3A_84 = arith.constant 80 : i32
      %mul3A_85 = arith.muli %add3A_83, %mul3A_84 : i32
      %add3A_86 = arith.addi %mul3A_47, %mul3A_85 : i32
      %dma_start3A_87 = arith.constant 0 : i32
      %dma_start3A_88 = tpu.memref_slice %arg2[%add3A_86, %dma_start3A_87] : memref<160000x128xf32, #tpu.memory_space<hbm>> -> memref<80x128xf32, #tpu.memory_space<hbm>>
      %dma_start3A_89 = arith.constant 0 : i32
      %dma_start3A_90 = tpu.memref_slice %arg2[%add3A_86, %dma_start3A_89] : memref<160000x128xf32, #tpu.memory_space<hbm>> -> memref<80x128xf32, #tpu.memory_space<hbm>>
      tpu.enqueue_dma source(%dma_start3A_90 : memref<80x128xf32, #tpu.memory_space<hbm>>) target(%arg8 : memref<80x128xf32, #tpu.memory_space<vmem>>) target_semaphore(%arg11 : memref<!tpu.dma_semaphore, #tpu.memory_space<semaphore_mem>>)
      %mul3A_91 = arith.constant 80 : i32
      %mul3A_92 = arith.muli %add3A_83, %mul3A_91 : i32
      %add3A_93 = arith.addi %mul3A_47, %mul3A_92 : i32
      "tpu.region"() ({
        %run_scoped3A = tpu.sem_alloc : memref<!tpu.dma_semaphore, #tpu.memory_space<semaphore_mem>>
        %dma_start3A_112 = tpu.memref_slice %arg3[%add3A_93] : memref<160000xi32, #tpu.memory_space<hbm>> -> memref<80xi32, #tpu.memory_space<hbm>>
        %dma_start3A_113 = tpu.memref_slice %arg3[%add3A_93] : memref<160000xi32, #tpu.memory_space<hbm>> -> memref<80xi32, #tpu.memory_space<hbm>>
        tpu.enqueue_dma source(%dma_start3A_113 : memref<80xi32, #tpu.memory_space<hbm>>) target(%arg6 : memref<80xi32, #tpu.memory_space<vmem>>) target_semaphore(%run_scoped3A : memref<!tpu.dma_semaphore, #tpu.memory_space<semaphore_mem>>)
        %dma_wait3A_114 = tpu.memref_slice %arg3[%add3A_93] : memref<160000xi32, #tpu.memory_space<hbm>> -> memref<80xi32, #tpu.memory_space<hbm>>
        %dma_wait3A_115 = tpu.memref_slice %arg3[%add3A_93] : memref<160000xi32, #tpu.memory_space<hbm>> -> memref<80xi32, #tpu.memory_space<hbm>>
        tpu.wait_dma2 semaphore(%run_scoped3A : memref<!tpu.dma_semaphore, #tpu.memory_space<semaphore_mem>>) src(%dma_wait3A_115 : memref<80xi32, #tpu.memory_space<hbm>>) dst(%arg6 : memref<80xi32, #tpu.memory_space<vmem>>)
        tpu.yield
      }) : () -> ()
      %mul3A_94 = arith.constant 80 : i32
      %mul3A_95 = arith.muli %mul3A_81, %mul3A_94 : i32
      %add3A_96 = arith.addi %mul3A_47, %mul3A_95 : i32
      %dma_wait3A = arith.constant 0 : i32
      %dma_wait3A_97 = tpu.memref_slice %arg2[%add3A_96, %dma_wait3A] : memref<160000x128xf32, #tpu.memory_space<hbm>> -> memref<80x128xf32, #tpu.memory_space<hbm>>
      %dma_wait3A_98 = arith.constant 0 : i32
      %dma_wait3A_99 = tpu.memref_slice %arg2[%add3A_96, %dma_wait3A_98] : memref<160000x128xf32, #tpu.memory_space<hbm>> -> memref<80x128xf32, #tpu.memory_space<hbm>>
      tpu.wait_dma2 semaphore(%arg10 : memref<!tpu.dma_semaphore, #tpu.memory_space<semaphore_mem>>) src(%dma_wait3A_99 : memref<80x128xf32, #tpu.memory_space<hbm>>) dst(%arg7 : memref<80x128xf32, #tpu.memory_space<vmem>>)
      "tpu.region"() ({
        %run_scoped3A = tpu.sem_alloc : memref<!tpu.dma_semaphore, #tpu.memory_space<semaphore_mem>>
        %dma_start3A_112 = arith.constant 0 : i32
        %dma_start3A_113 = arith.constant 0 : i32
        %dma_start3A_114 = tpu.memref_slice %arg9[%dma_start3A_112, %dma_start3A_113] : memref<10000x128xf32, #tpu.memory_space<vmem_shared>> -> memref<10000x128xf32, #tpu.memory_space<vmem_shared>>
        tpu.enqueue_indirect_dma source(%arg7 : memref<80x128xf32, #tpu.memory_space<vmem>>) target(%dma_start3A_114 : memref<10000x128xf32, #tpu.memory_space<vmem_shared>>) offsets(%arg5 : memref<80xi32, #tpu.memory_space<vmem>>) semaphore(%run_scoped3A : memref<!tpu.dma_semaphore, #tpu.memory_space<semaphore_mem>>) {add = true}
        %dma_wait3A_115 = arith.constant 0 : i32
        %dma_wait3A_116 = arith.constant 0 : i32
        %dma_wait3A_117 = tpu.memref_slice %arg9[%dma_wait3A_115, %dma_wait3A_116] : memref<10000x128xf32, #tpu.memory_space<vmem_shared>> -> memref<10000x128xf32, #tpu.memory_space<vmem_shared>>
        tpu.wait_indirect_dma semaphore(%run_scoped3A : memref<!tpu.dma_semaphore, #tpu.memory_space<semaphore_mem>>) src(%arg7 : memref<80x128xf32, #tpu.memory_space<vmem>>) dst(%dma_wait3A_117 : memref<10000x128xf32, #tpu.memory_space<vmem_shared>>)
        tpu.yield
      }) : () -> ()
      %lt3A_100 = arith.constant 30 : i32
      %lt3A_101 = arith.cmpi slt, %scan3A_79, %lt3A_100 : i32
      %convert_element_type3A_102 = arith.extui %lt3A_101 : i1 to i32
      %cond3A_103 = arith.constant 0 : i32
      %cond3A_104 = arith.cmpi ne, %convert_element_type3A_102, %cond3A_103 : i32
      scf.if %cond3A_104 {
        %add3A_112 = arith.constant 2 : i32
        %add3A_113 = arith.addi %mul3A_81, %add3A_112 : i32
        %mul3A_114 = arith.constant 80 : i32
        %mul3A_115 = arith.muli %add3A_113, %mul3A_114 : i32
        %add3A_116 = arith.addi %mul3A_47, %mul3A_115 : i32
        %dma_start3A_117 = arith.constant 0 : i32
        %dma_start3A_118 = tpu.memref_slice %arg2[%add3A_116, %dma_start3A_117] : memref<160000x128xf32, #tpu.memory_space<hbm>> -> memref<80x128xf32, #tpu.memory_space<hbm>>
        %dma_start3A_119 = arith.constant 0 : i32
        %dma_start3A_120 = tpu.memref_slice %arg2[%add3A_116, %dma_start3A_119] : memref<160000x128xf32, #tpu.memory_space<hbm>> -> memref<80x128xf32, #tpu.memory_space<hbm>>
        tpu.enqueue_dma source(%dma_start3A_120 : memref<80x128xf32, #tpu.memory_space<hbm>>) target(%arg7 : memref<80x128xf32, #tpu.memory_space<vmem>>) target_semaphore(%arg10 : memref<!tpu.dma_semaphore, #tpu.memory_space<semaphore_mem>>)
        %add3A_121 = arith.constant 2 : i32
        %add3A_122 = arith.addi %mul3A_81, %add3A_121 : i32
        %mul3A_123 = arith.constant 80 : i32
        %mul3A_124 = arith.muli %add3A_122, %mul3A_123 : i32
        %add3A_125 = arith.addi %mul3A_47, %mul3A_124 : i32
        "tpu.region"() ({
          %run_scoped3A = tpu.sem_alloc : memref<!tpu.dma_semaphore, #tpu.memory_space<semaphore_mem>>
          %dma_start3A_126 = tpu.memref_slice %arg3[%add3A_125] : memref<160000xi32, #tpu.memory_space<hbm>> -> memref<80xi32, #tpu.memory_space<hbm>>
          %dma_start3A_127 = tpu.memref_slice %arg3[%add3A_125] : memref<160000xi32, #tpu.memory_space<hbm>> -> memref<80xi32, #tpu.memory_space<hbm>>
          tpu.enqueue_dma source(%dma_start3A_127 : memref<80xi32, #tpu.memory_space<hbm>>) target(%arg5 : memref<80xi32, #tpu.memory_space<vmem>>) target_semaphore(%run_scoped3A : memref<!tpu.dma_semaphore, #tpu.memory_space<semaphore_mem>>)
          %dma_wait3A_128 = tpu.memref_slice %arg3[%add3A_125] : memref<160000xi32, #tpu.memory_space<hbm>> -> memref<80xi32, #tpu.memory_space<hbm>>
          %dma_wait3A_129 = tpu.memref_slice %arg3[%add3A_125] : memref<160000xi32, #tpu.memory_space<hbm>> -> memref<80xi32, #tpu.memory_space<hbm>>
          tpu.wait_dma2 semaphore(%run_scoped3A : memref<!tpu.dma_semaphore, #tpu.memory_space<semaphore_mem>>) src(%dma_wait3A_129 : memref<80xi32, #tpu.memory_space<hbm>>) dst(%arg5 : memref<80xi32, #tpu.memory_space<vmem>>)
          tpu.yield
        }) : () -> ()
      } else {
      }
      %mul3A_105 = arith.constant 80 : i32
      %mul3A_106 = arith.muli %add3A_83, %mul3A_105 : i32
      %add3A_107 = arith.addi %mul3A_47, %mul3A_106 : i32
      %dma_wait3A_108 = arith.constant 0 : i32
      %dma_wait3A_109 = tpu.memref_slice %arg2[%add3A_107, %dma_wait3A_108] : memref<160000x128xf32, #tpu.memory_space<hbm>> -> memref<80x128xf32, #tpu.memory_space<hbm>>
      %dma_wait3A_110 = arith.constant 0 : i32
      %dma_wait3A_111 = tpu.memref_slice %arg2[%add3A_107, %dma_wait3A_110] : memref<160000x128xf32, #tpu.memory_space<hbm>> -> memref<80x128xf32, #tpu.memory_space<hbm>>
      tpu.wait_dma2 semaphore(%arg11 : memref<!tpu.dma_semaphore, #tpu.memory_space<semaphore_mem>>) src(%dma_wait3A_111 : memref<80x128xf32, #tpu.memory_space<hbm>>) dst(%arg8 : memref<80x128xf32, #tpu.memory_space<vmem>>)
      "tpu.region"() ({
        %run_scoped3A = tpu.sem_alloc : memref<!tpu.dma_semaphore, #tpu.memory_space<semaphore_mem>>
        %dma_start3A_112 = arith.constant 0 : i32
        %dma_start3A_113 = arith.constant 0 : i32
        %dma_start3A_114 = tpu.memref_slice %arg9[%dma_start3A_112, %dma_start3A_113] : memref<10000x128xf32, #tpu.memory_space<vmem_shared>> -> memref<10000x128xf32, #tpu.memory_space<vmem_shared>>
        tpu.enqueue_indirect_dma source(%arg8 : memref<80x128xf32, #tpu.memory_space<vmem>>) target(%dma_start3A_114 : memref<10000x128xf32, #tpu.memory_space<vmem_shared>>) offsets(%arg6 : memref<80xi32, #tpu.memory_space<vmem>>) semaphore(%run_scoped3A : memref<!tpu.dma_semaphore, #tpu.memory_space<semaphore_mem>>) {add = true}
        %dma_wait3A_115 = arith.constant 0 : i32
        %dma_wait3A_116 = arith.constant 0 : i32
        %dma_wait3A_117 = tpu.memref_slice %arg9[%dma_wait3A_115, %dma_wait3A_116] : memref<10000x128xf32, #tpu.memory_space<vmem_shared>> -> memref<10000x128xf32, #tpu.memory_space<vmem_shared>>
        tpu.wait_indirect_dma semaphore(%run_scoped3A : memref<!tpu.dma_semaphore, #tpu.memory_space<semaphore_mem>>) src(%arg8 : memref<80x128xf32, #tpu.memory_space<vmem>>) dst(%dma_wait3A_117 : memref<10000x128xf32, #tpu.memory_space<vmem_shared>>)
        tpu.yield
      }) : () -> ()
    }
    %scan3A_60 = arith.constant 31 : i32
    %gt3A = arith.constant 62 : i32
    %gt3A_61 = arith.cmpi sgt, %add3A_41, %gt3A : i32
    %convert_element_type3A = arith.extui %gt3A_61 : i1 to i32
    %cond3A = arith.constant 0 : i32
    %cond3A_62 = arith.cmpi ne, %convert_element_type3A, %cond3A : i32
    scf.if %cond3A_62 {
      %add3A_79 = arith.constant 4960 : i32
      %add3A_80 = arith.addi %mul3A_47, %add3A_79 : i32
      "tpu.region"() ({
        %run_scoped3A = tpu.sem_alloc : memref<!tpu.dma_semaphore, #tpu.memory_space<semaphore_mem>>
        %dma_start3A_83 = tpu.memref_slice %arg3[%add3A_80] : memref<160000xi32, #tpu.memory_space<hbm>> -> memref<80xi32, #tpu.memory_space<hbm>>
        %dma_start3A_84 = tpu.memref_slice %arg3[%add3A_80] : memref<160000xi32, #tpu.memory_space<hbm>> -> memref<80xi32, #tpu.memory_space<hbm>>
        tpu.enqueue_dma source(%dma_start3A_84 : memref<80xi32, #tpu.memory_space<hbm>>) target(%arg5 : memref<80xi32, #tpu.memory_space<vmem>>) target_semaphore(%run_scoped3A : memref<!tpu.dma_semaphore, #tpu.memory_space<semaphore_mem>>)
        %dma_wait3A = tpu.memref_slice %arg3[%add3A_80] : memref<160000xi32, #tpu.memory_space<hbm>> -> memref<80xi32, #tpu.memory_space<hbm>>
        %dma_wait3A_85 = tpu.memref_slice %arg3[%add3A_80] : memref<160000xi32, #tpu.memory_space<hbm>> -> memref<80xi32, #tpu.memory_space<hbm>>
        tpu.wait_dma2 semaphore(%run_scoped3A : memref<!tpu.dma_semaphore, #tpu.memory_space<semaphore_mem>>) src(%dma_wait3A_85 : memref<80xi32, #tpu.memory_space<hbm>>) dst(%arg5 : memref<80xi32, #tpu.memory_space<vmem>>)
        tpu.yield
      }) : () -> ()
      %add3A_81 = arith.constant 4960 : i32
      %add3A_82 = arith.addi %mul3A_47, %add3A_81 : i32
      "tpu.region"() ({
        %run_scoped3A = tpu.sem_alloc : memref<!tpu.dma_semaphore, #tpu.memory_space<semaphore_mem>>
        %dma_start3A_83 = arith.constant 0 : i32
        %dma_start3A_84 = tpu.memref_slice %arg2[%add3A_82, %dma_start3A_83] : memref<160000x128xf32, #tpu.memory_space<hbm>> -> memref<80x128xf32, #tpu.memory_space<hbm>>
        %dma_start3A_85 = arith.constant 0 : i32
        %dma_start3A_86 = tpu.memref_slice %arg2[%add3A_82, %dma_start3A_85] : memref<160000x128xf32, #tpu.memory_space<hbm>> -> memref<80x128xf32, #tpu.memory_space<hbm>>
        tpu.enqueue_dma source(%dma_start3A_86 : memref<80x128xf32, #tpu.memory_space<hbm>>) target(%arg7 : memref<80x128xf32, #tpu.memory_space<vmem>>) target_semaphore(%run_scoped3A : memref<!tpu.dma_semaphore, #tpu.memory_space<semaphore_mem>>)
        %dma_wait3A = arith.constant 0 : i32
        %dma_wait3A_87 = tpu.memref_slice %arg2[%add3A_82, %dma_wait3A] : memref<160000x128xf32, #tpu.memory_space<hbm>> -> memref<80x128xf32, #tpu.memory_space<hbm>>
        %dma_wait3A_88 = arith.constant 0 : i32
        %dma_wait3A_89 = tpu.memref_slice %arg2[%add3A_82, %dma_wait3A_88] : memref<160000x128xf32, #tpu.memory_space<hbm>> -> memref<80x128xf32, #tpu.memory_space<hbm>>
        tpu.wait_dma2 semaphore(%run_scoped3A : memref<!tpu.dma_semaphore, #tpu.memory_space<semaphore_mem>>) src(%dma_wait3A_89 : memref<80x128xf32, #tpu.memory_space<hbm>>) dst(%arg7 : memref<80x128xf32, #tpu.memory_space<vmem>>)
        tpu.yield
      }) : () -> ()
      "tpu.region"() ({
        %run_scoped3A = tpu.sem_alloc : memref<!tpu.dma_semaphore, #tpu.memory_space<semaphore_mem>>
        %dma_start3A_83 = arith.constant 0 : i32
        %dma_start3A_84 = arith.constant 0 : i32
        %dma_start3A_85 = tpu.memref_slice %arg9[%dma_start3A_83, %dma_start3A_84] : memref<10000x128xf32, #tpu.memory_space<vmem_shared>> -> memref<10000x128xf32, #tpu.memory_space<vmem_shared>>
        tpu.enqueue_indirect_dma source(%arg7 : memref<80x128xf32, #tpu.memory_space<vmem>>) target(%dma_start3A_85 : memref<10000x128xf32, #tpu.memory_space<vmem_shared>>) offsets(%arg5 : memref<80xi32, #tpu.memory_space<vmem>>) semaphore(%run_scoped3A : memref<!tpu.dma_semaphore, #tpu.memory_space<semaphore_mem>>) {add = true}
        %dma_wait3A = arith.constant 0 : i32
        %dma_wait3A_86 = arith.constant 0 : i32
        %dma_wait3A_87 = tpu.memref_slice %arg9[%dma_wait3A, %dma_wait3A_86] : memref<10000x128xf32, #tpu.memory_space<vmem_shared>> -> memref<10000x128xf32, #tpu.memory_space<vmem_shared>>
        tpu.wait_indirect_dma semaphore(%run_scoped3A : memref<!tpu.dma_semaphore, #tpu.memory_space<semaphore_mem>>) src(%arg7 : memref<80x128xf32, #tpu.memory_space<vmem>>) dst(%dma_wait3A_87 : memref<10000x128xf32, #tpu.memory_space<vmem_shared>>)
        tpu.yield
      }) : () -> ()
    } else {
    }
    %gt3A_63 = arith.constant 63 : i32
    %gt3A_64 = arith.cmpi sgt, %add3A_41, %gt3A_63 : i32
    %convert_element_type3A_65 = arith.extui %gt3A_64 : i1 to i32
    %cond3A_66 = arith.constant 0 : i32
    %cond3A_67 = arith.cmpi ne, %convert_element_type3A_65, %cond3A_66 : i32
    scf.if %cond3A_67 {
      %add3A_79 = arith.constant 5040 : i32
      %add3A_80 = arith.addi %mul3A_47, %add3A_79 : i32
      "tpu.region"() ({
        %run_scoped3A = tpu.sem_alloc : memref<!tpu.dma_semaphore, #tpu.memory_space<semaphore_mem>>
        %dma_start3A_83 = tpu.memref_slice %arg3[%add3A_80] : memref<160000xi32, #tpu.memory_space<hbm>> -> memref<80xi32, #tpu.memory_space<hbm>>
        %dma_start3A_84 = tpu.memref_slice %arg3[%add3A_80] : memref<160000xi32, #tpu.memory_space<hbm>> -> memref<80xi32, #tpu.memory_space<hbm>>
        tpu.enqueue_dma source(%dma_start3A_84 : memref<80xi32, #tpu.memory_space<hbm>>) target(%arg5 : memref<80xi32, #tpu.memory_space<vmem>>) target_semaphore(%run_scoped3A : memref<!tpu.dma_semaphore, #tpu.memory_space<semaphore_mem>>)
        %dma_wait3A = tpu.memref_slice %arg3[%add3A_80] : memref<160000xi32, #tpu.memory_space<hbm>> -> memref<80xi32, #tpu.memory_space<hbm>>
        %dma_wait3A_85 = tpu.memref_slice %arg3[%add3A_80] : memref<160000xi32, #tpu.memory_space<hbm>> -> memref<80xi32, #tpu.memory_space<hbm>>
        tpu.wait_dma2 semaphore(%run_scoped3A : memref<!tpu.dma_semaphore, #tpu.memory_space<semaphore_mem>>) src(%dma_wait3A_85 : memref<80xi32, #tpu.memory_space<hbm>>) dst(%arg5 : memref<80xi32, #tpu.memory_space<vmem>>)
        tpu.yield
      }) : () -> ()
      %add3A_81 = arith.constant 5040 : i32
      %add3A_82 = arith.addi %mul3A_47, %add3A_81 : i32
      "tpu.region"() ({
        %run_scoped3A = tpu.sem_alloc : memref<!tpu.dma_semaphore, #tpu.memory_space<semaphore_mem>>
        %dma_start3A_83 = arith.constant 0 : i32
        %dma_start3A_84 = tpu.memref_slice %arg2[%add3A_82, %dma_start3A_83] : memref<160000x128xf32, #tpu.memory_space<hbm>> -> memref<80x128xf32, #tpu.memory_space<hbm>>
        %dma_start3A_85 = arith.constant 0 : i32
        %dma_start3A_86 = tpu.memref_slice %arg2[%add3A_82, %dma_start3A_85] : memref<160000x128xf32, #tpu.memory_space<hbm>> -> memref<80x128xf32, #tpu.memory_space<hbm>>
        tpu.enqueue_dma source(%dma_start3A_86 : memref<80x128xf32, #tpu.memory_space<hbm>>) target(%arg7 : memref<80x128xf32, #tpu.memory_space<vmem>>) target_semaphore(%run_scoped3A : memref<!tpu.dma_semaphore, #tpu.memory_space<semaphore_mem>>)
        %dma_wait3A = arith.constant 0 : i32
        %dma_wait3A_87 = tpu.memref_slice %arg2[%add3A_82, %dma_wait3A] : memref<160000x128xf32, #tpu.memory_space<hbm>> -> memref<80x128xf32, #tpu.memory_space<hbm>>
        %dma_wait3A_88 = arith.constant 0 : i32
        %dma_wait3A_89 = tpu.memref_slice %arg2[%add3A_82, %dma_wait3A_88] : memref<160000x128xf32, #tpu.memory_space<hbm>> -> memref<80x128xf32, #tpu.memory_space<hbm>>
        tpu.wait_dma2 semaphore(%run_scoped3A : memref<!tpu.dma_semaphore, #tpu.memory_space<semaphore_mem>>) src(%dma_wait3A_89 : memref<80x128xf32, #tpu.memory_space<hbm>>) dst(%arg7 : memref<80x128xf32, #tpu.memory_space<vmem>>)
        tpu.yield
      }) : () -> ()
      "tpu.region"() ({
        %run_scoped3A = tpu.sem_alloc : memref<!tpu.dma_semaphore, #tpu.memory_space<semaphore_mem>>
        %dma_start3A_83 = arith.constant 0 : i32
        %dma_start3A_84 = arith.constant 0 : i32
        %dma_start3A_85 = tpu.memref_slice %arg9[%dma_start3A_83, %dma_start3A_84] : memref<10000x128xf32, #tpu.memory_space<vmem_shared>> -> memref<10000x128xf32, #tpu.memory_space<vmem_shared>>
        tpu.enqueue_indirect_dma source(%arg7 : memref<80x128xf32, #tpu.memory_space<vmem>>) target(%dma_start3A_85 : memref<10000x128xf32, #tpu.memory_space<vmem_shared>>) offsets(%arg5 : memref<80xi32, #tpu.memory_space<vmem>>) semaphore(%run_scoped3A : memref<!tpu.dma_semaphore, #tpu.memory_space<semaphore_mem>>) {add = true}
        %dma_wait3A = arith.constant 0 : i32
        %dma_wait3A_86 = arith.constant 0 : i32
        %dma_wait3A_87 = tpu.memref_slice %arg9[%dma_wait3A, %dma_wait3A_86] : memref<10000x128xf32, #tpu.memory_space<vmem_shared>> -> memref<10000x128xf32, #tpu.memory_space<vmem_shared>>
        tpu.wait_indirect_dma semaphore(%run_scoped3A : memref<!tpu.dma_semaphore, #tpu.memory_space<semaphore_mem>>) src(%arg7 : memref<80x128xf32, #tpu.memory_space<vmem>>) dst(%dma_wait3A_87 : memref<10000x128xf32, #tpu.memory_space<vmem_shared>>)
        tpu.yield
      }) : () -> ()
    } else {
    }
    %barrier3A_68 = arith.constant 0 : index
    tpu.barrier barrier_id(%barrier3A_68)
    %while3A_69 = arith.constant 0 : i32
    %while3A_70 = arith.constant 0 : i32
    %while3A_71 = arith.subi %select_n3A, %while3A_70 : i32
    %while3A_72 = arith.addi %while3A_70, %while3A_71 : i32
    %while3A_73 = arith.constant 1 : i32
    %while3A_74 = arith.divsi %while3A_71, %while3A_73 : i32
    %while3A_75 = arith.muli %while3A_74, %while3A_73 : i32
    %while3A_76 = arith.addi %while3A_70, %while3A_75 : i32
    %while3A_77 = arith.constant 1 : i32
    scf.for %while3A_79 = %while3A_70 to %while3A_76 step %while3A_77  : i32 {
      %mul3A_80 = arith.constant 16 : i32
      %mul3A_81 = arith.muli %while3A_79, %mul3A_80 : i32
      %add3A_82 = arith.addi %arg1, %mul3A_81 : i32
      %mul3A_83 = arith.constant 80 : i32
      %mul3A_84 = arith.muli %add3A_82, %mul3A_83 : i32
      "tpu.region"() ({
        %run_scoped3A = tpu.sem_alloc : memref<!tpu.dma_semaphore, #tpu.memory_space<semaphore_mem>>
        %dma_start3A_88 = arith.constant 0 : i32
        %dma_start3A_89 = tpu.memref_slice %arg9[%mul3A_84, %dma_start3A_88] : memref<10000x128xf32, #tpu.memory_space<vmem_shared>> -> memref<80x128xf32, #tpu.memory_space<vmem_shared>>
        %dma_start3A_90 = arith.constant 0 : i32
        %dma_start3A_91 = tpu.memref_slice %arg9[%mul3A_84, %dma_start3A_90] : memref<10000x128xf32, #tpu.memory_space<vmem_shared>> -> memref<80x128xf32, #tpu.memory_space<vmem_shared>>
        tpu.enqueue_dma source(%dma_start3A_91 : memref<80x128xf32, #tpu.memory_space<vmem_shared>>) target(%arg7 : memref<80x128xf32, #tpu.memory_space<vmem>>) target_semaphore(%run_scoped3A : memref<!tpu.dma_semaphore, #tpu.memory_space<semaphore_mem>>)
        %dma_wait3A = arith.constant 0 : i32
        %dma_wait3A_92 = tpu.memref_slice %arg9[%mul3A_84, %dma_wait3A] : memref<10000x128xf32, #tpu.memory_space<vmem_shared>> -> memref<80x128xf32, #tpu.memory_space<vmem_shared>>
        %dma_wait3A_93 = arith.constant 0 : i32
        %dma_wait3A_94 = tpu.memref_slice %arg9[%mul3A_84, %dma_wait3A_93] : memref<10000x128xf32, #tpu.memory_space<vmem_shared>> -> memref<80x128xf32, #tpu.memory_space<vmem_shared>>
        tpu.wait_dma2 semaphore(%run_scoped3A : memref<!tpu.dma_semaphore, #tpu.memory_space<semaphore_mem>>) src(%dma_wait3A_94 : memref<80x128xf32, #tpu.memory_space<vmem_shared>>) dst(%arg7 : memref<80x128xf32, #tpu.memory_space<vmem>>)
        tpu.yield
      }) : () -> ()
      %mul3A_85 = arith.constant 10000 : i32
      %mul3A_86 = arith.muli %arg0, %mul3A_85 : i32
      %add3A_87 = arith.addi %mul3A_86, %mul3A_84 : i32
      "tpu.region"() ({
        %run_scoped3A = tpu.sem_alloc : memref<!tpu.dma_semaphore, #tpu.memory_space<semaphore_mem>>
        %dma_start3A_88 = arith.constant 0 : i32
        %dma_start3A_89 = tpu.memref_slice %arg4[%add3A_87, %dma_start3A_88] : memref<20000x128xf32, #tpu.memory_space<hbm>> -> memref<80x128xf32, #tpu.memory_space<hbm>>
        %dma_start3A_90 = arith.constant 0 : i32
        %dma_start3A_91 = tpu.memref_slice %arg4[%add3A_87, %dma_start3A_90] : memref<20000x128xf32, #tpu.memory_space<hbm>> -> memref<80x128xf32, #tpu.memory_space<hbm>>
        tpu.enqueue_dma source(%arg7 : memref<80x128xf32, #tpu.memory_space<vmem>>) target(%dma_start3A_91 : memref<80x128xf32, #tpu.memory_space<hbm>>) target_semaphore(%run_scoped3A : memref<!tpu.dma_semaphore, #tpu.memory_space<semaphore_mem>>)
        %dma_wait3A = arith.constant 0 : i32
        %dma_wait3A_92 = tpu.memref_slice %arg4[%add3A_87, %dma_wait3A] : memref<20000x128xf32, #tpu.memory_space<hbm>> -> memref<80x128xf32, #tpu.memory_space<hbm>>
        %dma_wait3A_93 = arith.constant 0 : i32
        %dma_wait3A_94 = tpu.memref_slice %arg4[%add3A_87, %dma_wait3A_93] : memref<20000x128xf32, #tpu.memory_space<hbm>> -> memref<80x128xf32, #tpu.memory_space<hbm>>
        tpu.wait_dma2 semaphore(%run_scoped3A : memref<!tpu.dma_semaphore, #tpu.memory_space<semaphore_mem>>) src(%arg7 : memref<80x128xf32, #tpu.memory_space<vmem>>) dst(%dma_wait3A_94 : memref<80x128xf32, #tpu.memory_space<hbm>>)
        tpu.yield
      }) : () -> ()
    }
    %while3A_78 = arith.constant 1 : i32
    scf.for %while3A_79 = %while3A_76 to %while3A_72 step %while3A_78  : i32 {
      %mul3A_80 = arith.constant 16 : i32
      %mul3A_81 = arith.muli %while3A_79, %mul3A_80 : i32
      %add3A_82 = arith.addi %arg1, %mul3A_81 : i32
      %mul3A_83 = arith.constant 80 : i32
      %mul3A_84 = arith.muli %add3A_82, %mul3A_83 : i32
      "tpu.region"() ({
        %run_scoped3A = tpu.sem_alloc : memref<!tpu.dma_semaphore, #tpu.memory_space<semaphore_mem>>
        %dma_start3A_88 = arith.constant 0 : i32
        %dma_start3A_89 = tpu.memref_slice %arg9[%mul3A_84, %dma_start3A_88] : memref<10000x128xf32, #tpu.memory_space<vmem_shared>> -> memref<80x128xf32, #tpu.memory_space<vmem_shared>>
        %dma_start3A_90 = arith.constant 0 : i32
        %dma_start3A_91 = tpu.memref_slice %arg9[%mul3A_84, %dma_start3A_90] : memref<10000x128xf32, #tpu.memory_space<vmem_shared>> -> memref<80x128xf32, #tpu.memory_space<vmem_shared>>
        tpu.enqueue_dma source(%dma_start3A_91 : memref<80x128xf32, #tpu.memory_space<vmem_shared>>) target(%arg7 : memref<80x128xf32, #tpu.memory_space<vmem>>) target_semaphore(%run_scoped3A : memref<!tpu.dma_semaphore, #tpu.memory_space<semaphore_mem>>)
        %dma_wait3A = arith.constant 0 : i32
        %dma_wait3A_92 = tpu.memref_slice %arg9[%mul3A_84, %dma_wait3A] : memref<10000x128xf32, #tpu.memory_space<vmem_shared>> -> memref<80x128xf32, #tpu.memory_space<vmem_shared>>
        %dma_wait3A_93 = arith.constant 0 : i32
        %dma_wait3A_94 = tpu.memref_slice %arg9[%mul3A_84, %dma_wait3A_93] : memref<10000x128xf32, #tpu.memory_space<vmem_shared>> -> memref<80x128xf32, #tpu.memory_space<vmem_shared>>
        tpu.wait_dma2 semaphore(%run_scoped3A : memref<!tpu.dma_semaphore, #tpu.memory_space<semaphore_mem>>) src(%dma_wait3A_94 : memref<80x128xf32, #tpu.memory_space<vmem_shared>>) dst(%arg7 : memref<80x128xf32, #tpu.memory_space<vmem>>)
        tpu.yield
      }) : () -> ()
      %mul3A_85 = arith.constant 10000 : i32
      %mul3A_86 = arith.muli %arg0, %mul3A_85 : i32
      %add3A_87 = arith.addi %mul3A_86, %mul3A_84 : i32
      "tpu.region"() ({
        %run_scoped3A = tpu.sem_alloc : memref<!tpu.dma_semaphore, #tpu.memory_space<semaphore_mem>>
        %dma_start3A_88 = arith.constant 0 : i32
        %dma_start3A_89 = tpu.memref_slice %arg4[%add3A_87, %dma_start3A_88] : memref<20000x128xf32, #tpu.memory_space<hbm>> -> memref<80x128xf32, #tpu.memory_space<hbm>>
        %dma_start3A_90 = arith.constant 0 : i32
        %dma_start3A_91 = tpu.memref_slice %arg4[%add3A_87, %dma_start3A_90] : memref<20000x128xf32, #tpu.memory_space<hbm>> -> memref<80x128xf32, #tpu.memory_space<hbm>>
        tpu.enqueue_dma source(%arg7 : memref<80x128xf32, #tpu.memory_space<vmem>>) target(%dma_start3A_91 : memref<80x128xf32, #tpu.memory_space<hbm>>) target_semaphore(%run_scoped3A : memref<!tpu.dma_semaphore, #tpu.memory_space<semaphore_mem>>)
        %dma_wait3A = arith.constant 0 : i32
        %dma_wait3A_92 = tpu.memref_slice %arg4[%add3A_87, %dma_wait3A] : memref<20000x128xf32, #tpu.memory_space<hbm>> -> memref<80x128xf32, #tpu.memory_space<hbm>>
        %dma_wait3A_93 = arith.constant 0 : i32
        %dma_wait3A_94 = tpu.memref_slice %arg4[%add3A_87, %dma_wait3A_93] : memref<20000x128xf32, #tpu.memory_space<hbm>> -> memref<80x128xf32, #tpu.memory_space<hbm>>
        tpu.wait_dma2 semaphore(%run_scoped3A : memref<!tpu.dma_semaphore, #tpu.memory_space<semaphore_mem>>) src(%arg7 : memref<80x128xf32, #tpu.memory_space<vmem>>) dst(%dma_wait3A_94 : memref<80x128xf32, #tpu.memory_space<hbm>>)
        tpu.yield
      }) : () -> ()
    }
    return
  }
}

#map = affine_map<(d0, d1) -> (0, 0)>
#map1 = affine_map<(d0, d1) -> (0)>
module attributes {stable_mosaic.version = 14 : i64} {
  func.func @k(%arg0: i32, %arg1: i32, %arg2: memref<160000x128xf32, #tpu.memory_space<hbm>>, %arg3: memref<160000xi32, #tpu.memory_space<hbm>>, %arg4: memref<20000x128xf32, #tpu.memory_space<hbm>>, %arg5: memref<80xi32, #tpu.memory_space<vmem>>, %arg6: memref<80xi32, #tpu.memory_space<vmem>>, %arg7: memref<80x128xf32, #tpu.memory_space<vmem>>, %arg8: memref<80x128xf32, #tpu.memory_space<vmem>>, %arg9: memref<10000x128xf32, #tpu.memory_space<vmem_shared>>, %arg10: memref<!tpu.dma_semaphore, #tpu.memory_space<semaphore_mem>>, %arg11: memref<!tpu.dma_semaphore, #tpu.memory_space<semaphore_mem>>, %arg12: memref<!tpu.dma_semaphore, #tpu.memory_space<semaphore_mem>>, %arg13: memref<!tpu.dma_semaphore, #tpu.memory_space<semaphore_mem>>) attributes {dimension_semantics = [#tpu.dimension_semantics<core_parallel>, #tpu.dimension_semantics<subcore_parallel>], iteration_bounds = array<i64: 2, 16>, scalar_prefetch = 0 : i64, scratch_operands = 9 : i64, tpu.core_type = #tpu.core_type<sc_vector_subcore>, window_params = [{transform_indices = #map}, {transform_indices = #map1}, {transform_indices = #map}]} {
    %broadcast_in_dim3A = arith.constant 0.000000e+00 : f32
    %broadcast_in_dim3A_0 = vector.broadcast %broadcast_in_dim3A : f32 to vector<16xf32>
    %scan3A = arith.constant 0 : i32
    %scan3A_1 = arith.constant 0 : i32
    %scan3A_2 = arith.constant 80 : i32
    %scan3A_3 = arith.addi %scan3A_1, %scan3A_2 : i32
    %scan3A_4 = arith.constant 1 : i32
    scf.for %scan3A_79 = %scan3A_1 to %scan3A_3 step %scan3A_4  : i32 {
      %swap3A = arith.index_cast %scan3A_79 : i32 to index
      %swap3A_80 = arith.constant 0 : index
      %swap3A_81 = tpu.vector_load %arg7[%swap3A, %swap3A_80] {strides = array<i32>} : memref<80x128xf32, #tpu.memory_space<vmem>>, vector<1x16xf32>,
      %swap3A_82 = vector.shape_cast %swap3A_81 : vector<1x16xf32> to vector<16xf32>
      %swap3A_83 = vector.shape_cast %broadcast_in_dim3A_0 : vector<16xf32> to vector<1x16xf32>
      tpu.vector_store %arg7[%swap3A, %swap3A_80], %swap3A_83 {strides = array<i32>} : memref<80x128xf32, #tpu.memory_space<vmem>>, vector<1x16xf32>,
      %swap3A_84 = arith.index_cast %scan3A_79 : i32 to index
      %swap3A_85 = arith.constant 16 : index
      %swap3A_86 = tpu.vector_load %arg7[%swap3A_84, %swap3A_85] {strides = array<i32>} : memref<80x128xf32, #tpu.memory_space<vmem>>, vector<1x16xf32>,
      %swap3A_87 = vector.shape_cast %swap3A_86 : vector<1x16xf32> to vector<16xf32>
      %swap3A_88 = vector.shape_cast %broadcast_in_dim3A_0 : vector<16xf32> to vector<1x16xf32>
      tpu.vector_store %arg7[%swap3A_84, %swap3A_85], %swap3A_88 {strides = array<i32>} : memref<80x128xf32, #tpu.memory_space<vmem>>, vector<1x16xf32>,
      %swap3A_89 = arith.index_cast %scan3A_79 : i32 to index
      %swap3A_90 = arith.constant 32 : index
      %swap3A_91 = tpu.vector_load %arg7[%swap3A_89, %swap3A_90] {strides = array<i32>} : memref<80x128xf32, #tpu.memory_space<vmem>>, vector<1x16xf32>,
      %swap3A_92 = vector.shape_cast %swap3A_91 : vector<1x16xf32> to vector<16xf32>
      %swap3A_93 = vector.shape_cast %broadcast_in_dim3A_0 : vector<16xf32> to vector<1x16xf32>
      tpu.vector_store %arg7[%swap3A_89, %swap3A_90], %swap3A_93 {strides = array<i32>} : memref<80x128xf32, #tpu.memory_space<vmem>>, vector<1x16xf32>,
      %swap3A_94 = arith.index_cast %scan3A_79 : i32 to index
      %swap3A_95 = arith.constant 48 : index
      %swap3A_96 = tpu.vector_load %arg7[%swap3A_94, %swap3A_95] {strides = array<i32>} : memref<80x128xf32, #tpu.memory_space<vmem>>, vector<1x16xf32>,
      %swap3A_97 = vector.shape_cast %swap3A_96 : vector<1x16xf32> to vector<16xf32>
      %swap3A_98 = vector.shape_cast %broadcast_in_dim3A_0 : vector<16xf32> to vector<1x16xf32>
      tpu.vector_store %arg7[%swap3A_94, %swap3A_95], %swap3A_98 {strides = array<i32>} : memref<80x128xf32, #tpu.memory_space<vmem>>, vector<1x16xf32>,
      %swap3A_99 = arith.index_cast %scan3A_79 : i32 to index
      %swap3A_100 = arith.constant 64 : index
      %swap3A_101 = tpu.vector_load %arg7[%swap3A_99, %swap3A_100] {strides = array<i32>} : memref<80x128xf32, #tpu.memory_space<vmem>>, vector<1x16xf32>,
      %swap3A_102 = vector.shape_cast %swap3A_101 : vector<1x16xf32> to vector<16xf32>
      %swap3A_103 = vector.shape_cast %broadcast_in_dim3A_0 : vector<16xf32> to vector<1x16xf32>
      tpu.vector_store %arg7[%swap3A_99, %swap3A_100], %swap3A_103 {strides = array<i32>} : memref<80x128xf32, #tpu.memory_space<vmem>>, vector<1x16xf32>,
      %swap3A_104 = arith.index_cast %scan3A_79 : i32 to index
      %swap3A_105 = arith.constant 80 : index
      %swap3A_106 = tpu.vector_load %arg7[%swap3A_104, %swap3A_105] {strides = array<i32>} : memref<80x128xf32, #tpu.memory_space<vmem>>, vector<1x16xf32>,
      %swap3A_107 = vector.shape_cast %swap3A_106 : vector<1x16xf32> to vector<16xf32>
      %swap3A_108 = vector.shape_cast %broadcast_in_dim3A_0 : vector<16xf32> to vector<1x16xf32>
      tpu.vector_store %arg7[%swap3A_104, %swap3A_105], %swap3A_108 {strides = array<i32>} : memref<80x128xf32, #tpu.memory_space<vmem>>, vector<1x16xf32>,
      %swap3A_109 = arith.index_cast %scan3A_79 : i32 to index
      %swap3A_110 = arith.constant 96 : index
      %swap3A_111 = tpu.vector_load %arg7[%swap3A_109, %swap3A_110] {strides = array<i32>} : memref<80x128xf32, #tpu.memory_space<vmem>>, vector<1x16xf32>,
      %swap3A_112 = vector.shape_cast %swap3A_111 : vector<1x16xf32> to vector<16xf32>
      %swap3A_113 = vector.shape_cast %broadcast_in_dim3A_0 : vector<16xf32> to vector<1x16xf32>
      tpu.vector_store %arg7[%swap3A_109, %swap3A_110], %swap3A_113 {strides = array<i32>} : memref<80x128xf32, #tpu.memory_space<vmem>>, vector<1x16xf32>,
      %swap3A_114 = arith.index_cast %scan3A_79 : i32 to index
      %swap3A_115 = arith.constant 112 : index
      %swap3A_116 = tpu.vector_load %arg7[%swap3A_114, %swap3A_115] {strides = array<i32>} : memref<80x128xf32, #tpu.memory_space<vmem>>, vector<1x16xf32>,
      %swap3A_117 = vector.shape_cast %swap3A_116 : vector<1x16xf32> to vector<16xf32>
      %swap3A_118 = vector.shape_cast %broadcast_in_dim3A_0 : vector<16xf32> to vector<1x16xf32>
      tpu.vector_store %arg7[%swap3A_114, %swap3A_115], %swap3A_118 {strides = array<i32>} : memref<80x128xf32, #tpu.memory_space<vmem>>, vector<1x16xf32>,
    }
    %scan3A_5 = arith.constant 80 : i32
    %sub3A = arith.constant 125 : i32
    %sub3A_6 = arith.subi %sub3A, %arg1 : i32
    %add3A = arith.constant 15 : i32
    %add3A_7 = arith.addi %sub3A_6, %add3A : i32
    %jit3A = arith.constant 16 : i32
    %div3A = arith.divsi %add3A_7, %jit3A : i32
    %sign3A = arith.constant 0 : i32
    %sign3A_8 = arith.cmpi sgt, %add3A_7, %sign3A : i32
    %sign3A_9 = arith.extui %sign3A_8 : i1 to i32
    %sign3A_10 = arith.constant 0 : i32
    %sign3A_11 = arith.cmpi slt, %add3A_7, %sign3A_10 : i32
    %sign3A_12 = arith.extui %sign3A_11 : i1 to i32
    %sign3A_13 = arith.subi %sign3A_9, %sign3A_12 : i32
    %sign3A_14 = arith.constant 0 : i32
    %sign3A_15 = arith.cmpi sgt, %jit3A, %sign3A_14 : i32
    %sign3A_16 = arith.extui %sign3A_15 : i1 to i32
    %sign3A_17 = arith.constant 0 : i32
    %sign3A_18 = arith.cmpi slt, %jit3A, %sign3A_17 : i32
    %sign3A_19 = arith.extui %sign3A_18 : i1 to i32
    %sign3A_20 = arith.subi %sign3A_16, %sign3A_19 : i32
    %ne3A = arith.cmpi ne, %sign3A_13, %sign3A_20 : i32
    %rem3A = arith.remsi %add3A_7, %jit3A : i32
    %ne3A_21 = arith.constant 0 : i32
    %ne3A_22 = arith.cmpi ne, %rem3A, %ne3A_21 : i32
    %and3A = arith.andi %ne3A, %ne3A_22 : i1
    %sub3A_23 = arith.constant 1 : i32
    %sub3A_24 = arith.subi %div3A, %sub3A_23 : i32
    %select_n3A = arith.select %and3A, %sub3A_24, %div3A : i32
    %while3A = arith.constant 0 : i32
    %while3A_25 = arith.constant 0 : i32
    %while3A_26 = arith.subi %select_n3A, %while3A_25 : i32
    %while3A_27 = arith.addi %while3A_25, %while3A_26 : i32
    %while3A_28 = arith.constant 1 : i32
    %while3A_29 = arith.divsi %while3A_26, %while3A_28 : i32
    %while3A_30 = arith.muli %while3A_29, %while3A_28 : i32
    %while3A_31 = arith.addi %while3A_25, %while3A_30 : i32
    %while3A_32 = arith.constant 1 : i32
    scf.for %while3A_79 = %while3A_25 to %while3A_31 step %while3A_32  : i32 {
      %mul3A_80 = arith.constant 16 : i32
      %mul3A_81 = arith.muli %while3A_79, %mul3A_80 : i32
      %add3A_82 = arith.addi %arg1, %mul3A_81 : i32
      %mul3A_83 = arith.constant 80 : i32
      %mul3A_84 = arith.muli %add3A_82, %mul3A_83 : i32
      "tpu.region"() ({
        %run_scoped3A = tpu.sem_alloc : memref<!tpu.dma_semaphore, #tpu.memory_space<semaphore_mem>>
        %dma_start3A_85 = arith.constant 0 : i32
        %dma_start3A_86 = tpu.memref_slice %arg9[%mul3A_84, %dma_start3A_85] : memref<10000x128xf32, #tpu.memory_space<vmem_shared>> -> memref<80x128xf32, #tpu.memory_space<vmem_shared>>
        %dma_start3A_87 = arith.constant 0 : i32
        %dma_start3A_88 = tpu.memref_slice %arg9[%mul3A_84, %dma_start3A_87] : memref<10000x128xf32, #tpu.memory_space<vmem_shared>> -> memref<80x128xf32, #tpu.memory_space<vmem_shared>>
        tpu.enqueue_dma source(%arg7 : memref<80x128xf32, #tpu.memory_space<vmem>>) target(%dma_start3A_88 : memref<80x128xf32, #tpu.memory_space<vmem_shared>>) target_semaphore(%run_scoped3A : memref<!tpu.dma_semaphore, #tpu.memory_space<semaphore_mem>>)
        %dma_wait3A = arith.constant 0 : i32
        %dma_wait3A_89 = tpu.memref_slice %arg9[%mul3A_84, %dma_wait3A] : memref<10000x128xf32, #tpu.memory_space<vmem_shared>> -> memref<80x128xf32, #tpu.memory_space<vmem_shared>>
        %dma_wait3A_90 = arith.constant 0 : i32
        %dma_wait3A_91 = tpu.memref_slice %arg9[%mul3A_84, %dma_wait3A_90] : memref<10000x128xf32, #tpu.memory_space<vmem_shared>> -> memref<80x128xf32, #tpu.memory_space<vmem_shared>>
        tpu.wait_dma2 semaphore(%run_scoped3A : memref<!tpu.dma_semaphore, #tpu.memory_space<semaphore_mem>>) src(%arg7 : memref<80x128xf32, #tpu.memory_space<vmem>>) dst(%dma_wait3A_91 : memref<80x128xf32, #tpu.memory_space<vmem_shared>>)
        tpu.yield
      }) : () -> ()
    }
    %while3A_33 = arith.constant 1 : i32
    scf.for %while3A_79 = %while3A_31 to %while3A_27 step %while3A_33  : i32 {
      %mul3A_80 = arith.constant 16 : i32
      %mul3A_81 = arith.muli %while3A_79, %mul3A_80 : i32
      %add3A_82 = arith.addi %arg1, %mul3A_81 : i32
      %mul3A_83 = arith.constant 80 : i32
      %mul3A_84 = arith.muli %add3A_82, %mul3A_83 : i32
      "tpu.region"() ({
        %run_scoped3A = tpu.sem_alloc : memref<!tpu.dma_semaphore, #tpu.memory_space<semaphore_mem>>
        %dma_start3A_85 = arith.constant 0 : i32
        %dma_start3A_86 = tpu.memref_slice %arg9[%mul3A_84, %dma_start3A_85] : memref<10000x128xf32, #tpu.memory_space<vmem_shared>> -> memref<80x128xf32, #tpu.memory_space<vmem_shared>>
        %dma_start3A_87 = arith.constant 0 : i32
        %dma_start3A_88 = tpu.memref_slice %arg9[%mul3A_84, %dma_start3A_87] : memref<10000x128xf32, #tpu.memory_space<vmem_shared>> -> memref<80x128xf32, #tpu.memory_space<vmem_shared>>
        tpu.enqueue_dma source(%arg7 : memref<80x128xf32, #tpu.memory_space<vmem>>) target(%dma_start3A_88 : memref<80x128xf32, #tpu.memory_space<vmem_shared>>) target_semaphore(%run_scoped3A : memref<!tpu.dma_semaphore, #tpu.memory_space<semaphore_mem>>)
        %dma_wait3A = arith.constant 0 : i32
        %dma_wait3A_89 = tpu.memref_slice %arg9[%mul3A_84, %dma_wait3A] : memref<10000x128xf32, #tpu.memory_space<vmem_shared>> -> memref<80x128xf32, #tpu.memory_space<vmem_shared>>
        %dma_wait3A_90 = arith.constant 0 : i32
        %dma_wait3A_91 = tpu.memref_slice %arg9[%mul3A_84, %dma_wait3A_90] : memref<10000x128xf32, #tpu.memory_space<vmem_shared>> -> memref<80x128xf32, #tpu.memory_space<vmem_shared>>
        tpu.wait_dma2 semaphore(%run_scoped3A : memref<!tpu.dma_semaphore, #tpu.memory_space<semaphore_mem>>) src(%arg7 : memref<80x128xf32, #tpu.memory_space<vmem>>) dst(%dma_wait3A_91 : memref<80x128xf32, #tpu.memory_space<vmem_shared>>)
        tpu.yield
      }) : () -> ()
    }
    %mul3A = arith.constant 16 : i32
    %mul3A_34 = arith.muli %arg0, %mul3A : i32
    %add3A_35 = arith.addi %mul3A_34, %arg1 : i32
    %lt3A = arith.constant 16 : i32
    %lt3A_36 = arith.cmpi slt, %add3A_35, %lt3A : i32
    %jit3A_37 = arith.constant 1 : i32
    %jit3A_38 = arith.constant 0 : i32
    %select_n3A_39 = arith.select %lt3A_36, %jit3A_37, %jit3A_38 : i32
    %add3A_40 = arith.constant 62 : i32
    %add3A_41 = arith.addi %add3A_40, %select_n3A_39 : i32
    %mul3A_42 = arith.constant 62 : i32
    %mul3A_43 = arith.muli %mul3A_42, %add3A_35 : i32
    %min3A = arith.constant 16 : i32
    %min3A_44 = arith.minsi %add3A_35, %min3A : i32
    %add3A_45 = arith.addi %mul3A_43, %min3A_44 : i32
    %mul3A_46 = arith.constant 80 : i32
    %mul3A_47 = arith.muli %mul3A_46, %add3A_45 : i32
    %barrier3A = arith.constant 0 : index
    tpu.barrier barrier_id(%barrier3A)
    %add3A_48 = arith.constant 0 : i32
    %add3A_49 = arith.addi %mul3A_47, %add3A_48 : i32
    "tpu.region"() ({
      %run_scoped3A = tpu.sem_alloc : memref<!tpu.dma_semaphore, #tpu.memory_space<semaphore_mem>>
      %dma_start3A_79 = tpu.memref_slice %arg3[%add3A_49] : memref<160000xi32, #tpu.memory_space<hbm>> -> memref<80xi32, #tpu.memory_space<hbm>>
      %dma_start3A_80 = tpu.memref_slice %arg3[%add3A_49] : memref<160000xi32, #tpu.memory_space<hbm>> -> memref<80xi32, #tpu.memory_space<hbm>>
      tpu.enqueue_dma source(%dma_start3A_80 : memref<80xi32, #tpu.memory_space<hbm>>) target(%arg5 : memref<80xi32, #tpu.memory_space<vmem>>) target_semaphore(%run_scoped3A : memref<!tpu.dma_semaphore, #tpu.memory_space<semaphore_mem>>)
      %dma_wait3A = tpu.memref_slice %arg3[%add3A_49] : memref<160000xi32, #tpu.memory_space<hbm>> -> memref<80xi32, #tpu.memory_space<hbm>>
      %dma_wait3A_81 = tpu.memref_slice %arg3[%add3A_49] : memref<160000xi32, #tpu.memory_space<hbm>> -> memref<80xi32, #tpu.memory_space<hbm>>
      tpu.wait_dma2 semaphore(%run_scoped3A : memref<!tpu.dma_semaphore, #tpu.memory_space<semaphore_mem>>) src(%dma_wait3A_81 : memref<80xi32, #tpu.memory_space<hbm>>) dst(%arg5 : memref<80xi32, #tpu.memory_space<vmem>>)
      tpu.yield
    }) : () -> ()
    %add3A_50 = arith.constant 0 : i32
    %add3A_51 = arith.addi %mul3A_47, %add3A_50 : i32
    %dma_start3A = arith.constant 0 : i32
    %dma_start3A_52 = tpu.memref_slice %arg2[%add3A_51, %dma_start3A] : memref<160000x128xf32, #tpu.memory_space<hbm>> -> memref<80x128xf32, #tpu.memory_space<hbm>>
    %dma_start3A_53 = arith.constant 0 : i32
    %dma_start3A_54 = tpu.memref_slice %arg2[%add3A_51, %dma_start3A_53] : memref<160000x128xf32, #tpu.memory_space<hbm>> -> memref<80x128xf32, #tpu.memory_space<hbm>>
    tpu.enqueue_dma source(%dma_start3A_54 : memref<80x128xf32, #tpu.memory_space<hbm>>) target(%arg7 : memref<80x128xf32, #tpu.memory_space<vmem>>) target_semaphore(%arg10 : memref<!tpu.dma_semaphore, #tpu.memory_space<semaphore_mem>>)
    %scan3A_55 = arith.constant 0 : i32
    %scan3A_56 = arith.constant 0 : i32
    %scan3A_57 = arith.constant 31 : i32
    %scan3A_58 = arith.addi %scan3A_56, %scan3A_57 : i32
    %scan3A_59 = arith.constant 1 : i32
    scf.for %scan3A_79 = %scan3A_56 to %scan3A_58 step %scan3A_59  : i32 {
      %mul3A_80 = arith.constant 2 : i32
      %mul3A_81 = arith.muli %mul3A_80, %scan3A_79 : i32
      %add3A_82 = arith.constant 1 : i32
      %add3A_83 = arith.addi %mul3A_81, %add3A_82 : i32
      %mul3A_84 = arith.constant 80 : i32
      %mul3A_85 = arith.muli %add3A_83, %mul3A_84 : i32
      %add3A_86 = arith.addi %mul3A_47, %mul3A_85 : i32
      %dma_start3A_87 = arith.constant 0 : i32
      %dma_start3A_88 = tpu.memref_slice %arg2[%add3A_86, %dma_start3A_87] : memref<160000x128xf32, #tpu.memory_space<hbm>> -> memref<80x128xf32, #tpu.memory_space<hbm>>
      %dma_start3A_89 = arith.constant 0 : i32
      %dma_start3A_90 = tpu.memref_slice %arg2[%add3A_86, %dma_start3A_89] : memref<160000x128xf32, #tpu.memory_space<hbm>> -> memref<80x128xf32, #tpu.memory_space<hbm>>
      tpu.enqueue_dma source(%dma_start3A_90 : memref<80x128xf32, #tpu.memory_space<hbm>>) target(%arg8 : memref<80x128xf32, #tpu.memory_space<vmem>>) target_semaphore(%arg11 : memref<!tpu.dma_semaphore, #tpu.memory_space<semaphore_mem>>)
      %mul3A_91 = arith.constant 80 : i32
      %mul3A_92 = arith.muli %add3A_83, %mul3A_91 : i32
      %add3A_93 = arith.addi %mul3A_47, %mul3A_92 : i32
      "tpu.region"() ({
        %run_scoped3A = tpu.sem_alloc : memref<!tpu.dma_semaphore, #tpu.memory_space<semaphore_mem>>
        %dma_start3A_112 = tpu.memref_slice %arg3[%add3A_93] : memref<160000xi32, #tpu.memory_space<hbm>> -> memref<80xi32, #tpu.memory_space<hbm>>
        %dma_start3A_113 = tpu.memref_slice %arg3[%add3A_93] : memref<160000xi32, #tpu.memory_space<hbm>> -> memref<80xi32, #tpu.memory_space<hbm>>
        tpu.enqueue_dma source(%dma_start3A_113 : memref<80xi32, #tpu.memory_space<hbm>>) target(%arg6 : memref<80xi32, #tpu.memory_space<vmem>>) target_semaphore(%run_scoped3A : memref<!tpu.dma_semaphore, #tpu.memory_space<semaphore_mem>>)
        %dma_wait3A_114 = tpu.memref_slice %arg3[%add3A_93] : memref<160000xi32, #tpu.memory_space<hbm>> -> memref<80xi32, #tpu.memory_space<hbm>>
        %dma_wait3A_115 = tpu.memref_slice %arg3[%add3A_93] : memref<160000xi32, #tpu.memory_space<hbm>> -> memref<80xi32, #tpu.memory_space<hbm>>
        tpu.wait_dma2 semaphore(%run_scoped3A : memref<!tpu.dma_semaphore, #tpu.memory_space<semaphore_mem>>) src(%dma_wait3A_115 : memref<80xi32, #tpu.memory_space<hbm>>) dst(%arg6 : memref<80xi32, #tpu.memory_space<vmem>>)
        tpu.yield
      }) : () -> ()
      %mul3A_94 = arith.constant 80 : i32
      %mul3A_95 = arith.muli %mul3A_81, %mul3A_94 : i32
      %add3A_96 = arith.addi %mul3A_47, %mul3A_95 : i32
      %dma_wait3A = arith.constant 0 : i32
      %dma_wait3A_97 = tpu.memref_slice %arg2[%add3A_96, %dma_wait3A] : memref<160000x128xf32, #tpu.memory_space<hbm>> -> memref<80x128xf32, #tpu.memory_space<hbm>>
      %dma_wait3A_98 = arith.constant 0 : i32
      %dma_wait3A_99 = tpu.memref_slice %arg2[%add3A_96, %dma_wait3A_98] : memref<160000x128xf32, #tpu.memory_space<hbm>> -> memref<80x128xf32, #tpu.memory_space<hbm>>
      tpu.wait_dma2 semaphore(%arg10 : memref<!tpu.dma_semaphore, #tpu.memory_space<semaphore_mem>>) src(%dma_wait3A_99 : memref<80x128xf32, #tpu.memory_space<hbm>>) dst(%arg7 : memref<80x128xf32, #tpu.memory_space<vmem>>)
      "tpu.region"() ({
        %run_scoped3A = tpu.sem_alloc : memref<!tpu.dma_semaphore, #tpu.memory_space<semaphore_mem>>
        %dma_start3A_112 = arith.constant 0 : i32
        %dma_start3A_113 = arith.constant 0 : i32
        %dma_start3A_114 = tpu.memref_slice %arg9[%dma_start3A_112, %dma_start3A_113] : memref<10000x128xf32, #tpu.memory_space<vmem_shared>> -> memref<10000x128xf32, #tpu.memory_space<vmem_shared>>
        tpu.enqueue_indirect_dma source(%arg7 : memref<80x128xf32, #tpu.memory_space<vmem>>) target(%dma_start3A_114 : memref<10000x128xf32, #tpu.memory_space<vmem_shared>>) offsets(%arg5 : memref<80xi32, #tpu.memory_space<vmem>>) semaphore(%run_scoped3A : memref<!tpu.dma_semaphore, #tpu.memory_space<semaphore_mem>>) {add = true}
        %dma_wait3A_115 = arith.constant 0 : i32
        %dma_wait3A_116 = arith.constant 0 : i32
        %dma_wait3A_117 = tpu.memref_slice %arg9[%dma_wait3A_115, %dma_wait3A_116] : memref<10000x128xf32, #tpu.memory_space<vmem_shared>> -> memref<10000x128xf32, #tpu.memory_space<vmem_shared>>
        tpu.wait_indirect_dma semaphore(%run_scoped3A : memref<!tpu.dma_semaphore, #tpu.memory_space<semaphore_mem>>) src(%arg7 : memref<80x128xf32, #tpu.memory_space<vmem>>) dst(%dma_wait3A_117 : memref<10000x128xf32, #tpu.memory_space<vmem_shared>>)
        tpu.yield
      }) : () -> ()
      %lt3A_100 = arith.constant 30 : i32
      %lt3A_101 = arith.cmpi slt, %scan3A_79, %lt3A_100 : i32
      %convert_element_type3A_102 = arith.extui %lt3A_101 : i1 to i32
      %cond3A_103 = arith.constant 0 : i32
      %cond3A_104 = arith.cmpi ne, %convert_element_type3A_102, %cond3A_103 : i32
      scf.if %cond3A_104 {
        %add3A_112 = arith.constant 2 : i32
        %add3A_113 = arith.addi %mul3A_81, %add3A_112 : i32
        %mul3A_114 = arith.constant 80 : i32
        %mul3A_115 = arith.muli %add3A_113, %mul3A_114 : i32
        %add3A_116 = arith.addi %mul3A_47, %mul3A_115 : i32
        %dma_start3A_117 = arith.constant 0 : i32
        %dma_start3A_118 = tpu.memref_slice %arg2[%add3A_116, %dma_start3A_117] : memref<160000x128xf32, #tpu.memory_space<hbm>> -> memref<80x128xf32, #tpu.memory_space<hbm>>
        %dma_start3A_119 = arith.constant 0 : i32
        %dma_start3A_120 = tpu.memref_slice %arg2[%add3A_116, %dma_start3A_119] : memref<160000x128xf32, #tpu.memory_space<hbm>> -> memref<80x128xf32, #tpu.memory_space<hbm>>
        tpu.enqueue_dma source(%dma_start3A_120 : memref<80x128xf32, #tpu.memory_space<hbm>>) target(%arg7 : memref<80x128xf32, #tpu.memory_space<vmem>>) target_semaphore(%arg10 : memref<!tpu.dma_semaphore, #tpu.memory_space<semaphore_mem>>)
        %add3A_121 = arith.constant 2 : i32
        %add3A_122 = arith.addi %mul3A_81, %add3A_121 : i32
        %mul3A_123 = arith.constant 80 : i32
        %mul3A_124 = arith.muli %add3A_122, %mul3A_123 : i32
        %add3A_125 = arith.addi %mul3A_47, %mul3A_124 : i32
        "tpu.region"() ({
          %run_scoped3A = tpu.sem_alloc : memref<!tpu.dma_semaphore, #tpu.memory_space<semaphore_mem>>
          %dma_start3A_126 = tpu.memref_slice %arg3[%add3A_125] : memref<160000xi32, #tpu.memory_space<hbm>> -> memref<80xi32, #tpu.memory_space<hbm>>
          %dma_start3A_127 = tpu.memref_slice %arg3[%add3A_125] : memref<160000xi32, #tpu.memory_space<hbm>> -> memref<80xi32, #tpu.memory_space<hbm>>
          tpu.enqueue_dma source(%dma_start3A_127 : memref<80xi32, #tpu.memory_space<hbm>>) target(%arg5 : memref<80xi32, #tpu.memory_space<vmem>>) target_semaphore(%run_scoped3A : memref<!tpu.dma_semaphore, #tpu.memory_space<semaphore_mem>>)
          %dma_wait3A_128 = tpu.memref_slice %arg3[%add3A_125] : memref<160000xi32, #tpu.memory_space<hbm>> -> memref<80xi32, #tpu.memory_space<hbm>>
          %dma_wait3A_129 = tpu.memref_slice %arg3[%add3A_125] : memref<160000xi32, #tpu.memory_space<hbm>> -> memref<80xi32, #tpu.memory_space<hbm>>
          tpu.wait_dma2 semaphore(%run_scoped3A : memref<!tpu.dma_semaphore, #tpu.memory_space<semaphore_mem>>) src(%dma_wait3A_129 : memref<80xi32, #tpu.memory_space<hbm>>) dst(%arg5 : memref<80xi32, #tpu.memory_space<vmem>>)
          tpu.yield
        }) : () -> ()
      } else {
      }
      %mul3A_105 = arith.constant 80 : i32
      %mul3A_106 = arith.muli %add3A_83, %mul3A_105 : i32
      %add3A_107 = arith.addi %mul3A_47, %mul3A_106 : i32
      %dma_wait3A_108 = arith.constant 0 : i32
      %dma_wait3A_109 = tpu.memref_slice %arg2[%add3A_107, %dma_wait3A_108] : memref<160000x128xf32, #tpu.memory_space<hbm>> -> memref<80x128xf32, #tpu.memory_space<hbm>>
      %dma_wait3A_110 = arith.constant 0 : i32
      %dma_wait3A_111 = tpu.memref_slice %arg2[%add3A_107, %dma_wait3A_110] : memref<160000x128xf32, #tpu.memory_space<hbm>> -> memref<80x128xf32, #tpu.memory_space<hbm>>
      tpu.wait_dma2 semaphore(%arg11 : memref<!tpu.dma_semaphore, #tpu.memory_space<semaphore_mem>>) src(%dma_wait3A_111 : memref<80x128xf32, #tpu.memory_space<hbm>>) dst(%arg8 : memref<80x128xf32, #tpu.memory_space<vmem>>)
      "tpu.region"() ({
        %run_scoped3A = tpu.sem_alloc : memref<!tpu.dma_semaphore, #tpu.memory_space<semaphore_mem>>
        %dma_start3A_112 = arith.constant 0 : i32
        %dma_start3A_113 = arith.constant 0 : i32
        %dma_start3A_114 = tpu.memref_slice %arg9[%dma_start3A_112, %dma_start3A_113] : memref<10000x128xf32, #tpu.memory_space<vmem_shared>> -> memref<10000x128xf32, #tpu.memory_space<vmem_shared>>
        tpu.enqueue_indirect_dma source(%arg8 : memref<80x128xf32, #tpu.memory_space<vmem>>) target(%dma_start3A_114 : memref<10000x128xf32, #tpu.memory_space<vmem_shared>>) offsets(%arg6 : memref<80xi32, #tpu.memory_space<vmem>>) semaphore(%run_scoped3A : memref<!tpu.dma_semaphore, #tpu.memory_space<semaphore_mem>>) {add = true}
        %dma_wait3A_115 = arith.constant 0 : i32
        %dma_wait3A_116 = arith.constant 0 : i32
        %dma_wait3A_117 = tpu.memref_slice %arg9[%dma_wait3A_115, %dma_wait3A_116] : memref<10000x128xf32, #tpu.memory_space<vmem_shared>> -> memref<10000x128xf32, #tpu.memory_space<vmem_shared>>
        tpu.wait_indirect_dma semaphore(%run_scoped3A : memref<!tpu.dma_semaphore, #tpu.memory_space<semaphore_mem>>) src(%arg8 : memref<80x128xf32, #tpu.memory_space<vmem>>) dst(%dma_wait3A_117 : memref<10000x128xf32, #tpu.memory_space<vmem_shared>>)
        tpu.yield
      }) : () -> ()
    }
    %scan3A_60 = arith.constant 31 : i32
    %gt3A = arith.constant 62 : i32
    %gt3A_61 = arith.cmpi sgt, %add3A_41, %gt3A : i32
    %convert_element_type3A = arith.extui %gt3A_61 : i1 to i32
    %cond3A = arith.constant 0 : i32
    %cond3A_62 = arith.cmpi ne, %convert_element_type3A, %cond3A : i32
    scf.if %cond3A_62 {
      %add3A_79 = arith.constant 4960 : i32
      %add3A_80 = arith.addi %mul3A_47, %add3A_79 : i32
      "tpu.region"() ({
        %run_scoped3A = tpu.sem_alloc : memref<!tpu.dma_semaphore, #tpu.memory_space<semaphore_mem>>
        %dma_start3A_83 = tpu.memref_slice %arg3[%add3A_80] : memref<160000xi32, #tpu.memory_space<hbm>> -> memref<80xi32, #tpu.memory_space<hbm>>
        %dma_start3A_84 = tpu.memref_slice %arg3[%add3A_80] : memref<160000xi32, #tpu.memory_space<hbm>> -> memref<80xi32, #tpu.memory_space<hbm>>
        tpu.enqueue_dma source(%dma_start3A_84 : memref<80xi32, #tpu.memory_space<hbm>>) target(%arg5 : memref<80xi32, #tpu.memory_space<vmem>>) target_semaphore(%run_scoped3A : memref<!tpu.dma_semaphore, #tpu.memory_space<semaphore_mem>>)
        %dma_wait3A = tpu.memref_slice %arg3[%add3A_80] : memref<160000xi32, #tpu.memory_space<hbm>> -> memref<80xi32, #tpu.memory_space<hbm>>
        %dma_wait3A_85 = tpu.memref_slice %arg3[%add3A_80] : memref<160000xi32, #tpu.memory_space<hbm>> -> memref<80xi32, #tpu.memory_space<hbm>>
        tpu.wait_dma2 semaphore(%run_scoped3A : memref<!tpu.dma_semaphore, #tpu.memory_space<semaphore_mem>>) src(%dma_wait3A_85 : memref<80xi32, #tpu.memory_space<hbm>>) dst(%arg5 : memref<80xi32, #tpu.memory_space<vmem>>)
        tpu.yield
      }) : () -> ()
      %add3A_81 = arith.constant 4960 : i32
      %add3A_82 = arith.addi %mul3A_47, %add3A_81 : i32
      "tpu.region"() ({
        %run_scoped3A = tpu.sem_alloc : memref<!tpu.dma_semaphore, #tpu.memory_space<semaphore_mem>>
        %dma_start3A_83 = arith.constant 0 : i32
        %dma_start3A_84 = tpu.memref_slice %arg2[%add3A_82, %dma_start3A_83] : memref<160000x128xf32, #tpu.memory_space<hbm>> -> memref<80x128xf32, #tpu.memory_space<hbm>>
        %dma_start3A_85 = arith.constant 0 : i32
        %dma_start3A_86 = tpu.memref_slice %arg2[%add3A_82, %dma_start3A_85] : memref<160000x128xf32, #tpu.memory_space<hbm>> -> memref<80x128xf32, #tpu.memory_space<hbm>>
        tpu.enqueue_dma source(%dma_start3A_86 : memref<80x128xf32, #tpu.memory_space<hbm>>) target(%arg7 : memref<80x128xf32, #tpu.memory_space<vmem>>) target_semaphore(%run_scoped3A : memref<!tpu.dma_semaphore, #tpu.memory_space<semaphore_mem>>)
        %dma_wait3A = arith.constant 0 : i32
        %dma_wait3A_87 = tpu.memref_slice %arg2[%add3A_82, %dma_wait3A] : memref<160000x128xf32, #tpu.memory_space<hbm>> -> memref<80x128xf32, #tpu.memory_space<hbm>>
        %dma_wait3A_88 = arith.constant 0 : i32
        %dma_wait3A_89 = tpu.memref_slice %arg2[%add3A_82, %dma_wait3A_88] : memref<160000x128xf32, #tpu.memory_space<hbm>> -> memref<80x128xf32, #tpu.memory_space<hbm>>
        tpu.wait_dma2 semaphore(%run_scoped3A : memref<!tpu.dma_semaphore, #tpu.memory_space<semaphore_mem>>) src(%dma_wait3A_89 : memref<80x128xf32, #tpu.memory_space<hbm>>) dst(%arg7 : memref<80x128xf32, #tpu.memory_space<vmem>>)
        tpu.yield
      }) : () -> ()
      "tpu.region"() ({
        %run_scoped3A = tpu.sem_alloc : memref<!tpu.dma_semaphore, #tpu.memory_space<semaphore_mem>>
        %dma_start3A_83 = arith.constant 0 : i32
        %dma_start3A_84 = arith.constant 0 : i32
        %dma_start3A_85 = tpu.memref_slice %arg9[%dma_start3A_83, %dma_start3A_84] : memref<10000x128xf32, #tpu.memory_space<vmem_shared>> -> memref<10000x128xf32, #tpu.memory_space<vmem_shared>>
        tpu.enqueue_indirect_dma source(%arg7 : memref<80x128xf32, #tpu.memory_space<vmem>>) target(%dma_start3A_85 : memref<10000x128xf32, #tpu.memory_space<vmem_shared>>) offsets(%arg5 : memref<80xi32, #tpu.memory_space<vmem>>) semaphore(%run_scoped3A : memref<!tpu.dma_semaphore, #tpu.memory_space<semaphore_mem>>) {add = true}
        %dma_wait3A = arith.constant 0 : i32
        %dma_wait3A_86 = arith.constant 0 : i32
        %dma_wait3A_87 = tpu.memref_slice %arg9[%dma_wait3A, %dma_wait3A_86] : memref<10000x128xf32, #tpu.memory_space<vmem_shared>> -> memref<10000x128xf32, #tpu.memory_space<vmem_shared>>
        tpu.wait_indirect_dma semaphore(%run_scoped3A : memref<!tpu.dma_semaphore, #tpu.memory_space<semaphore_mem>>) src(%arg7 : memref<80x128xf32, #tpu.memory_space<vmem>>) dst(%dma_wait3A_87 : memref<10000x128xf32, #tpu.memory_space<vmem_shared>>)
        tpu.yield
      }) : () -> ()
    } else {
    }
    %gt3A_63 = arith.constant 63 : i32
    %gt3A_64 = arith.cmpi sgt, %add3A_41, %gt3A_63 : i32
    %convert_element_type3A_65 = arith.extui %gt3A_64 : i1 to i32
    %cond3A_66 = arith.constant 0 : i32
    %cond3A_67 = arith.cmpi ne, %convert_element_type3A_65, %cond3A_66 : i32
    scf.if %cond3A_67 {
      %add3A_79 = arith.constant 5040 : i32
      %add3A_80 = arith.addi %mul3A_47, %add3A_79 : i32
      "tpu.region"() ({
        %run_scoped3A = tpu.sem_alloc : memref<!tpu.dma_semaphore, #tpu.memory_space<semaphore_mem>>
        %dma_start3A_83 = tpu.memref_slice %arg3[%add3A_80] : memref<160000xi32, #tpu.memory_space<hbm>> -> memref<80xi32, #tpu.memory_space<hbm>>
        %dma_start3A_84 = tpu.memref_slice %arg3[%add3A_80] : memref<160000xi32, #tpu.memory_space<hbm>> -> memref<80xi32, #tpu.memory_space<hbm>>
        tpu.enqueue_dma source(%dma_start3A_84 : memref<80xi32, #tpu.memory_space<hbm>>) target(%arg5 : memref<80xi32, #tpu.memory_space<vmem>>) target_semaphore(%run_scoped3A : memref<!tpu.dma_semaphore, #tpu.memory_space<semaphore_mem>>)
        %dma_wait3A = tpu.memref_slice %arg3[%add3A_80] : memref<160000xi32, #tpu.memory_space<hbm>> -> memref<80xi32, #tpu.memory_space<hbm>>
        %dma_wait3A_85 = tpu.memref_slice %arg3[%add3A_80] : memref<160000xi32, #tpu.memory_space<hbm>> -> memref<80xi32, #tpu.memory_space<hbm>>
        tpu.wait_dma2 semaphore(%run_scoped3A : memref<!tpu.dma_semaphore, #tpu.memory_space<semaphore_mem>>) src(%dma_wait3A_85 : memref<80xi32, #tpu.memory_space<hbm>>) dst(%arg5 : memref<80xi32, #tpu.memory_space<vmem>>)
        tpu.yield
      }) : () -> ()
      %add3A_81 = arith.constant 5040 : i32
      %add3A_82 = arith.addi %mul3A_47, %add3A_81 : i32
      "tpu.region"() ({
        %run_scoped3A = tpu.sem_alloc : memref<!tpu.dma_semaphore, #tpu.memory_space<semaphore_mem>>
        %dma_start3A_83 = arith.constant 0 : i32
        %dma_start3A_84 = tpu.memref_slice %arg2[%add3A_82, %dma_start3A_83] : memref<160000x128xf32, #tpu.memory_space<hbm>> -> memref<80x128xf32, #tpu.memory_space<hbm>>
        %dma_start3A_85 = arith.constant 0 : i32
        %dma_start3A_86 = tpu.memref_slice %arg2[%add3A_82, %dma_start3A_85] : memref<160000x128xf32, #tpu.memory_space<hbm>> -> memref<80x128xf32, #tpu.memory_space<hbm>>
        tpu.enqueue_dma source(%dma_start3A_86 : memref<80x128xf32, #tpu.memory_space<hbm>>) target(%arg7 : memref<80x128xf32, #tpu.memory_space<vmem>>) target_semaphore(%run_scoped3A : memref<!tpu.dma_semaphore, #tpu.memory_space<semaphore_mem>>)
        %dma_wait3A = arith.constant 0 : i32
        %dma_wait3A_87 = tpu.memref_slice %arg2[%add3A_82, %dma_wait3A] : memref<160000x128xf32, #tpu.memory_space<hbm>> -> memref<80x128xf32, #tpu.memory_space<hbm>>
        %dma_wait3A_88 = arith.constant 0 : i32
        %dma_wait3A_89 = tpu.memref_slice %arg2[%add3A_82, %dma_wait3A_88] : memref<160000x128xf32, #tpu.memory_space<hbm>> -> memref<80x128xf32, #tpu.memory_space<hbm>>
        tpu.wait_dma2 semaphore(%run_scoped3A : memref<!tpu.dma_semaphore, #tpu.memory_space<semaphore_mem>>) src(%dma_wait3A_89 : memref<80x128xf32, #tpu.memory_space<hbm>>) dst(%arg7 : memref<80x128xf32, #tpu.memory_space<vmem>>)
        tpu.yield
      }) : () -> ()
      "tpu.region"() ({
        %run_scoped3A = tpu.sem_alloc : memref<!tpu.dma_semaphore, #tpu.memory_space<semaphore_mem>>
        %dma_start3A_83 = arith.constant 0 : i32
        %dma_start3A_84 = arith.constant 0 : i32
        %dma_start3A_85 = tpu.memref_slice %arg9[%dma_start3A_83, %dma_start3A_84] : memref<10000x128xf32, #tpu.memory_space<vmem_shared>> -> memref<10000x128xf32, #tpu.memory_space<vmem_shared>>
        tpu.enqueue_indirect_dma source(%arg7 : memref<80x128xf32, #tpu.memory_space<vmem>>) target(%dma_start3A_85 : memref<10000x128xf32, #tpu.memory_space<vmem_shared>>) offsets(%arg5 : memref<80xi32, #tpu.memory_space<vmem>>) semaphore(%run_scoped3A : memref<!tpu.dma_semaphore, #tpu.memory_space<semaphore_mem>>) {add = true}
        %dma_wait3A = arith.constant 0 : i32
        %dma_wait3A_86 = arith.constant 0 : i32
        %dma_wait3A_87 = tpu.memref_slice %arg9[%dma_wait3A, %dma_wait3A_86] : memref<10000x128xf32, #tpu.memory_space<vmem_shared>> -> memref<10000x128xf32, #tpu.memory_space<vmem_shared>>
        tpu.wait_indirect_dma semaphore(%run_scoped3A : memref<!tpu.dma_semaphore, #tpu.memory_space<semaphore_mem>>) src(%arg7 : memref<80x128xf32, #tpu.memory_space<vmem>>) dst(%dma_wait3A_87 : memref<10000x128xf32, #tpu.memory_space<vmem_shared>>)
        tpu.yield
      }) : () -> ()
    } else {
    }
    %barrier3A_68 = arith.constant 0 : index
    tpu.barrier barrier_id(%barrier3A_68)
    %while3A_69 = arith.constant 0 : i32
    %while3A_70 = arith.constant 0 : i32
    %while3A_71 = arith.subi %select_n3A, %while3A_70 : i32
    %while3A_72 = arith.addi %while3A_70, %while3A_71 : i32
    %while3A_73 = arith.constant 1 : i32
    %while3A_74 = arith.divsi %while3A_71, %while3A_73 : i32
    %while3A_75 = arith.muli %while3A_74, %while3A_73 : i32
    %while3A_76 = arith.addi %while3A_70, %while3A_75 : i32
    %while3A_77 = arith.constant 1 : i32
    scf.for %while3A_79 = %while3A_70 to %while3A_76 step %while3A_77  : i32 {
      %mul3A_80 = arith.constant 16 : i32
      %mul3A_81 = arith.muli %while3A_79, %mul3A_80 : i32
      %add3A_82 = arith.addi %arg1, %mul3A_81 : i32
      %mul3A_83 = arith.constant 80 : i32
      %mul3A_84 = arith.muli %add3A_82, %mul3A_83 : i32
      "tpu.region"() ({
        %run_scoped3A = tpu.sem_alloc : memref<!tpu.dma_semaphore, #tpu.memory_space<semaphore_mem>>
        %dma_start3A_88 = arith.constant 0 : i32
        %dma_start3A_89 = tpu.memref_slice %arg9[%mul3A_84, %dma_start3A_88] : memref<10000x128xf32, #tpu.memory_space<vmem_shared>> -> memref<80x128xf32, #tpu.memory_space<vmem_shared>>
        %dma_start3A_90 = arith.constant 0 : i32
        %dma_start3A_91 = tpu.memref_slice %arg9[%mul3A_84, %dma_start3A_90] : memref<10000x128xf32, #tpu.memory_space<vmem_shared>> -> memref<80x128xf32, #tpu.memory_space<vmem_shared>>
        tpu.enqueue_dma source(%dma_start3A_91 : memref<80x128xf32, #tpu.memory_space<vmem_shared>>) target(%arg7 : memref<80x128xf32, #tpu.memory_space<vmem>>) target_semaphore(%run_scoped3A : memref<!tpu.dma_semaphore, #tpu.memory_space<semaphore_mem>>)
        %dma_wait3A = arith.constant 0 : i32
        %dma_wait3A_92 = tpu.memref_slice %arg9[%mul3A_84, %dma_wait3A] : memref<10000x128xf32, #tpu.memory_space<vmem_shared>> -> memref<80x128xf32, #tpu.memory_space<vmem_shared>>
        %dma_wait3A_93 = arith.constant 0 : i32
        %dma_wait3A_94 = tpu.memref_slice %arg9[%mul3A_84, %dma_wait3A_93] : memref<10000x128xf32, #tpu.memory_space<vmem_shared>> -> memref<80x128xf32, #tpu.memory_space<vmem_shared>>
        tpu.wait_dma2 semaphore(%run_scoped3A : memref<!tpu.dma_semaphore, #tpu.memory_space<semaphore_mem>>) src(%dma_wait3A_94 : memref<80x128xf32, #tpu.memory_space<vmem_shared>>) dst(%arg7 : memref<80x128xf32, #tpu.memory_space<vmem>>)
        tpu.yield
      }) : () -> ()
      %mul3A_85 = arith.constant 10000 : i32
      %mul3A_86 = arith.muli %arg0, %mul3A_85 : i32
      %add3A_87 = arith.addi %mul3A_86, %mul3A_84 : i32
      "tpu.region"() ({
        %run_scoped3A = tpu.sem_alloc : memref<!tpu.dma_semaphore, #tpu.memory_space<semaphore_mem>>
        %dma_start3A_88 = arith.constant 0 : i32
        %dma_start3A_89 = tpu.memref_slice %arg4[%add3A_87, %dma_start3A_88] : memref<20000x128xf32, #tpu.memory_space<hbm>> -> memref<80x128xf32, #tpu.memory_space<hbm>>
        %dma_start3A_90 = arith.constant 0 : i32
        %dma_start3A_91 = tpu.memref_slice %arg4[%add3A_87, %dma_start3A_90] : memref<20000x128xf32, #tpu.memory_space<hbm>> -> memref<80x128xf32, #tpu.memory_space<hbm>>
        tpu.enqueue_dma source(%arg7 : memref<80x128xf32, #tpu.memory_space<vmem>>) target(%dma_start3A_91 : memref<80x128xf32, #tpu.memory_space<hbm>>) target_semaphore(%run_scoped3A : memref<!tpu.dma_semaphore, #tpu.memory_space<semaphore_mem>>)
        %dma_wait3A = arith.constant 0 : i32
        %dma_wait3A_92 = tpu.memref_slice %arg4[%add3A_87, %dma_wait3A] : memref<20000x128xf32, #tpu.memory_space<hbm>> -> memref<80x128xf32, #tpu.memory_space<hbm>>
        %dma_wait3A_93 = arith.constant 0 : i32
        %dma_wait3A_94 = tpu.memref_slice %arg4[%add3A_87, %dma_wait3A_93] : memref<20000x128xf32, #tpu.memory_space<hbm>> -> memref<80x128xf32, #tpu.memory_space<hbm>>
        tpu.wait_dma2 semaphore(%run_scoped3A : memref<!tpu.dma_semaphore, #tpu.memory_space<semaphore_mem>>) src(%arg7 : memref<80x128xf32, #tpu.memory_space<vmem>>) dst(%dma_wait3A_94 : memref<80x128xf32, #tpu.memory_space<hbm>>)
        tpu.yield
      }) : () -> ()
    }
    %while3A_78 = arith.constant 1 : i32
    scf.for %while3A_79 = %while3A_76 to %while3A_72 step %while3A_78  : i32 {
      %mul3A_80 = arith.constant 16 : i32
      %mul3A_81 = arith.muli %while3A_79, %mul3A_80 : i32
      %add3A_82 = arith.addi %arg1, %mul3A_81 : i32
      %mul3A_83 = arith.constant 80 : i32
      %mul3A_84 = arith.muli %add3A_82, %mul3A_83 : i32
      "tpu.region"() ({
        %run_scoped3A = tpu.sem_alloc : memref<!tpu.dma_semaphore, #tpu.memory_space<semaphore_mem>>
        %dma_start3A_88 = arith.constant 0 : i32
        %dma_start3A_89 = tpu.memref_slice %arg9[%mul3A_84, %dma_start3A_88] : memref<10000x128xf32, #tpu.memory_space<vmem_shared>> -> memref<80x128xf32, #tpu.memory_space<vmem_shared>>
        %dma_start3A_90 = arith.constant 0 : i32
        %dma_start3A_91 = tpu.memref_slice %arg9[%mul3A_84, %dma_start3A_90] : memref<10000x128xf32, #tpu.memory_space<vmem_shared>> -> memref<80x128xf32, #tpu.memory_space<vmem_shared>>
        tpu.enqueue_dma source(%dma_start3A_91 : memref<80x128xf32, #tpu.memory_space<vmem_shared>>) target(%arg7 : memref<80x128xf32, #tpu.memory_space<vmem>>) target_semaphore(%run_scoped3A : memref<!tpu.dma_semaphore, #tpu.memory_space<semaphore_mem>>)
        %dma_wait3A = arith.constant 0 : i32
        %dma_wait3A_92 = tpu.memref_slice %arg9[%mul3A_84, %dma_wait3A] : memref<10000x128xf32, #tpu.memory_space<vmem_shared>> -> memref<80x128xf32, #tpu.memory_space<vmem_shared>>
        %dma_wait3A_93 = arith.constant 0 : i32
        %dma_wait3A_94 = tpu.memref_slice %arg9[%mul3A_84, %dma_wait3A_93] : memref<10000x128xf32, #tpu.memory_space<vmem_shared>> -> memref<80x128xf32, #tpu.memory_space<vmem_shared>>
        tpu.wait_dma2 semaphore(%run_scoped3A : memref<!tpu.dma_semaphore, #tpu.memory_space<semaphore_mem>>) src(%dma_wait3A_94 : memref<80x128xf32, #tpu.memory_space<vmem_shared>>) dst(%arg7 : memref<80x128xf32, #tpu.memory_space<vmem>>)
        tpu.yield
      }) : () -> ()
      %mul3A_85 = arith.constant 10000 : i32
      %mul3A_86 = arith.muli %arg0, %mul3A_85 : i32
      %add3A_87 = arith.addi %mul3A_86, %mul3A_84 : i32
      "tpu.region"() ({
        %run_scoped3A = tpu.sem_alloc : memref<!tpu.dma_semaphore, #tpu.memory_space<semaphore_mem>>
        %dma_start3A_88 = arith.constant 0 : i32
        %dma_start3A_89 = tpu.memref_slice %arg4[%add3A_87, %dma_start3A_88] : memref<20000x128xf32, #tpu.memory_space<hbm>> -> memref<80x128xf32, #tpu.memory_space<hbm>>
        %dma_start3A_90 = arith.constant 0 : i32
        %dma_start3A_91 = tpu.memref_slice %arg4[%add3A_87, %dma_start3A_90] : memref<20000x128xf32, #tpu.memory_space<hbm>> -> memref<80x128xf32, #tpu.memory_space<hbm>>
        tpu.enqueue_dma source(%arg7 : memref<80x128xf32, #tpu.memory_space<vmem>>) target(%dma_start3A_91 : memref<80x128xf32, #tpu.memory_space<hbm>>) target_semaphore(%run_scoped3A : memref<!tpu.dma_semaphore, #tpu.memory_space<semaphore_mem>>)
        %dma_wait3A = arith.constant 0 : i32
        %dma_wait3A_92 = tpu.memref_slice %arg4[%add3A_87, %dma_wait3A] : memref<20000x128xf32, #tpu.memory_space<hbm>> -> memref<80x128xf32, #tpu.memory_space<hbm>>
        %dma_wait3A_93 = arith.constant 0 : i32
        %dma_wait3A_94 = tpu.memref_slice %arg4[%add3A_87, %dma_wait3A_93] : memref<20000x128xf32, #tpu.memory_space<hbm>> -> memref<80x128xf32, #tpu.memory_space<hbm>>
        tpu.wait_dma2 semaphore(%run_scoped3A : memref<!tpu.dma_semaphore, #tpu.memory_space<semaphore_mem>>) src(%arg7 : memref<80x128xf32, #tpu.memory_space<vmem>>) dst(%dma_wait3A_94 : memref<80x128xf32, #tpu.memory_space<hbm>>)
        tpu.yield
      }) : () -> ()
    }
    return
  }
}

#map = affine_map<(d0, d1) -> (0, 0)>
#map1 = affine_map<(d0, d1) -> (0)>
module attributes {stable_mosaic.version = 14 : i64} {
  func.func @k(%arg0: i32, %arg1: i32, %arg2: memref<10000x128xf32, #tpu.memory_space<hbm>>, %arg3: memref<320000xi32, #tpu.memory_space<hbm>>, %arg4: memref<320000x128xf32, #tpu.memory_space<hbm>>, %arg5: memref<10000xi32, #tpu.memory_space<vmem>>, %arg6: memref<80x128xf32, #tpu.memory_space<vmem>>, %arg7: memref<80x128xf32, #tpu.memory_space<vmem>>, %arg8: memref<!tpu.dma_semaphore, #tpu.memory_space<semaphore_mem>>, %arg9: memref<!tpu.dma_semaphore, #tpu.memory_space<semaphore_mem>>, %arg10: memref<!tpu.dma_semaphore, #tpu.memory_space<semaphore_mem>>, %arg11: memref<!tpu.dma_semaphore, #tpu.memory_space<semaphore_mem>>) attributes {dimension_semantics = [#tpu.dimension_semantics<core_parallel>, #tpu.dimension_semantics<subcore_parallel>], iteration_bounds = array<i64: 2, 16>, scalar_prefetch = 0 : i64, scratch_operands = 7 : i64, tpu.core_type = #tpu.core_type<sc_vector_subcore>, window_params = [{transform_indices = #map}, {transform_indices = #map1}, {transform_indices = #map}]} {
    %mul3A = arith.constant 16 : i32
    %mul3A_0 = arith.muli %arg0, %mul3A : i32
    %add3A = arith.addi %mul3A_0, %arg1 : i32
    %mul3A_1 = arith.constant 10000 : i32
    %mul3A_2 = arith.muli %add3A, %mul3A_1 : i32
    "tpu.region"() ({
      %run_scoped3A = tpu.sem_alloc : memref<!tpu.dma_semaphore, #tpu.memory_space<semaphore_mem>>
      %dma_start3A_35 = tpu.memref_slice %arg3[%mul3A_2] : memref<320000xi32, #tpu.memory_space<hbm>> -> memref<10000xi32, #tpu.memory_space<hbm>>
      %dma_start3A_36 = tpu.memref_slice %arg3[%mul3A_2] : memref<320000xi32, #tpu.memory_space<hbm>> -> memref<10000xi32, #tpu.memory_space<hbm>>
      tpu.enqueue_dma source(%dma_start3A_36 : memref<10000xi32, #tpu.memory_space<hbm>>) target(%arg5 : memref<10000xi32, #tpu.memory_space<vmem>>) target_semaphore(%run_scoped3A : memref<!tpu.dma_semaphore, #tpu.memory_space<semaphore_mem>>)
      %dma_wait3A_37 = tpu.memref_slice %arg3[%mul3A_2] : memref<320000xi32, #tpu.memory_space<hbm>> -> memref<10000xi32, #tpu.memory_space<hbm>>
      %dma_wait3A_38 = tpu.memref_slice %arg3[%mul3A_2] : memref<320000xi32, #tpu.memory_space<hbm>> -> memref<10000xi32, #tpu.memory_space<hbm>>
      tpu.wait_dma2 semaphore(%run_scoped3A : memref<!tpu.dma_semaphore, #tpu.memory_space<semaphore_mem>>) src(%dma_wait3A_38 : memref<10000xi32, #tpu.memory_space<hbm>>) dst(%arg5 : memref<10000xi32, #tpu.memory_space<vmem>>)
      tpu.yield
    }) : () -> ()
    %dma_start3A = arith.constant 0 : i32
    %dma_start3A_3 = tpu.memref_slice %arg5[%dma_start3A] : memref<10000xi32, #tpu.memory_space<vmem>> -> memref<80xi32, #tpu.memory_space<vmem>>
    %dma_start3A_4 = arith.constant 0 : i32
    %dma_start3A_5 = arith.constant 0 : i32
    %dma_start3A_6 = tpu.memref_slice %arg2[%dma_start3A_4, %dma_start3A_5] : memref<10000x128xf32, #tpu.memory_space<hbm>> -> memref<10000x128xf32, #tpu.memory_space<hbm>>
    tpu.enqueue_indirect_dma source(%dma_start3A_6 : memref<10000x128xf32, #tpu.memory_space<hbm>>) target(%arg6 : memref<80x128xf32, #tpu.memory_space<vmem>>) offsets(%dma_start3A_3 : memref<80xi32, #tpu.memory_space<vmem>>) semaphore(%arg8 : memref<!tpu.dma_semaphore, #tpu.memory_space<semaphore_mem>>)
    %scan3A = arith.constant 0 : i32
    %scan3A_7 = arith.constant 0 : i32
    %scan3A_8 = arith.constant 62 : i32
    %scan3A_9 = arith.addi %scan3A_7, %scan3A_8 : i32
    %scan3A_10 = arith.constant 1 : i32
    scf.for %scan3A_35 = %scan3A_7 to %scan3A_9 step %scan3A_10  : i32 {
      %mul3A_36 = arith.constant 2 : i32
      %mul3A_37 = arith.muli %mul3A_36, %scan3A_35 : i32
      %add3A_38 = arith.constant 1 : i32
      %add3A_39 = arith.addi %mul3A_37, %add3A_38 : i32
      %gt3A = arith.constant 0 : i32
      %gt3A_40 = arith.cmpi sgt, %scan3A_35, %gt3A : i32
      %convert_element_type3A = arith.extui %gt3A_40 : i1 to i32
      %cond3A = arith.constant 0 : i32
      %cond3A_41 = arith.cmpi ne, %convert_element_type3A, %cond3A : i32
      scf.if %cond3A_41 {
        %sub3A = arith.constant 2 : i32
        %sub3A_78 = arith.subi %add3A_39, %sub3A : i32
        %mul3A_79 = arith.constant 80 : i32
        %mul3A_80 = arith.muli %sub3A_78, %mul3A_79 : i32
        %add3A_81 = arith.addi %mul3A_2, %mul3A_80 : i32
        %dma_wait3A_82 = arith.constant 0 : i32
        %dma_wait3A_83 = tpu.memref_slice %arg4[%add3A_81, %dma_wait3A_82] : memref<320000x128xf32, #tpu.memory_space<hbm>> -> memref<80x128xf32, #tpu.memory_space<hbm>>
        %dma_wait3A_84 = arith.constant 0 : i32
        %dma_wait3A_85 = tpu.memref_slice %arg4[%add3A_81, %dma_wait3A_84] : memref<320000x128xf32, #tpu.memory_space<hbm>> -> memref<80x128xf32, #tpu.memory_space<hbm>>
        tpu.wait_dma2 semaphore(%arg11 : memref<!tpu.dma_semaphore, #tpu.memory_space<semaphore_mem>>) src(%arg7 : memref<80x128xf32, #tpu.memory_space<vmem>>) dst(%dma_wait3A_85 : memref<80x128xf32, #tpu.memory_space<hbm>>)
      } else {
      }
      %mul3A_42 = arith.constant 80 : i32
      %mul3A_43 = arith.muli %add3A_39, %mul3A_42 : i32
      %dma_start3A_44 = tpu.memref_slice %arg5[%mul3A_43] : memref<10000xi32, #tpu.memory_space<vmem>> -> memref<80xi32, #tpu.memory_space<vmem>>
      %dma_start3A_45 = arith.constant 0 : i32
      %dma_start3A_46 = arith.constant 0 : i32
      %dma_start3A_47 = tpu.memref_slice %arg2[%dma_start3A_45, %dma_start3A_46] : memref<10000x128xf32, #tpu.memory_space<hbm>> -> memref<10000x128xf32, #tpu.memory_space<hbm>>
      tpu.enqueue_indirect_dma source(%dma_start3A_47 : memref<10000x128xf32, #tpu.memory_space<hbm>>) target(%arg7 : memref<80x128xf32, #tpu.memory_space<vmem>>) offsets(%dma_start3A_44 : memref<80xi32, #tpu.memory_space<vmem>>) semaphore(%arg9 : memref<!tpu.dma_semaphore, #tpu.memory_space<semaphore_mem>>)
      %mul3A_48 = arith.constant 80 : i32
      %mul3A_49 = arith.muli %mul3A_37, %mul3A_48 : i32
      %dma_wait3A_50 = tpu.memref_slice %arg5[%mul3A_49] : memref<10000xi32, #tpu.memory_space<vmem>> -> memref<80xi32, #tpu.memory_space<vmem>>
      %dma_wait3A_51 = arith.constant 0 : i32
      %dma_wait3A_52 = arith.constant 0 : i32
      %dma_wait3A_53 = tpu.memref_slice %arg2[%dma_wait3A_51, %dma_wait3A_52] : memref<10000x128xf32, #tpu.memory_space<hbm>> -> memref<10000x128xf32, #tpu.memory_space<hbm>>
      tpu.wait_indirect_dma semaphore(%arg8 : memref<!tpu.dma_semaphore, #tpu.memory_space<semaphore_mem>>) src(%dma_wait3A_53 : memref<10000x128xf32, #tpu.memory_space<hbm>>) dst(%arg6 : memref<80x128xf32, #tpu.memory_space<vmem>>)
      %mul3A_54 = arith.constant 80 : i32
      %mul3A_55 = arith.muli %mul3A_37, %mul3A_54 : i32
      %add3A_56 = arith.addi %mul3A_2, %mul3A_55 : i32
      %dma_start3A_57 = arith.constant 0 : i32
      %dma_start3A_58 = tpu.memref_slice %arg4[%add3A_56, %dma_start3A_57] : memref<320000x128xf32, #tpu.memory_space<hbm>> -> memref<80x128xf32, #tpu.memory_space<hbm>>
      %dma_start3A_59 = arith.constant 0 : i32
      %dma_start3A_60 = tpu.memref_slice %arg4[%add3A_56, %dma_start3A_59] : memref<320000x128xf32, #tpu.memory_space<hbm>> -> memref<80x128xf32, #tpu.memory_space<hbm>>
      tpu.enqueue_dma source(%arg6 : memref<80x128xf32, #tpu.memory_space<vmem>>) target(%dma_start3A_60 : memref<80x128xf32, #tpu.memory_space<hbm>>) target_semaphore(%arg10 : memref<!tpu.dma_semaphore, #tpu.memory_space<semaphore_mem>>)
      %mul3A_61 = arith.constant 80 : i32
      %mul3A_62 = arith.muli %add3A_39, %mul3A_61 : i32
      %dma_wait3A_63 = tpu.memref_slice %arg5[%mul3A_62] : memref<10000xi32, #tpu.memory_space<vmem>> -> memref<80xi32, #tpu.memory_space<vmem>>
      %dma_wait3A_64 = arith.constant 0 : i32
      %dma_wait3A_65 = arith.constant 0 : i32
      %dma_wait3A_66 = tpu.memref_slice %arg2[%dma_wait3A_64, %dma_wait3A_65] : memref<10000x128xf32, #tpu.memory_space<hbm>> -> memref<10000x128xf32, #tpu.memory_space<hbm>>
      tpu.wait_indirect_dma semaphore(%arg9 : memref<!tpu.dma_semaphore, #tpu.memory_space<semaphore_mem>>) src(%dma_wait3A_66 : memref<10000x128xf32, #tpu.memory_space<hbm>>) dst(%arg7 : memref<80x128xf32, #tpu.memory_space<vmem>>)
      %mul3A_67 = arith.constant 80 : i32
      %mul3A_68 = arith.muli %add3A_39, %mul3A_67 : i32
      %add3A_69 = arith.addi %mul3A_2, %mul3A_68 : i32
      %dma_start3A_70 = arith.constant 0 : i32
      %dma_start3A_71 = tpu.memref_slice %arg4[%add3A_69, %dma_start3A_70] : memref<320000x128xf32, #tpu.memory_space<hbm>> -> memref<80x128xf32, #tpu.memory_space<hbm>>
      %dma_start3A_72 = arith.constant 0 : i32
      %dma_start3A_73 = tpu.memref_slice %arg4[%add3A_69, %dma_start3A_72] : memref<320000x128xf32, #tpu.memory_space<hbm>> -> memref<80x128xf32, #tpu.memory_space<hbm>>
      tpu.enqueue_dma source(%arg7 : memref<80x128xf32, #tpu.memory_space<vmem>>) target(%dma_start3A_73 : memref<80x128xf32, #tpu.memory_space<hbm>>) target_semaphore(%arg11 : memref<!tpu.dma_semaphore, #tpu.memory_space<semaphore_mem>>)
      %lt3A = arith.constant 61 : i32
      %lt3A_74 = arith.cmpi slt, %scan3A_35, %lt3A : i32
      %convert_element_type3A_75 = arith.extui %lt3A_74 : i1 to i32
      %cond3A_76 = arith.constant 0 : i32
      %cond3A_77 = arith.cmpi ne, %convert_element_type3A_75, %cond3A_76 : i32
      scf.if %cond3A_77 {
        %mul3A_78 = arith.constant 80 : i32
        %mul3A_79 = arith.muli %mul3A_37, %mul3A_78 : i32
        %add3A_80 = arith.addi %mul3A_2, %mul3A_79 : i32
        %dma_wait3A_81 = arith.constant 0 : i32
        %dma_wait3A_82 = tpu.memref_slice %arg4[%add3A_80, %dma_wait3A_81] : memref<320000x128xf32, #tpu.memory_space<hbm>> -> memref<80x128xf32, #tpu.memory_space<hbm>>
        %dma_wait3A_83 = arith.constant 0 : i32
        %dma_wait3A_84 = tpu.memref_slice %arg4[%add3A_80, %dma_wait3A_83] : memref<320000x128xf32, #tpu.memory_space<hbm>> -> memref<80x128xf32, #tpu.memory_space<hbm>>
        tpu.wait_dma2 semaphore(%arg10 : memref<!tpu.dma_semaphore, #tpu.memory_space<semaphore_mem>>) src(%arg6 : memref<80x128xf32, #tpu.memory_space<vmem>>) dst(%dma_wait3A_84 : memref<80x128xf32, #tpu.memory_space<hbm>>)
        %add3A_85 = arith.constant 2 : i32
        %add3A_86 = arith.addi %mul3A_37, %add3A_85 : i32
        %mul3A_87 = arith.constant 80 : i32
        %mul3A_88 = arith.muli %add3A_86, %mul3A_87 : i32
        %dma_start3A_89 = tpu.memref_slice %arg5[%mul3A_88] : memref<10000xi32, #tpu.memory_space<vmem>> -> memref<80xi32, #tpu.memory_space<vmem>>
        %dma_start3A_90 = arith.constant 0 : i32
        %dma_start3A_91 = arith.constant 0 : i32
        %dma_start3A_92 = tpu.memref_slice %arg2[%dma_start3A_90, %dma_start3A_91] : memref<10000x128xf32, #tpu.memory_space<hbm>> -> memref<10000x128xf32, #tpu.memory_space<hbm>>
        tpu.enqueue_indirect_dma source(%dma_start3A_92 : memref<10000x128xf32, #tpu.memory_space<hbm>>) target(%arg6 : memref<80x128xf32, #tpu.memory_space<vmem>>) offsets(%dma_start3A_89 : memref<80xi32, #tpu.memory_space<vmem>>) semaphore(%arg8 : memref<!tpu.dma_semaphore, #tpu.memory_space<semaphore_mem>>)
      } else {
      }
    }
    %scan3A_11 = arith.constant 62 : i32
    %add3A_12 = arith.constant 9760 : i32
    %add3A_13 = arith.addi %mul3A_2, %add3A_12 : i32
    %dma_wait3A = arith.constant 0 : i32
    %dma_wait3A_14 = tpu.memref_slice %arg4[%add3A_13, %dma_wait3A] : memref<320000x128xf32, #tpu.memory_space<hbm>> -> memref<80x128xf32, #tpu.memory_space<hbm>>
    %dma_wait3A_15 = arith.constant 0 : i32
    %dma_wait3A_16 = tpu.memref_slice %arg4[%add3A_13, %dma_wait3A_15] : memref<320000x128xf32, #tpu.memory_space<hbm>> -> memref<80x128xf32, #tpu.memory_space<hbm>>
    tpu.wait_dma2 semaphore(%arg10 : memref<!tpu.dma_semaphore, #tpu.memory_space<semaphore_mem>>) src(%arg6 : memref<80x128xf32, #tpu.memory_space<vmem>>) dst(%dma_wait3A_16 : memref<80x128xf32, #tpu.memory_space<hbm>>)
    %add3A_17 = arith.constant 9840 : i32
    %add3A_18 = arith.addi %mul3A_2, %add3A_17 : i32
    %dma_wait3A_19 = arith.constant 0 : i32
    %dma_wait3A_20 = tpu.memref_slice %arg4[%add3A_18, %dma_wait3A_19] : memref<320000x128xf32, #tpu.memory_space<hbm>> -> memref<80x128xf32, #tpu.memory_space<hbm>>
    %dma_wait3A_21 = arith.constant 0 : i32
    %dma_wait3A_22 = tpu.memref_slice %arg4[%add3A_18, %dma_wait3A_21] : memref<320000x128xf32, #tpu.memory_space<hbm>> -> memref<80x128xf32, #tpu.memory_space<hbm>>
    tpu.wait_dma2 semaphore(%arg11 : memref<!tpu.dma_semaphore, #tpu.memory_space<semaphore_mem>>) src(%arg7 : memref<80x128xf32, #tpu.memory_space<vmem>>) dst(%dma_wait3A_22 : memref<80x128xf32, #tpu.memory_space<hbm>>)
    %dma_start3A_23 = arith.constant 9920 : i32
    %dma_start3A_24 = tpu.memref_slice %arg5[%dma_start3A_23] : memref<10000xi32, #tpu.memory_space<vmem>> -> memref<80xi32, #tpu.memory_space<vmem>>
    %dma_start3A_25 = arith.constant 0 : i32
    %dma_start3A_26 = arith.constant 0 : i32
    %dma_start3A_27 = tpu.memref_slice %arg2[%dma_start3A_25, %dma_start3A_26] : memref<10000x128xf32, #tpu.memory_space<hbm>> -> memref<10000x128xf32, #tpu.memory_space<hbm>>
    tpu.enqueue_indirect_dma source(%dma_start3A_27 : memref<10000x128xf32, #tpu.memory_space<hbm>>) target(%arg6 : memref<80x128xf32, #tpu.memory_space<vmem>>) offsets(%dma_start3A_24 : memref<80xi32, #tpu.memory_space<vmem>>) semaphore(%arg8 : memref<!tpu.dma_semaphore, #tpu.memory_space<semaphore_mem>>)
    %dma_wait3A_28 = arith.constant 9920 : i32
    %dma_wait3A_29 = tpu.memref_slice %arg5[%dma_wait3A_28] : memref<10000xi32, #tpu.memory_space<vmem>> -> memref<80xi32, #tpu.memory_space<vmem>>
    %dma_wait3A_30 = arith.constant 0 : i32
    %dma_wait3A_31 = arith.constant 0 : i32
    %dma_wait3A_32 = tpu.memref_slice %arg2[%dma_wait3A_30, %dma_wait3A_31] : memref<10000x128xf32, #tpu.memory_space<hbm>> -> memref<10000x128xf32, #tpu.memory_space<hbm>>
    tpu.wait_indirect_dma semaphore(%arg8 : memref<!tpu.dma_semaphore, #tpu.memory_space<semaphore_mem>>) src(%dma_wait3A_32 : memref<10000x128xf32, #tpu.memory_space<hbm>>) dst(%arg6 : memref<80x128xf32, #tpu.memory_space<vmem>>)
    %add3A_33 = arith.constant 9920 : i32
    %add3A_34 = arith.addi %mul3A_2, %add3A_33 : i32
    "tpu.region"() ({
      %run_scoped3A = tpu.sem_alloc : memref<!tpu.dma_semaphore, #tpu.memory_space<semaphore_mem>>
      %dma_start3A_35 = arith.constant 0 : i32
      %dma_start3A_36 = tpu.memref_slice %arg4[%add3A_34, %dma_start3A_35] : memref<320000x128xf32, #tpu.memory_space<hbm>> -> memref<80x128xf32, #tpu.memory_space<hbm>>
      %dma_start3A_37 = arith.constant 0 : i32
      %dma_start3A_38 = tpu.memref_slice %arg4[%add3A_34, %dma_start3A_37] : memref<320000x128xf32, #tpu.memory_space<hbm>> -> memref<80x128xf32, #tpu.memory_space<hbm>>
      tpu.enqueue_dma source(%arg6 : memref<80x128xf32, #tpu.memory_space<vmem>>) target(%dma_start3A_38 : memref<80x128xf32, #tpu.memory_space<hbm>>) target_semaphore(%run_scoped3A : memref<!tpu.dma_semaphore, #tpu.memory_space<semaphore_mem>>)
      %dma_wait3A_39 = arith.constant 0 : i32
      %dma_wait3A_40 = tpu.memref_slice %arg4[%add3A_34, %dma_wait3A_39] : memref<320000x128xf32, #tpu.memory_space<hbm>> -> memref<80x128xf32, #tpu.memory_space<hbm>>
      %dma_wait3A_41 = arith.constant 0 : i32
      %dma_wait3A_42 = tpu.memref_slice %arg4[%add3A_34, %dma_wait3A_41] : memref<320000x128xf32, #tpu.memory_space<hbm>> -> memref<80x128xf32, #tpu.memory_space<hbm>>
      tpu.wait_dma2 semaphore(%run_scoped3A : memref<!tpu.dma_semaphore, #tpu.memory_space<semaphore_mem>>) src(%arg6 : memref<80x128xf32, #tpu.memory_space<vmem>>) dst(%dma_wait3A_42 : memref<80x128xf32, #tpu.memory_space<hbm>>)
      tpu.yield
    }) : () -> ()
    return
  }
}

#map = affine_map<(d0, d1) -> (0, 0)>
#map1 = affine_map<(d0, d1) -> (0)>
module attributes {stable_mosaic.version = 14 : i64} {
  func.func @k(%arg0: i32, %arg1: i32, %arg2: memref<10000x128xf32, #tpu.memory_space<hbm>>, %arg3: memref<320000xi32, #tpu.memory_space<hbm>>, %arg4: memref<320000x128xf32, #tpu.memory_space<hbm>>, %arg5: memref<10000xi32, #tpu.memory_space<vmem>>, %arg6: memref<80x128xf32, #tpu.memory_space<vmem>>, %arg7: memref<80x128xf32, #tpu.memory_space<vmem>>, %arg8: memref<!tpu.dma_semaphore, #tpu.memory_space<semaphore_mem>>, %arg9: memref<!tpu.dma_semaphore, #tpu.memory_space<semaphore_mem>>, %arg10: memref<!tpu.dma_semaphore, #tpu.memory_space<semaphore_mem>>, %arg11: memref<!tpu.dma_semaphore, #tpu.memory_space<semaphore_mem>>) attributes {dimension_semantics = [#tpu.dimension_semantics<core_parallel>, #tpu.dimension_semantics<subcore_parallel>], iteration_bounds = array<i64: 2, 16>, scalar_prefetch = 0 : i64, scratch_operands = 7 : i64, tpu.core_type = #tpu.core_type<sc_vector_subcore>, window_params = [{transform_indices = #map}, {transform_indices = #map1}, {transform_indices = #map}]} {
    %mul3A = arith.constant 16 : i32
    %mul3A_0 = arith.muli %arg0, %mul3A : i32
    %add3A = arith.addi %mul3A_0, %arg1 : i32
    %mul3A_1 = arith.constant 10000 : i32
    %mul3A_2 = arith.muli %add3A, %mul3A_1 : i32
    "tpu.region"() ({
      %run_scoped3A = tpu.sem_alloc : memref<!tpu.dma_semaphore, #tpu.memory_space<semaphore_mem>>
      %dma_start3A_35 = tpu.memref_slice %arg3[%mul3A_2] : memref<320000xi32, #tpu.memory_space<hbm>> -> memref<10000xi32, #tpu.memory_space<hbm>>
      %dma_start3A_36 = tpu.memref_slice %arg3[%mul3A_2] : memref<320000xi32, #tpu.memory_space<hbm>> -> memref<10000xi32, #tpu.memory_space<hbm>>
      tpu.enqueue_dma source(%dma_start3A_36 : memref<10000xi32, #tpu.memory_space<hbm>>) target(%arg5 : memref<10000xi32, #tpu.memory_space<vmem>>) target_semaphore(%run_scoped3A : memref<!tpu.dma_semaphore, #tpu.memory_space<semaphore_mem>>)
      %dma_wait3A_37 = tpu.memref_slice %arg3[%mul3A_2] : memref<320000xi32, #tpu.memory_space<hbm>> -> memref<10000xi32, #tpu.memory_space<hbm>>
      %dma_wait3A_38 = tpu.memref_slice %arg3[%mul3A_2] : memref<320000xi32, #tpu.memory_space<hbm>> -> memref<10000xi32, #tpu.memory_space<hbm>>
      tpu.wait_dma2 semaphore(%run_scoped3A : memref<!tpu.dma_semaphore, #tpu.memory_space<semaphore_mem>>) src(%dma_wait3A_38 : memref<10000xi32, #tpu.memory_space<hbm>>) dst(%arg5 : memref<10000xi32, #tpu.memory_space<vmem>>)
      tpu.yield
    }) : () -> ()
    %dma_start3A = arith.constant 0 : i32
    %dma_start3A_3 = tpu.memref_slice %arg5[%dma_start3A] : memref<10000xi32, #tpu.memory_space<vmem>> -> memref<80xi32, #tpu.memory_space<vmem>>
    %dma_start3A_4 = arith.constant 0 : i32
    %dma_start3A_5 = arith.constant 0 : i32
    %dma_start3A_6 = tpu.memref_slice %arg2[%dma_start3A_4, %dma_start3A_5] : memref<10000x128xf32, #tpu.memory_space<hbm>> -> memref<10000x128xf32, #tpu.memory_space<hbm>>
    tpu.enqueue_indirect_dma source(%dma_start3A_6 : memref<10000x128xf32, #tpu.memory_space<hbm>>) target(%arg6 : memref<80x128xf32, #tpu.memory_space<vmem>>) offsets(%dma_start3A_3 : memref<80xi32, #tpu.memory_space<vmem>>) semaphore(%arg8 : memref<!tpu.dma_semaphore, #tpu.memory_space<semaphore_mem>>)
    %scan3A = arith.constant 0 : i32
    %scan3A_7 = arith.constant 0 : i32
    %scan3A_8 = arith.constant 62 : i32
    %scan3A_9 = arith.addi %scan3A_7, %scan3A_8 : i32
    %scan3A_10 = arith.constant 1 : i32
    scf.for %scan3A_35 = %scan3A_7 to %scan3A_9 step %scan3A_10  : i32 {
      %mul3A_36 = arith.constant 2 : i32
      %mul3A_37 = arith.muli %mul3A_36, %scan3A_35 : i32
      %add3A_38 = arith.constant 1 : i32
      %add3A_39 = arith.addi %mul3A_37, %add3A_38 : i32
      %gt3A = arith.constant 0 : i32
      %gt3A_40 = arith.cmpi sgt, %scan3A_35, %gt3A : i32
      %convert_element_type3A = arith.extui %gt3A_40 : i1 to i32
      %cond3A = arith.constant 0 : i32
      %cond3A_41 = arith.cmpi ne, %convert_element_type3A, %cond3A : i32
      scf.if %cond3A_41 {
        %sub3A = arith.constant 2 : i32
        %sub3A_78 = arith.subi %add3A_39, %sub3A : i32
        %mul3A_79 = arith.constant 80 : i32
        %mul3A_80 = arith.muli %sub3A_78, %mul3A_79 : i32
        %add3A_81 = arith.addi %mul3A_2, %mul3A_80 : i32
        %dma_wait3A_82 = arith.constant 0 : i32
        %dma_wait3A_83 = tpu.memref_slice %arg4[%add3A_81, %dma_wait3A_82] : memref<320000x128xf32, #tpu.memory_space<hbm>> -> memref<80x128xf32, #tpu.memory_space<hbm>>
        %dma_wait3A_84 = arith.constant 0 : i32
        %dma_wait3A_85 = tpu.memref_slice %arg4[%add3A_81, %dma_wait3A_84] : memref<320000x128xf32, #tpu.memory_space<hbm>> -> memref<80x128xf32, #tpu.memory_space<hbm>>
        tpu.wait_dma2 semaphore(%arg11 : memref<!tpu.dma_semaphore, #tpu.memory_space<semaphore_mem>>) src(%arg7 : memref<80x128xf32, #tpu.memory_space<vmem>>) dst(%dma_wait3A_85 : memref<80x128xf32, #tpu.memory_space<hbm>>)
      } else {
      }
      %mul3A_42 = arith.constant 80 : i32
      %mul3A_43 = arith.muli %add3A_39, %mul3A_42 : i32
      %dma_start3A_44 = tpu.memref_slice %arg5[%mul3A_43] : memref<10000xi32, #tpu.memory_space<vmem>> -> memref<80xi32, #tpu.memory_space<vmem>>
      %dma_start3A_45 = arith.constant 0 : i32
      %dma_start3A_46 = arith.constant 0 : i32
      %dma_start3A_47 = tpu.memref_slice %arg2[%dma_start3A_45, %dma_start3A_46] : memref<10000x128xf32, #tpu.memory_space<hbm>> -> memref<10000x128xf32, #tpu.memory_space<hbm>>
      tpu.enqueue_indirect_dma source(%dma_start3A_47 : memref<10000x128xf32, #tpu.memory_space<hbm>>) target(%arg7 : memref<80x128xf32, #tpu.memory_space<vmem>>) offsets(%dma_start3A_44 : memref<80xi32, #tpu.memory_space<vmem>>) semaphore(%arg9 : memref<!tpu.dma_semaphore, #tpu.memory_space<semaphore_mem>>)
      %mul3A_48 = arith.constant 80 : i32
      %mul3A_49 = arith.muli %mul3A_37, %mul3A_48 : i32
      %dma_wait3A_50 = tpu.memref_slice %arg5[%mul3A_49] : memref<10000xi32, #tpu.memory_space<vmem>> -> memref<80xi32, #tpu.memory_space<vmem>>
      %dma_wait3A_51 = arith.constant 0 : i32
      %dma_wait3A_52 = arith.constant 0 : i32
      %dma_wait3A_53 = tpu.memref_slice %arg2[%dma_wait3A_51, %dma_wait3A_52] : memref<10000x128xf32, #tpu.memory_space<hbm>> -> memref<10000x128xf32, #tpu.memory_space<hbm>>
      tpu.wait_indirect_dma semaphore(%arg8 : memref<!tpu.dma_semaphore, #tpu.memory_space<semaphore_mem>>) src(%dma_wait3A_53 : memref<10000x128xf32, #tpu.memory_space<hbm>>) dst(%arg6 : memref<80x128xf32, #tpu.memory_space<vmem>>)
      %mul3A_54 = arith.constant 80 : i32
      %mul3A_55 = arith.muli %mul3A_37, %mul3A_54 : i32
      %add3A_56 = arith.addi %mul3A_2, %mul3A_55 : i32
      %dma_start3A_57 = arith.constant 0 : i32
      %dma_start3A_58 = tpu.memref_slice %arg4[%add3A_56, %dma_start3A_57] : memref<320000x128xf32, #tpu.memory_space<hbm>> -> memref<80x128xf32, #tpu.memory_space<hbm>>
      %dma_start3A_59 = arith.constant 0 : i32
      %dma_start3A_60 = tpu.memref_slice %arg4[%add3A_56, %dma_start3A_59] : memref<320000x128xf32, #tpu.memory_space<hbm>> -> memref<80x128xf32, #tpu.memory_space<hbm>>
      tpu.enqueue_dma source(%arg6 : memref<80x128xf32, #tpu.memory_space<vmem>>) target(%dma_start3A_60 : memref<80x128xf32, #tpu.memory_space<hbm>>) target_semaphore(%arg10 : memref<!tpu.dma_semaphore, #tpu.memory_space<semaphore_mem>>)
      %mul3A_61 = arith.constant 80 : i32
      %mul3A_62 = arith.muli %add3A_39, %mul3A_61 : i32
      %dma_wait3A_63 = tpu.memref_slice %arg5[%mul3A_62] : memref<10000xi32, #tpu.memory_space<vmem>> -> memref<80xi32, #tpu.memory_space<vmem>>
      %dma_wait3A_64 = arith.constant 0 : i32
      %dma_wait3A_65 = arith.constant 0 : i32
      %dma_wait3A_66 = tpu.memref_slice %arg2[%dma_wait3A_64, %dma_wait3A_65] : memref<10000x128xf32, #tpu.memory_space<hbm>> -> memref<10000x128xf32, #tpu.memory_space<hbm>>
      tpu.wait_indirect_dma semaphore(%arg9 : memref<!tpu.dma_semaphore, #tpu.memory_space<semaphore_mem>>) src(%dma_wait3A_66 : memref<10000x128xf32, #tpu.memory_space<hbm>>) dst(%arg7 : memref<80x128xf32, #tpu.memory_space<vmem>>)
      %mul3A_67 = arith.constant 80 : i32
      %mul3A_68 = arith.muli %add3A_39, %mul3A_67 : i32
      %add3A_69 = arith.addi %mul3A_2, %mul3A_68 : i32
      %dma_start3A_70 = arith.constant 0 : i32
      %dma_start3A_71 = tpu.memref_slice %arg4[%add3A_69, %dma_start3A_70] : memref<320000x128xf32, #tpu.memory_space<hbm>> -> memref<80x128xf32, #tpu.memory_space<hbm>>
      %dma_start3A_72 = arith.constant 0 : i32
      %dma_start3A_73 = tpu.memref_slice %arg4[%add3A_69, %dma_start3A_72] : memref<320000x128xf32, #tpu.memory_space<hbm>> -> memref<80x128xf32, #tpu.memory_space<hbm>>
      tpu.enqueue_dma source(%arg7 : memref<80x128xf32, #tpu.memory_space<vmem>>) target(%dma_start3A_73 : memref<80x128xf32, #tpu.memory_space<hbm>>) target_semaphore(%arg11 : memref<!tpu.dma_semaphore, #tpu.memory_space<semaphore_mem>>)
      %lt3A = arith.constant 61 : i32
      %lt3A_74 = arith.cmpi slt, %scan3A_35, %lt3A : i32
      %convert_element_type3A_75 = arith.extui %lt3A_74 : i1 to i32
      %cond3A_76 = arith.constant 0 : i32
      %cond3A_77 = arith.cmpi ne, %convert_element_type3A_75, %cond3A_76 : i32
      scf.if %cond3A_77 {
        %mul3A_78 = arith.constant 80 : i32
        %mul3A_79 = arith.muli %mul3A_37, %mul3A_78 : i32
        %add3A_80 = arith.addi %mul3A_2, %mul3A_79 : i32
        %dma_wait3A_81 = arith.constant 0 : i32
        %dma_wait3A_82 = tpu.memref_slice %arg4[%add3A_80, %dma_wait3A_81] : memref<320000x128xf32, #tpu.memory_space<hbm>> -> memref<80x128xf32, #tpu.memory_space<hbm>>
        %dma_wait3A_83 = arith.constant 0 : i32
        %dma_wait3A_84 = tpu.memref_slice %arg4[%add3A_80, %dma_wait3A_83] : memref<320000x128xf32, #tpu.memory_space<hbm>> -> memref<80x128xf32, #tpu.memory_space<hbm>>
        tpu.wait_dma2 semaphore(%arg10 : memref<!tpu.dma_semaphore, #tpu.memory_space<semaphore_mem>>) src(%arg6 : memref<80x128xf32, #tpu.memory_space<vmem>>) dst(%dma_wait3A_84 : memref<80x128xf32, #tpu.memory_space<hbm>>)
        %add3A_85 = arith.constant 2 : i32
        %add3A_86 = arith.addi %mul3A_37, %add3A_85 : i32
        %mul3A_87 = arith.constant 80 : i32
        %mul3A_88 = arith.muli %add3A_86, %mul3A_87 : i32
        %dma_start3A_89 = tpu.memref_slice %arg5[%mul3A_88] : memref<10000xi32, #tpu.memory_space<vmem>> -> memref<80xi32, #tpu.memory_space<vmem>>
        %dma_start3A_90 = arith.constant 0 : i32
        %dma_start3A_91 = arith.constant 0 : i32
        %dma_start3A_92 = tpu.memref_slice %arg2[%dma_start3A_90, %dma_start3A_91] : memref<10000x128xf32, #tpu.memory_space<hbm>> -> memref<10000x128xf32, #tpu.memory_space<hbm>>
        tpu.enqueue_indirect_dma source(%dma_start3A_92 : memref<10000x128xf32, #tpu.memory_space<hbm>>) target(%arg6 : memref<80x128xf32, #tpu.memory_space<vmem>>) offsets(%dma_start3A_89 : memref<80xi32, #tpu.memory_space<vmem>>) semaphore(%arg8 : memref<!tpu.dma_semaphore, #tpu.memory_space<semaphore_mem>>)
      } else {
      }
    }
    %scan3A_11 = arith.constant 62 : i32
    %add3A_12 = arith.constant 9760 : i32
    %add3A_13 = arith.addi %mul3A_2, %add3A_12 : i32
    %dma_wait3A = arith.constant 0 : i32
    %dma_wait3A_14 = tpu.memref_slice %arg4[%add3A_13, %dma_wait3A] : memref<320000x128xf32, #tpu.memory_space<hbm>> -> memref<80x128xf32, #tpu.memory_space<hbm>>
    %dma_wait3A_15 = arith.constant 0 : i32
    %dma_wait3A_16 = tpu.memref_slice %arg4[%add3A_13, %dma_wait3A_15] : memref<320000x128xf32, #tpu.memory_space<hbm>> -> memref<80x128xf32, #tpu.memory_space<hbm>>
    tpu.wait_dma2 semaphore(%arg10 : memref<!tpu.dma_semaphore, #tpu.memory_space<semaphore_mem>>) src(%arg6 : memref<80x128xf32, #tpu.memory_space<vmem>>) dst(%dma_wait3A_16 : memref<80x128xf32, #tpu.memory_space<hbm>>)
    %add3A_17 = arith.constant 9840 : i32
    %add3A_18 = arith.addi %mul3A_2, %add3A_17 : i32
    %dma_wait3A_19 = arith.constant 0 : i32
    %dma_wait3A_20 = tpu.memref_slice %arg4[%add3A_18, %dma_wait3A_19] : memref<320000x128xf32, #tpu.memory_space<hbm>> -> memref<80x128xf32, #tpu.memory_space<hbm>>
    %dma_wait3A_21 = arith.constant 0 : i32
    %dma_wait3A_22 = tpu.memref_slice %arg4[%add3A_18, %dma_wait3A_21] : memref<320000x128xf32, #tpu.memory_space<hbm>> -> memref<80x128xf32, #tpu.memory_space<hbm>>
    tpu.wait_dma2 semaphore(%arg11 : memref<!tpu.dma_semaphore, #tpu.memory_space<semaphore_mem>>) src(%arg7 : memref<80x128xf32, #tpu.memory_space<vmem>>) dst(%dma_wait3A_22 : memref<80x128xf32, #tpu.memory_space<hbm>>)
    %dma_start3A_23 = arith.constant 9920 : i32
    %dma_start3A_24 = tpu.memref_slice %arg5[%dma_start3A_23] : memref<10000xi32, #tpu.memory_space<vmem>> -> memref<80xi32, #tpu.memory_space<vmem>>
    %dma_start3A_25 = arith.constant 0 : i32
    %dma_start3A_26 = arith.constant 0 : i32
    %dma_start3A_27 = tpu.memref_slice %arg2[%dma_start3A_25, %dma_start3A_26] : memref<10000x128xf32, #tpu.memory_space<hbm>> -> memref<10000x128xf32, #tpu.memory_space<hbm>>
    tpu.enqueue_indirect_dma source(%dma_start3A_27 : memref<10000x128xf32, #tpu.memory_space<hbm>>) target(%arg6 : memref<80x128xf32, #tpu.memory_space<vmem>>) offsets(%dma_start3A_24 : memref<80xi32, #tpu.memory_space<vmem>>) semaphore(%arg8 : memref<!tpu.dma_semaphore, #tpu.memory_space<semaphore_mem>>)
    %dma_wait3A_28 = arith.constant 9920 : i32
    %dma_wait3A_29 = tpu.memref_slice %arg5[%dma_wait3A_28] : memref<10000xi32, #tpu.memory_space<vmem>> -> memref<80xi32, #tpu.memory_space<vmem>>
    %dma_wait3A_30 = arith.constant 0 : i32
    %dma_wait3A_31 = arith.constant 0 : i32
    %dma_wait3A_32 = tpu.memref_slice %arg2[%dma_wait3A_30, %dma_wait3A_31] : memref<10000x128xf32, #tpu.memory_space<hbm>> -> memref<10000x128xf32, #tpu.memory_space<hbm>>
    tpu.wait_indirect_dma semaphore(%arg8 : memref<!tpu.dma_semaphore, #tpu.memory_space<semaphore_mem>>) src(%dma_wait3A_32 : memref<10000x128xf32, #tpu.memory_space<hbm>>) dst(%arg6 : memref<80x128xf32, #tpu.memory_space<vmem>>)
    %add3A_33 = arith.constant 9920 : i32
    %add3A_34 = arith.addi %mul3A_2, %add3A_33 : i32
    "tpu.region"() ({
      %run_scoped3A = tpu.sem_alloc : memref<!tpu.dma_semaphore, #tpu.memory_space<semaphore_mem>>
      %dma_start3A_35 = arith.constant 0 : i32
      %dma_start3A_36 = tpu.memref_slice %arg4[%add3A_34, %dma_start3A_35] : memref<320000x128xf32, #tpu.memory_space<hbm>> -> memref<80x128xf32, #tpu.memory_space<hbm>>
      %dma_start3A_37 = arith.constant 0 : i32
      %dma_start3A_38 = tpu.memref_slice %arg4[%add3A_34, %dma_start3A_37] : memref<320000x128xf32, #tpu.memory_space<hbm>> -> memref<80x128xf32, #tpu.memory_space<hbm>>
      tpu.enqueue_dma source(%arg6 : memref<80x128xf32, #tpu.memory_space<vmem>>) target(%dma_start3A_38 : memref<80x128xf32, #tpu.memory_space<hbm>>) target_semaphore(%run_scoped3A : memref<!tpu.dma_semaphore, #tpu.memory_space<semaphore_mem>>)
      %dma_wait3A_39 = arith.constant 0 : i32
      %dma_wait3A_40 = tpu.memref_slice %arg4[%add3A_34, %dma_wait3A_39] : memref<320000x128xf32, #tpu.memory_space<hbm>> -> memref<80x128xf32, #tpu.memory_space<hbm>>
      %dma_wait3A_41 = arith.constant 0 : i32
      %dma_wait3A_42 = tpu.memref_slice %arg4[%add3A_34, %dma_wait3A_41] : memref<320000x128xf32, #tpu.memory_space<hbm>> -> memref<80x128xf32, #tpu.memory_space<hbm>>
      tpu.wait_dma2 semaphore(%run_scoped3A : memref<!tpu.dma_semaphore, #tpu.memory_space<semaphore_mem>>) src(%arg6 : memref<80x128xf32, #tpu.memory_space<vmem>>) dst(%dma_wait3A_42 : memref<80x128xf32, #tpu.memory_space<hbm>>)
      tpu.yield
    }) : () -> ()
    return
  }
}

module attributes {stable_mosaic.version = 14 : i64} {
  func.func @body(%arg0: i32, %arg1: memref<1280x128xf32, #tpu.memory_space<vmem>>, %arg2: memref<1280x128xf32, #tpu.memory_space<vmem>>, %arg3: memref<1280x16xf32, #tpu.memory_space<vmem>>, %arg4: memref<128x145xbf16, #tpu.memory_space<vmem>>, %arg5: memref<128x17xbf16, #tpu.memory_space<vmem>>, %arg6: memref<16x17xbf16, #tpu.memory_space<vmem>>, %arg7: memref<1x16xf32, #tpu.memory_space<vmem>>, %arg8: memref<16x16xbf16, #tpu.memory_space<vmem>>, %arg9: memref<1x16xf32, #tpu.memory_space<vmem>>, %arg10: memref<1x1xf32, #tpu.memory_space<vmem>>, %arg11: memref<1x16xf32, #tpu.memory_space<vmem>>, %arg12: memref<1x16xf32, #tpu.memory_space<vmem>>, %arg13: memref<16x128xbf16, #tpu.memory_space<vmem>>, %arg14: memref<1x128xf32, #tpu.memory_space<vmem>>, %arg15: memref<128x128xbf16, #tpu.memory_space<vmem>>, %arg16: memref<1x128xf32, #tpu.memory_space<vmem>>, %arg17: memref<1280x16xf32, #tpu.memory_space<vmem>>, %arg18: memref<1280x128xf32, #tpu.memory_space<vmem>>) attributes {dimension_semantics = [#tpu.dimension_semantics<arbitrary>], iteration_bounds = array<i64: 125>, scalar_prefetch = 0 : i64, scratch_operands = 0 : i64, tpu.core_type = #tpu.core_type<tc>, window_params = [{transform_indices = @transform_0, window_bounds = array<i64: 1280, 128>}, {transform_indices = @transform_1, window_bounds = array<i64: 1280, 128>}, {transform_indices = @transform_2, window_bounds = array<i64: 1280, 16>}, {pipeline_mode = #tpu.pipeline_mode<synchronous>, transform_indices = @transform_3, window_bounds = array<i64: 128, 145>}, {pipeline_mode = #tpu.pipeline_mode<synchronous>, transform_indices = @transform_4, window_bounds = array<i64: 128, 17>}, {pipeline_mode = #tpu.pipeline_mode<synchronous>, transform_indices = @transform_5, window_bounds = array<i64: 16, 17>}, {pipeline_mode = #tpu.pipeline_mode<synchronous>, transform_indices = @transform_6, window_bounds = array<i64: 1, 16>}, {pipeline_mode = #tpu.pipeline_mode<synchronous>, transform_indices = @transform_7, window_bounds = array<i64: 16, 16>}, {pipeline_mode = #tpu.pipeline_mode<synchronous>, transform_indices = @transform_8, window_bounds = array<i64: 1, 16>}, {pipeline_mode = #tpu.pipeline_mode<synchronous>, transform_indices = @transform_9, window_bounds = array<i64: 1, 1>}, {pipeline_mode = #tpu.pipeline_mode<synchronous>, transform_indices = @transform_10, window_bounds = array<i64: 1, 16>}, {pipeline_mode = #tpu.pipeline_mode<synchronous>, transform_indices = @transform_11, window_bounds = array<i64: 1, 16>}, {pipeline_mode = #tpu.pipeline_mode<synchronous>, transform_indices = @transform_12, window_bounds = array<i64: 16, 128>}, {pipeline_mode = #tpu.pipeline_mode<synchronous>, transform_indices = @transform_13, window_bounds = array<i64: 1, 128>}, {pipeline_mode = #tpu.pipeline_mode<synchronous>, transform_indices = @transform_14, window_bounds = array<i64: 128, 128>}, {pipeline_mode = #tpu.pipeline_mode<synchronous>, transform_indices = @transform_15, window_bounds = array<i64: 1, 128>}, {transform_indices = @transform_16, window_bounds = array<i64: 1280, 16>}, {transform_indices = @transform_17, window_bounds = array<i64: 1280, 128>}]} {
    %get3A = arith.constant 0 : index
    %get3A_0 = arith.constant 0 : index
    %get3A_1 = vector.load %arg1[%get3A, %get3A_0] : memref<1280x128xf32, #tpu.memory_space<vmem>>, vector<1280x128xf32>
    %convert_element_type3A = arith.truncf %get3A_1 : vector<1280x128xf32> to vector<1280x128xbf16>
    %get3A_2 = arith.constant 0 : index
    %get3A_3 = arith.constant 0 : index
    %get3A_4 = vector.load %arg2[%get3A_2, %get3A_3] : memref<1280x128xf32, #tpu.memory_space<vmem>>, vector<1280x128xf32>
    %convert_element_type3A_5 = arith.truncf %get3A_4 : vector<1280x128xf32> to vector<1280x128xbf16>
    %get3A_6 = arith.constant 0 : index
    %get3A_7 = arith.constant 0 : index
    %get3A_8 = vector.load %arg3[%get3A_6, %get3A_7] : memref<1280x16xf32, #tpu.memory_space<vmem>>, vector<1280x16xf32>
    %get3A_9 = arith.constant 0 : index
    %get3A_10 = arith.constant 0 : index
    %get3A_11 = vector.load %arg4[%get3A_9, %get3A_10] : memref<128x145xbf16, #tpu.memory_space<vmem>>, vector<128x145xbf16>
    %dot_general3A = arith.constant dense<0.000000e+00> : vector<1280x145xf32>
    %dot_general3A_12 = tpu.matmul %convert_element_type3A, %get3A_11, %dot_general3A {dimension_numbers = #tpu.dot_dimension_numbers<[1], [0], [0], [1], [0, 0, 1, 1], [], []>, transpose_lhs_hint = false} : vector<1280x128xbf16>, vector<128x145xbf16>, vector<1280x145xf32> -> vector<1280x145xf32>
    %get3A_13 = arith.constant 0 : index
    %get3A_14 = arith.constant 0 : index
    %get3A_15 = vector.load %arg5[%get3A_13, %get3A_14] : memref<128x17xbf16, #tpu.memory_space<vmem>>, vector<128x17xbf16>
    %dot_general3A_16 = arith.constant dense<0.000000e+00> : vector<1280x17xf32>
    %dot_general3A_17 = tpu.matmul %convert_element_type3A_5, %get3A_15, %dot_general3A_16 {dimension_numbers = #tpu.dot_dimension_numbers<[1], [0], [0], [1], [0, 0, 1, 1], [], []>, transpose_lhs_hint = false} : vector<1280x128xbf16>, vector<128x17xbf16>, vector<1280x17xf32> -> vector<1280x17xf32>
    %convert_element_type3A_18 = arith.truncf %get3A_8 : vector<1280x16xf32> to vector<1280x16xbf16>
    %get3A_19 = arith.constant 0 : index
    %get3A_20 = arith.constant 0 : index
    %get3A_21 = vector.load %arg6[%get3A_19, %get3A_20] : memref<16x17xbf16, #tpu.memory_space<vmem>>, vector<16x17xbf16>
    %dot_general3A_22 = arith.constant dense<0.000000e+00> : vector<1280x17xf32>
    %dot_general3A_23 = tpu.matmul %convert_element_type3A_18, %get3A_21, %dot_general3A_22 {dimension_numbers = #tpu.dot_dimension_numbers<[1], [0], [0], [1], [0, 0, 1, 1], [], []>, transpose_lhs_hint = false} : vector<1280x16xbf16>, vector<16x17xbf16>, vector<1280x17xf32> -> vector<1280x17xf32>
    %slice3A = vector.extract_strided_slice %dot_general3A_12 {offsets = [0, 128], sizes = [1280, 17], strides = [1, 1]} : vector<1280x145xf32> to vector<1280x17xf32>
    %add3A = arith.addf %slice3A, %dot_general3A_17 : vector<1280x17xf32>
    %add3A_24 = arith.addf %add3A, %dot_general3A_23 : vector<1280x17xf32>
    %slice3A_25 = vector.extract_strided_slice %add3A_24 {offsets = [0, 0], sizes = [1280, 16], strides = [1, 1]} : vector<1280x17xf32> to vector<1280x16xf32>
    %get3A_26 = arith.constant 0 : index
    %get3A_27 = arith.constant 0 : index
    %get3A_28 = vector.load %arg7[%get3A_26, %get3A_27] : memref<1x16xf32, #tpu.memory_space<vmem>>, vector<1x16xf32>
    %add3A_29 = vector.broadcast %get3A_28 : vector<1x16xf32> to vector<1280x16xf32>
    %add3A_30 = arith.addf %slice3A_25, %add3A_29 : vector<1280x16xf32>
    %mul3A = arith.constant 5.000000e-01 : f32
    %mul3A_31 = vector.broadcast %mul3A : f32 to vector<1280x16xf32>
    %mul3A_32 = arith.mulf %mul3A_31, %add3A_30 : vector<1280x16xf32>
    %mul3A_33 = arith.constant 0.707106769 : f32
    %mul3A_34 = vector.broadcast %mul3A_33 : f32 to vector<1280x16xf32>
    %mul3A_35 = arith.mulf %add3A_30, %mul3A_34 : vector<1280x16xf32>
    %erf3A = math.erf %mul3A_35 : vector<1280x16xf32>
    %add3A_36 = arith.constant 1.000000e+00 : f32
    %add3A_37 = vector.broadcast %add3A_36 : f32 to vector<1280x16xf32>
    %add3A_38 = arith.addf %add3A_37, %erf3A : vector<1280x16xf32>
    %mul3A_39 = arith.mulf %mul3A_32, %add3A_38 : vector<1280x16xf32>
    %slice3A_40 = vector.extract_strided_slice %add3A_24 {offsets = [0, 16], sizes = [1280, 1], strides = [1, 1]} : vector<1280x17xf32> to vector<1280x1xf32>
    %get3A_41 = arith.constant 0 : index
    %get3A_42 = arith.constant 0 : index
    %get3A_43 = vector.load %arg10[%get3A_41, %get3A_42] : memref<1x1xf32, #tpu.memory_space<vmem>>, vector<1x1xf32>
    %add3A_44 = vector.broadcast %get3A_43 : vector<1x1xf32> to vector<1280x1xf32>
    %add3A_45 = arith.addf %slice3A_40, %add3A_44 : vector<1280x1xf32>
    %mul3A_46 = arith.constant 5.000000e-01 : f32
    %mul3A_47 = vector.broadcast %mul3A_46 : f32 to vector<1280x1xf32>
    %mul3A_48 = arith.mulf %add3A_45, %mul3A_47 : vector<1280x1xf32>
    %tanh3A = math.tanh %mul3A_48 : vector<1280x1xf32>
    %mul3A_49 = arith.constant 5.000000e-01 : f32
    %mul3A_50 = vector.broadcast %mul3A_49 : f32 to vector<1280x1xf32>
    %mul3A_51 = arith.mulf %mul3A_50, %tanh3A : vector<1280x1xf32>
    %add3A_52 = arith.constant 5.000000e-01 : f32
    %add3A_53 = vector.broadcast %add3A_52 : f32 to vector<1280x1xf32>
    %add3A_54 = arith.addf %mul3A_51, %add3A_53 : vector<1280x1xf32>
    %convert_element_type3A_55 = arith.truncf %mul3A_39 : vector<1280x16xf32> to vector<1280x16xbf16>
    %get3A_56 = arith.constant 0 : index
    %get3A_57 = arith.constant 0 : index
    %get3A_58 = vector.load %arg8[%get3A_56, %get3A_57] : memref<16x16xbf16, #tpu.memory_space<vmem>>, vector<16x16xbf16>
    %dot_general3A_59 = arith.constant dense<0.000000e+00> : vector<1280x16xf32>
    %dot_general3A_60 = tpu.matmul %convert_element_type3A_55, %get3A_58, %dot_general3A_59 {dimension_numbers = #tpu.dot_dimension_numbers<[1], [0], [0], [1], [0, 0, 1, 1], [], []>, transpose_lhs_hint = false} : vector<1280x16xbf16>, vector<16x16xbf16>, vector<1280x16xf32> -> vector<1280x16xf32>
    %get3A_61 = arith.constant 0 : index
    %get3A_62 = arith.constant 0 : index
    %get3A_63 = vector.load %arg9[%get3A_61, %get3A_62] : memref<1x16xf32, #tpu.memory_space<vmem>>, vector<1x16xf32>
    %add3A_64 = vector.broadcast %get3A_63 : vector<1x16xf32> to vector<1280x16xf32>
    %add3A_65 = arith.addf %dot_general3A_60, %add3A_64 : vector<1280x16xf32>
    %mul3A_66 = vector.broadcast %add3A_54 : vector<1280x1xf32> to vector<1280x16xf32>
    %mul3A_67 = arith.mulf %add3A_65, %mul3A_66 : vector<1280x16xf32>
    %add3A_68 = arith.addf %get3A_8, %mul3A_67 : vector<1280x16xf32>
    %broadcast_in_dim3A = arith.constant 6.250000e-02 : bf16
    %broadcast_in_dim3A_69 = vector.broadcast %broadcast_in_dim3A : bf16 to vector<16x16xbf16>
    %convert_element_type3A_70 = arith.truncf %add3A_68 : vector<1280x16xf32> to vector<1280x16xbf16>
    %dot_general3A_71 = arith.constant dense<0.000000e+00> : vector<1280x16xf32>
    %dot_general3A_72 = tpu.matmul %convert_element_type3A_70, %broadcast_in_dim3A_69, %dot_general3A_71 {dimension_numbers = #tpu.dot_dimension_numbers<[1], [0], [0], [1], [0, 0, 1, 1], [], []>, transpose_lhs_hint = false} : vector<1280x16xbf16>, vector<16x16xbf16>, vector<1280x16xf32> -> vector<1280x16xf32>
    %sub3A = arith.subf %add3A_68, %dot_general3A_72 : vector<1280x16xf32>
    %mul3A_73 = arith.mulf %sub3A, %sub3A : vector<1280x16xf32>
    %convert_element_type3A_74 = arith.truncf %mul3A_73 : vector<1280x16xf32> to vector<1280x16xbf16>
    %dot_general3A_75 = arith.constant dense<0.000000e+00> : vector<1280x16xf32>
    %dot_general3A_76 = tpu.matmul %convert_element_type3A_74, %broadcast_in_dim3A_69, %dot_general3A_75 {dimension_numbers = #tpu.dot_dimension_numbers<[1], [0], [0], [1], [0, 0, 1, 1], [], []>, transpose_lhs_hint = false} : vector<1280x16xbf16>, vector<16x16xbf16>, vector<1280x16xf32> -> vector<1280x16xf32>
    %add3A_77 = arith.constant 9.99999974E-6 : f32
    %add3A_78 = vector.broadcast %add3A_77 : f32 to vector<1280x16xf32>
    %add3A_79 = arith.addf %dot_general3A_76, %add3A_78 : vector<1280x16xf32>
    %rsqrt3A = math.rsqrt %add3A_79 : vector<1280x16xf32>
    %mul3A_80 = arith.mulf %sub3A, %rsqrt3A : vector<1280x16xf32>
    %get3A_81 = arith.constant 0 : index
    %get3A_82 = arith.constant 0 : index
    %get3A_83 = vector.load %arg11[%get3A_81, %get3A_82] : memref<1x16xf32, #tpu.memory_space<vmem>>, vector<1x16xf32>
    %mul3A_84 = vector.broadcast %get3A_83 : vector<1x16xf32> to vector<1280x16xf32>
    %mul3A_85 = arith.mulf %mul3A_80, %mul3A_84 : vector<1280x16xf32>
    %get3A_86 = arith.constant 0 : index
    %get3A_87 = arith.constant 0 : index
    %get3A_88 = vector.load %arg12[%get3A_86, %get3A_87] : memref<1x16xf32, #tpu.memory_space<vmem>>, vector<1x16xf32>
    %add3A_89 = vector.broadcast %get3A_88 : vector<1x16xf32> to vector<1280x16xf32>
    %add3A_90 = arith.addf %mul3A_85, %add3A_89 : vector<1280x16xf32>
    %swap3A = arith.constant 0 : index
    %swap3A_91 = arith.constant 0 : index
    %swap3A_92 = vector.load %arg17[%swap3A, %swap3A_91] : memref<1280x16xf32, #tpu.memory_space<vmem>>, vector<1280x16xf32>
    tpu.vector_store %arg17[%swap3A, %swap3A_91], %add3A_90 {strides = array<i32>} : memref<1280x16xf32, #tpu.memory_space<vmem>>, vector<1280x16xf32>,
    %slice3A_93 = vector.extract_strided_slice %dot_general3A_12 {offsets = [0, 0], sizes = [1280, 128], strides = [1, 1]} : vector<1280x145xf32> to vector<1280x128xf32>
    %convert_element_type3A_94 = arith.truncf %add3A_90 : vector<1280x16xf32> to vector<1280x16xbf16>
    %get3A_95 = arith.constant 0 : index
    %get3A_96 = arith.constant 0 : index
    %get3A_97 = vector.load %arg13[%get3A_95, %get3A_96] : memref<16x128xbf16, #tpu.memory_space<vmem>>, vector<16x128xbf16>
    %dot_general3A_98 = arith.constant dense<0.000000e+00> : vector<1280x128xf32>
    %dot_general3A_99 = tpu.matmul %convert_element_type3A_94, %get3A_97, %dot_general3A_98 {dimension_numbers = #tpu.dot_dimension_numbers<[1], [0], [0], [1], [0, 0, 1, 1], [], []>, transpose_lhs_hint = false} : vector<1280x16xbf16>, vector<16x128xbf16>, vector<1280x128xf32> -> vector<1280x128xf32>
    %add3A_100 = arith.addf %slice3A_93, %dot_general3A_99 : vector<1280x128xf32>
    %get3A_101 = arith.constant 0 : index
    %get3A_102 = arith.constant 0 : index
    %get3A_103 = vector.load %arg14[%get3A_101, %get3A_102] : memref<1x128xf32, #tpu.memory_space<vmem>>, vector<1x128xf32>
    %add3A_104 = vector.broadcast %get3A_103 : vector<1x128xf32> to vector<1280x128xf32>
    %add3A_105 = arith.addf %add3A_100, %add3A_104 : vector<1280x128xf32>
    %mul3A_106 = arith.constant 5.000000e-01 : f32
    %mul3A_107 = vector.broadcast %mul3A_106 : f32 to vector<1280x128xf32>
    %mul3A_108 = arith.mulf %mul3A_107, %add3A_105 : vector<1280x128xf32>
    %mul3A_109 = arith.constant 0.707106769 : f32
    %mul3A_110 = vector.broadcast %mul3A_109 : f32 to vector<1280x128xf32>
    %mul3A_111 = arith.mulf %add3A_105, %mul3A_110 : vector<1280x128xf32>
    %erf3A_112 = math.erf %mul3A_111 : vector<1280x128xf32>
    %add3A_113 = arith.constant 1.000000e+00 : f32
    %add3A_114 = vector.broadcast %add3A_113 : f32 to vector<1280x128xf32>
    %add3A_115 = arith.addf %add3A_114, %erf3A_112 : vector<1280x128xf32>
    %mul3A_116 = arith.mulf %mul3A_108, %add3A_115 : vector<1280x128xf32>
    %convert_element_type3A_117 = arith.truncf %mul3A_116 : vector<1280x128xf32> to vector<1280x128xbf16>
    %get3A_118 = arith.constant 0 : index
    %get3A_119 = arith.constant 0 : index
    %get3A_120 = vector.load %arg15[%get3A_118, %get3A_119] : memref<128x128xbf16, #tpu.memory_space<vmem>>, vector<128x128xbf16>
    %dot_general3A_121 = arith.constant dense<0.000000e+00> : vector<1280x128xf32>
    %dot_general3A_122 = tpu.matmul %convert_element_type3A_117, %get3A_120, %dot_general3A_121 {dimension_numbers = #tpu.dot_dimension_numbers<[1], [0], [0], [1], [0, 0, 1, 1], [], []>, transpose_lhs_hint = false} : vector<1280x128xbf16>, vector<128x128xbf16>, vector<1280x128xf32> -> vector<1280x128xf32>
    %get3A_123 = arith.constant 0 : index
    %get3A_124 = arith.constant 0 : index
    %get3A_125 = vector.load %arg16[%get3A_123, %get3A_124] : memref<1x128xf32, #tpu.memory_space<vmem>>, vector<1x128xf32>
    %add3A_126 = vector.broadcast %get3A_125 : vector<1x128xf32> to vector<1280x128xf32>
    %add3A_127 = arith.addf %dot_general3A_122, %add3A_126 : vector<1280x128xf32>
    %swap3A_128 = arith.constant 0 : index
    %swap3A_129 = arith.constant 0 : index
    %swap3A_130 = vector.load %arg18[%swap3A_128, %swap3A_129] : memref<1280x128xf32, #tpu.memory_space<vmem>>, vector<1280x128xf32>
    tpu.vector_store %arg18[%swap3A_128, %swap3A_129], %add3A_127 {strides = array<i32>} : memref<1280x128xf32, #tpu.memory_space<vmem>>, vector<1280x128xf32>,
    return
  }
  func.func @transform_0(%arg0: i32) -> (i32, i32) {
    %c0_i32 = arith.constant 0 : i32
    %c0_i32_0 = arith.constant 0 : i32
    return %arg0, %c0_i32 : i32, i32
  }
  func.func @transform_1(%arg0: i32) -> (i32, i32) {
    %add3A = arith.constant 125 : i32
    %add3A_0 = arith.addi %arg0, %add3A : i32
    %c0_i32 = arith.constant 0 : i32
    %c0_i32_1 = arith.constant 0 : i32
    return %add3A_0, %c0_i32 : i32, i32
  }
  func.func @transform_2(%arg0: i32) -> (i32, i32) {
    %add3A = arith.constant 125 : i32
    %add3A_0 = arith.addi %arg0, %add3A : i32
    %c0_i32 = arith.constant 0 : i32
    %c0_i32_1 = arith.constant 0 : i32
    return %add3A_0, %c0_i32 : i32, i32
  }
  func.func @transform_3(%arg0: i32) -> (i32, i32) {
    %c0_i32 = arith.constant 0 : i32
    %c0_i32_0 = arith.constant 0 : i32
    %c0_i32_1 = arith.constant 0 : i32
    return %c0_i32, %c0_i32_0 : i32, i32
  }
  func.func @transform_4(%arg0: i32) -> (i32, i32) {
    %c0_i32 = arith.constant 0 : i32
    %c0_i32_0 = arith.constant 0 : i32
    %c0_i32_1 = arith.constant 0 : i32
    return %c0_i32, %c0_i32_0 : i32, i32
  }
  func.func @transform_5(%arg0: i32) -> (i32, i32) {
    %c0_i32 = arith.constant 0 : i32
    %c0_i32_0 = arith.constant 0 : i32
    %c0_i32_1 = arith.constant 0 : i32
    return %c0_i32, %c0_i32_0 : i32, i32
  }
  func.func @transform_6(%arg0: i32) -> (i32, i32) {
    %c0_i32 = arith.constant 0 : i32
    %c0_i32_0 = arith.constant 0 : i32
    %c0_i32_1 = arith.constant 0 : i32
    return %c0_i32, %c0_i32_0 : i32, i32
  }
  func.func @transform_7(%arg0: i32) -> (i32, i32) {
    %c0_i32 = arith.constant 0 : i32
    %c0_i32_0 = arith.constant 0 : i32
    %c0_i32_1 = arith.constant 0 : i32
    return %c0_i32, %c0_i32_0 : i32, i32
  }
  func.func @transform_8(%arg0: i32) -> (i32, i32) {
    %c0_i32 = arith.constant 0 : i32
    %c0_i32_0 = arith.constant 0 : i32
    %c0_i32_1 = arith.constant 0 : i32
    return %c0_i32, %c0_i32_0 : i32, i32
  }
  func.func @transform_9(%arg0: i32) -> (i32, i32) {
    %c0_i32 = arith.constant 0 : i32
    %c0_i32_0 = arith.constant 0 : i32
    %c0_i32_1 = arith.constant 0 : i32
    return %c0_i32, %c0_i32_0 : i32, i32
  }
  func.func @transform_10(%arg0: i32) -> (i32, i32) {
    %c0_i32 = arith.constant 0 : i32
    %c0_i32_0 = arith.constant 0 : i32
    %c0_i32_1 = arith.constant 0 : i32
    return %c0_i32, %c0_i32_0 : i32, i32
  }
  func.func @transform_11(%arg0: i32) -> (i32, i32) {
    %c0_i32 = arith.constant 0 : i32
    %c0_i32_0 = arith.constant 0 : i32
    %c0_i32_1 = arith.constant 0 : i32
    return %c0_i32, %c0_i32_0 : i32, i32
  }
  func.func @transform_12(%arg0: i32) -> (i32, i32) {
    %c0_i32 = arith.constant 0 : i32
    %c0_i32_0 = arith.constant 0 : i32
    %c0_i32_1 = arith.constant 0 : i32
    return %c0_i32, %c0_i32_0 : i32, i32
  }
  func.func @transform_13(%arg0: i32) -> (i32, i32) {
    %c0_i32 = arith.constant 0 : i32
    %c0_i32_0 = arith.constant 0 : i32
    %c0_i32_1 = arith.constant 0 : i32
    return %c0_i32, %c0_i32_0 : i32, i32
  }
  func.func @transform_14(%arg0: i32) -> (i32, i32) {
    %c0_i32 = arith.constant 0 : i32
    %c0_i32_0 = arith.constant 0 : i32
    %c0_i32_1 = arith.constant 0 : i32
    return %c0_i32, %c0_i32_0 : i32, i32
  }
  func.func @transform_15(%arg0: i32) -> (i32, i32) {
    %c0_i32 = arith.constant 0 : i32
    %c0_i32_0 = arith.constant 0 : i32
    %c0_i32_1 = arith.constant 0 : i32
    return %c0_i32, %c0_i32_0 : i32, i32
  }
  func.func @transform_16(%arg0: i32) -> (i32, i32) {
    %c0_i32 = arith.constant 0 : i32
    %c0_i32_0 = arith.constant 0 : i32
    return %arg0, %c0_i32 : i32, i32
  }
  func.func @transform_17(%arg0: i32) -> (i32, i32) {
    %c0_i32 = arith.constant 0 : i32
    %c0_i32_0 = arith.constant 0 : i32
    return %arg0, %c0_i32 : i32, i32
  }
}

module attributes {stable_mosaic.version = 14 : i64} {
  func.func @body(%arg0: i32, %arg1: memref<1280x128xf32, #tpu.memory_space<vmem>>, %arg2: memref<1280x128xf32, #tpu.memory_space<vmem>>, %arg3: memref<1280x16xf32, #tpu.memory_space<vmem>>, %arg4: memref<128x145xbf16, #tpu.memory_space<vmem>>, %arg5: memref<128x17xbf16, #tpu.memory_space<vmem>>, %arg6: memref<16x17xbf16, #tpu.memory_space<vmem>>, %arg7: memref<1x16xf32, #tpu.memory_space<vmem>>, %arg8: memref<16x16xbf16, #tpu.memory_space<vmem>>, %arg9: memref<1x16xf32, #tpu.memory_space<vmem>>, %arg10: memref<1x1xf32, #tpu.memory_space<vmem>>, %arg11: memref<1x16xf32, #tpu.memory_space<vmem>>, %arg12: memref<1x16xf32, #tpu.memory_space<vmem>>, %arg13: memref<16x128xbf16, #tpu.memory_space<vmem>>, %arg14: memref<1x128xf32, #tpu.memory_space<vmem>>, %arg15: memref<128x128xbf16, #tpu.memory_space<vmem>>, %arg16: memref<1x128xf32, #tpu.memory_space<vmem>>, %arg17: memref<1280x16xf32, #tpu.memory_space<vmem>>, %arg18: memref<1280x128xf32, #tpu.memory_space<vmem>>) attributes {dimension_semantics = [#tpu.dimension_semantics<arbitrary>], iteration_bounds = array<i64: 125>, scalar_prefetch = 0 : i64, scratch_operands = 0 : i64, tpu.core_type = #tpu.core_type<tc>, window_params = [{transform_indices = @transform_0, window_bounds = array<i64: 1280, 128>}, {transform_indices = @transform_1, window_bounds = array<i64: 1280, 128>}, {transform_indices = @transform_2, window_bounds = array<i64: 1280, 16>}, {pipeline_mode = #tpu.pipeline_mode<synchronous>, transform_indices = @transform_3, window_bounds = array<i64: 128, 145>}, {pipeline_mode = #tpu.pipeline_mode<synchronous>, transform_indices = @transform_4, window_bounds = array<i64: 128, 17>}, {pipeline_mode = #tpu.pipeline_mode<synchronous>, transform_indices = @transform_5, window_bounds = array<i64: 16, 17>}, {pipeline_mode = #tpu.pipeline_mode<synchronous>, transform_indices = @transform_6, window_bounds = array<i64: 1, 16>}, {pipeline_mode = #tpu.pipeline_mode<synchronous>, transform_indices = @transform_7, window_bounds = array<i64: 16, 16>}, {pipeline_mode = #tpu.pipeline_mode<synchronous>, transform_indices = @transform_8, window_bounds = array<i64: 1, 16>}, {pipeline_mode = #tpu.pipeline_mode<synchronous>, transform_indices = @transform_9, window_bounds = array<i64: 1, 1>}, {pipeline_mode = #tpu.pipeline_mode<synchronous>, transform_indices = @transform_10, window_bounds = array<i64: 1, 16>}, {pipeline_mode = #tpu.pipeline_mode<synchronous>, transform_indices = @transform_11, window_bounds = array<i64: 1, 16>}, {pipeline_mode = #tpu.pipeline_mode<synchronous>, transform_indices = @transform_12, window_bounds = array<i64: 16, 128>}, {pipeline_mode = #tpu.pipeline_mode<synchronous>, transform_indices = @transform_13, window_bounds = array<i64: 1, 128>}, {pipeline_mode = #tpu.pipeline_mode<synchronous>, transform_indices = @transform_14, window_bounds = array<i64: 128, 128>}, {pipeline_mode = #tpu.pipeline_mode<synchronous>, transform_indices = @transform_15, window_bounds = array<i64: 1, 128>}, {transform_indices = @transform_16, window_bounds = array<i64: 1280, 16>}, {transform_indices = @transform_17, window_bounds = array<i64: 1280, 128>}]} {
    %get3A = arith.constant 0 : index
    %get3A_0 = arith.constant 0 : index
    %get3A_1 = vector.load %arg1[%get3A, %get3A_0] : memref<1280x128xf32, #tpu.memory_space<vmem>>, vector<1280x128xf32>
    %convert_element_type3A = arith.truncf %get3A_1 : vector<1280x128xf32> to vector<1280x128xbf16>
    %get3A_2 = arith.constant 0 : index
    %get3A_3 = arith.constant 0 : index
    %get3A_4 = vector.load %arg2[%get3A_2, %get3A_3] : memref<1280x128xf32, #tpu.memory_space<vmem>>, vector<1280x128xf32>
    %convert_element_type3A_5 = arith.truncf %get3A_4 : vector<1280x128xf32> to vector<1280x128xbf16>
    %get3A_6 = arith.constant 0 : index
    %get3A_7 = arith.constant 0 : index
    %get3A_8 = vector.load %arg3[%get3A_6, %get3A_7] : memref<1280x16xf32, #tpu.memory_space<vmem>>, vector<1280x16xf32>
    %get3A_9 = arith.constant 0 : index
    %get3A_10 = arith.constant 0 : index
    %get3A_11 = vector.load %arg4[%get3A_9, %get3A_10] : memref<128x145xbf16, #tpu.memory_space<vmem>>, vector<128x145xbf16>
    %dot_general3A = arith.constant dense<0.000000e+00> : vector<1280x145xf32>
    %dot_general3A_12 = tpu.matmul %convert_element_type3A, %get3A_11, %dot_general3A {dimension_numbers = #tpu.dot_dimension_numbers<[1], [0], [0], [1], [0, 0, 1, 1], [], []>, transpose_lhs_hint = false} : vector<1280x128xbf16>, vector<128x145xbf16>, vector<1280x145xf32> -> vector<1280x145xf32>
    %get3A_13 = arith.constant 0 : index
    %get3A_14 = arith.constant 0 : index
    %get3A_15 = vector.load %arg5[%get3A_13, %get3A_14] : memref<128x17xbf16, #tpu.memory_space<vmem>>, vector<128x17xbf16>
    %dot_general3A_16 = arith.constant dense<0.000000e+00> : vector<1280x17xf32>
    %dot_general3A_17 = tpu.matmul %convert_element_type3A_5, %get3A_15, %dot_general3A_16 {dimension_numbers = #tpu.dot_dimension_numbers<[1], [0], [0], [1], [0, 0, 1, 1], [], []>, transpose_lhs_hint = false} : vector<1280x128xbf16>, vector<128x17xbf16>, vector<1280x17xf32> -> vector<1280x17xf32>
    %convert_element_type3A_18 = arith.truncf %get3A_8 : vector<1280x16xf32> to vector<1280x16xbf16>
    %get3A_19 = arith.constant 0 : index
    %get3A_20 = arith.constant 0 : index
    %get3A_21 = vector.load %arg6[%get3A_19, %get3A_20] : memref<16x17xbf16, #tpu.memory_space<vmem>>, vector<16x17xbf16>
    %dot_general3A_22 = arith.constant dense<0.000000e+00> : vector<1280x17xf32>
    %dot_general3A_23 = tpu.matmul %convert_element_type3A_18, %get3A_21, %dot_general3A_22 {dimension_numbers = #tpu.dot_dimension_numbers<[1], [0], [0], [1], [0, 0, 1, 1], [], []>, transpose_lhs_hint = false} : vector<1280x16xbf16>, vector<16x17xbf16>, vector<1280x17xf32> -> vector<1280x17xf32>
    %slice3A = vector.extract_strided_slice %dot_general3A_12 {offsets = [0, 128], sizes = [1280, 17], strides = [1, 1]} : vector<1280x145xf32> to vector<1280x17xf32>
    %add3A = arith.addf %slice3A, %dot_general3A_17 : vector<1280x17xf32>
    %add3A_24 = arith.addf %add3A, %dot_general3A_23 : vector<1280x17xf32>
    %slice3A_25 = vector.extract_strided_slice %add3A_24 {offsets = [0, 0], sizes = [1280, 16], strides = [1, 1]} : vector<1280x17xf32> to vector<1280x16xf32>
    %get3A_26 = arith.constant 0 : index
    %get3A_27 = arith.constant 0 : index
    %get3A_28 = vector.load %arg7[%get3A_26, %get3A_27] : memref<1x16xf32, #tpu.memory_space<vmem>>, vector<1x16xf32>
    %add3A_29 = vector.broadcast %get3A_28 : vector<1x16xf32> to vector<1280x16xf32>
    %add3A_30 = arith.addf %slice3A_25, %add3A_29 : vector<1280x16xf32>
    %mul3A = arith.constant 5.000000e-01 : f32
    %mul3A_31 = vector.broadcast %mul3A : f32 to vector<1280x16xf32>
    %mul3A_32 = arith.mulf %mul3A_31, %add3A_30 : vector<1280x16xf32>
    %mul3A_33 = arith.constant 0.707106769 : f32
    %mul3A_34 = vector.broadcast %mul3A_33 : f32 to vector<1280x16xf32>
    %mul3A_35 = arith.mulf %add3A_30, %mul3A_34 : vector<1280x16xf32>
    %erf3A = math.erf %mul3A_35 : vector<1280x16xf32>
    %add3A_36 = arith.constant 1.000000e+00 : f32
    %add3A_37 = vector.broadcast %add3A_36 : f32 to vector<1280x16xf32>
    %add3A_38 = arith.addf %add3A_37, %erf3A : vector<1280x16xf32>
    %mul3A_39 = arith.mulf %mul3A_32, %add3A_38 : vector<1280x16xf32>
    %slice3A_40 = vector.extract_strided_slice %add3A_24 {offsets = [0, 16], sizes = [1280, 1], strides = [1, 1]} : vector<1280x17xf32> to vector<1280x1xf32>
    %get3A_41 = arith.constant 0 : index
    %get3A_42 = arith.constant 0 : index
    %get3A_43 = vector.load %arg10[%get3A_41, %get3A_42] : memref<1x1xf32, #tpu.memory_space<vmem>>, vector<1x1xf32>
    %add3A_44 = vector.broadcast %get3A_43 : vector<1x1xf32> to vector<1280x1xf32>
    %add3A_45 = arith.addf %slice3A_40, %add3A_44 : vector<1280x1xf32>
    %mul3A_46 = arith.constant 5.000000e-01 : f32
    %mul3A_47 = vector.broadcast %mul3A_46 : f32 to vector<1280x1xf32>
    %mul3A_48 = arith.mulf %add3A_45, %mul3A_47 : vector<1280x1xf32>
    %tanh3A = math.tanh %mul3A_48 : vector<1280x1xf32>
    %mul3A_49 = arith.constant 5.000000e-01 : f32
    %mul3A_50 = vector.broadcast %mul3A_49 : f32 to vector<1280x1xf32>
    %mul3A_51 = arith.mulf %mul3A_50, %tanh3A : vector<1280x1xf32>
    %add3A_52 = arith.constant 5.000000e-01 : f32
    %add3A_53 = vector.broadcast %add3A_52 : f32 to vector<1280x1xf32>
    %add3A_54 = arith.addf %mul3A_51, %add3A_53 : vector<1280x1xf32>
    %convert_element_type3A_55 = arith.truncf %mul3A_39 : vector<1280x16xf32> to vector<1280x16xbf16>
    %get3A_56 = arith.constant 0 : index
    %get3A_57 = arith.constant 0 : index
    %get3A_58 = vector.load %arg8[%get3A_56, %get3A_57] : memref<16x16xbf16, #tpu.memory_space<vmem>>, vector<16x16xbf16>
    %dot_general3A_59 = arith.constant dense<0.000000e+00> : vector<1280x16xf32>
    %dot_general3A_60 = tpu.matmul %convert_element_type3A_55, %get3A_58, %dot_general3A_59 {dimension_numbers = #tpu.dot_dimension_numbers<[1], [0], [0], [1], [0, 0, 1, 1], [], []>, transpose_lhs_hint = false} : vector<1280x16xbf16>, vector<16x16xbf16>, vector<1280x16xf32> -> vector<1280x16xf32>
    %get3A_61 = arith.constant 0 : index
    %get3A_62 = arith.constant 0 : index
    %get3A_63 = vector.load %arg9[%get3A_61, %get3A_62] : memref<1x16xf32, #tpu.memory_space<vmem>>, vector<1x16xf32>
    %add3A_64 = vector.broadcast %get3A_63 : vector<1x16xf32> to vector<1280x16xf32>
    %add3A_65 = arith.addf %dot_general3A_60, %add3A_64 : vector<1280x16xf32>
    %mul3A_66 = vector.broadcast %add3A_54 : vector<1280x1xf32> to vector<1280x16xf32>
    %mul3A_67 = arith.mulf %add3A_65, %mul3A_66 : vector<1280x16xf32>
    %add3A_68 = arith.addf %get3A_8, %mul3A_67 : vector<1280x16xf32>
    %broadcast_in_dim3A = arith.constant 6.250000e-02 : bf16
    %broadcast_in_dim3A_69 = vector.broadcast %broadcast_in_dim3A : bf16 to vector<16x16xbf16>
    %convert_element_type3A_70 = arith.truncf %add3A_68 : vector<1280x16xf32> to vector<1280x16xbf16>
    %dot_general3A_71 = arith.constant dense<0.000000e+00> : vector<1280x16xf32>
    %dot_general3A_72 = tpu.matmul %convert_element_type3A_70, %broadcast_in_dim3A_69, %dot_general3A_71 {dimension_numbers = #tpu.dot_dimension_numbers<[1], [0], [0], [1], [0, 0, 1, 1], [], []>, transpose_lhs_hint = false} : vector<1280x16xbf16>, vector<16x16xbf16>, vector<1280x16xf32> -> vector<1280x16xf32>
    %sub3A = arith.subf %add3A_68, %dot_general3A_72 : vector<1280x16xf32>
    %mul3A_73 = arith.mulf %sub3A, %sub3A : vector<1280x16xf32>
    %convert_element_type3A_74 = arith.truncf %mul3A_73 : vector<1280x16xf32> to vector<1280x16xbf16>
    %dot_general3A_75 = arith.constant dense<0.000000e+00> : vector<1280x16xf32>
    %dot_general3A_76 = tpu.matmul %convert_element_type3A_74, %broadcast_in_dim3A_69, %dot_general3A_75 {dimension_numbers = #tpu.dot_dimension_numbers<[1], [0], [0], [1], [0, 0, 1, 1], [], []>, transpose_lhs_hint = false} : vector<1280x16xbf16>, vector<16x16xbf16>, vector<1280x16xf32> -> vector<1280x16xf32>
    %add3A_77 = arith.constant 9.99999974E-6 : f32
    %add3A_78 = vector.broadcast %add3A_77 : f32 to vector<1280x16xf32>
    %add3A_79 = arith.addf %dot_general3A_76, %add3A_78 : vector<1280x16xf32>
    %rsqrt3A = math.rsqrt %add3A_79 : vector<1280x16xf32>
    %mul3A_80 = arith.mulf %sub3A, %rsqrt3A : vector<1280x16xf32>
    %get3A_81 = arith.constant 0 : index
    %get3A_82 = arith.constant 0 : index
    %get3A_83 = vector.load %arg11[%get3A_81, %get3A_82] : memref<1x16xf32, #tpu.memory_space<vmem>>, vector<1x16xf32>
    %mul3A_84 = vector.broadcast %get3A_83 : vector<1x16xf32> to vector<1280x16xf32>
    %mul3A_85 = arith.mulf %mul3A_80, %mul3A_84 : vector<1280x16xf32>
    %get3A_86 = arith.constant 0 : index
    %get3A_87 = arith.constant 0 : index
    %get3A_88 = vector.load %arg12[%get3A_86, %get3A_87] : memref<1x16xf32, #tpu.memory_space<vmem>>, vector<1x16xf32>
    %add3A_89 = vector.broadcast %get3A_88 : vector<1x16xf32> to vector<1280x16xf32>
    %add3A_90 = arith.addf %mul3A_85, %add3A_89 : vector<1280x16xf32>
    %swap3A = arith.constant 0 : index
    %swap3A_91 = arith.constant 0 : index
    %swap3A_92 = vector.load %arg17[%swap3A, %swap3A_91] : memref<1280x16xf32, #tpu.memory_space<vmem>>, vector<1280x16xf32>
    tpu.vector_store %arg17[%swap3A, %swap3A_91], %add3A_90 {strides = array<i32>} : memref<1280x16xf32, #tpu.memory_space<vmem>>, vector<1280x16xf32>,
    %slice3A_93 = vector.extract_strided_slice %dot_general3A_12 {offsets = [0, 0], sizes = [1280, 128], strides = [1, 1]} : vector<1280x145xf32> to vector<1280x128xf32>
    %convert_element_type3A_94 = arith.truncf %add3A_90 : vector<1280x16xf32> to vector<1280x16xbf16>
    %get3A_95 = arith.constant 0 : index
    %get3A_96 = arith.constant 0 : index
    %get3A_97 = vector.load %arg13[%get3A_95, %get3A_96] : memref<16x128xbf16, #tpu.memory_space<vmem>>, vector<16x128xbf16>
    %dot_general3A_98 = arith.constant dense<0.000000e+00> : vector<1280x128xf32>
    %dot_general3A_99 = tpu.matmul %convert_element_type3A_94, %get3A_97, %dot_general3A_98 {dimension_numbers = #tpu.dot_dimension_numbers<[1], [0], [0], [1], [0, 0, 1, 1], [], []>, transpose_lhs_hint = false} : vector<1280x16xbf16>, vector<16x128xbf16>, vector<1280x128xf32> -> vector<1280x128xf32>
    %add3A_100 = arith.addf %slice3A_93, %dot_general3A_99 : vector<1280x128xf32>
    %get3A_101 = arith.constant 0 : index
    %get3A_102 = arith.constant 0 : index
    %get3A_103 = vector.load %arg14[%get3A_101, %get3A_102] : memref<1x128xf32, #tpu.memory_space<vmem>>, vector<1x128xf32>
    %add3A_104 = vector.broadcast %get3A_103 : vector<1x128xf32> to vector<1280x128xf32>
    %add3A_105 = arith.addf %add3A_100, %add3A_104 : vector<1280x128xf32>
    %mul3A_106 = arith.constant 5.000000e-01 : f32
    %mul3A_107 = vector.broadcast %mul3A_106 : f32 to vector<1280x128xf32>
    %mul3A_108 = arith.mulf %mul3A_107, %add3A_105 : vector<1280x128xf32>
    %mul3A_109 = arith.constant 0.707106769 : f32
    %mul3A_110 = vector.broadcast %mul3A_109 : f32 to vector<1280x128xf32>
    %mul3A_111 = arith.mulf %add3A_105, %mul3A_110 : vector<1280x128xf32>
    %erf3A_112 = math.erf %mul3A_111 : vector<1280x128xf32>
    %add3A_113 = arith.constant 1.000000e+00 : f32
    %add3A_114 = vector.broadcast %add3A_113 : f32 to vector<1280x128xf32>
    %add3A_115 = arith.addf %add3A_114, %erf3A_112 : vector<1280x128xf32>
    %mul3A_116 = arith.mulf %mul3A_108, %add3A_115 : vector<1280x128xf32>
    %convert_element_type3A_117 = arith.truncf %mul3A_116 : vector<1280x128xf32> to vector<1280x128xbf16>
    %get3A_118 = arith.constant 0 : index
    %get3A_119 = arith.constant 0 : index
    %get3A_120 = vector.load %arg15[%get3A_118, %get3A_119] : memref<128x128xbf16, #tpu.memory_space<vmem>>, vector<128x128xbf16>
    %dot_general3A_121 = arith.constant dense<0.000000e+00> : vector<1280x128xf32>
    %dot_general3A_122 = tpu.matmul %convert_element_type3A_117, %get3A_120, %dot_general3A_121 {dimension_numbers = #tpu.dot_dimension_numbers<[1], [0], [0], [1], [0, 0, 1, 1], [], []>, transpose_lhs_hint = false} : vector<1280x128xbf16>, vector<128x128xbf16>, vector<1280x128xf32> -> vector<1280x128xf32>
    %get3A_123 = arith.constant 0 : index
    %get3A_124 = arith.constant 0 : index
    %get3A_125 = vector.load %arg16[%get3A_123, %get3A_124] : memref<1x128xf32, #tpu.memory_space<vmem>>, vector<1x128xf32>
    %add3A_126 = vector.broadcast %get3A_125 : vector<1x128xf32> to vector<1280x128xf32>
    %add3A_127 = arith.addf %dot_general3A_122, %add3A_126 : vector<1280x128xf32>
    %swap3A_128 = arith.constant 0 : index
    %swap3A_129 = arith.constant 0 : index
    %swap3A_130 = vector.load %arg18[%swap3A_128, %swap3A_129] : memref<1280x128xf32, #tpu.memory_space<vmem>>, vector<1280x128xf32>
    tpu.vector_store %arg18[%swap3A_128, %swap3A_129], %add3A_127 {strides = array<i32>} : memref<1280x128xf32, #tpu.memory_space<vmem>>, vector<1280x128xf32>,
    return
  }
  func.func @transform_0(%arg0: i32) -> (i32, i32) {
    %c0_i32 = arith.constant 0 : i32
    %c0_i32_0 = arith.constant 0 : i32
    return %arg0, %c0_i32 : i32, i32
  }
  func.func @transform_1(%arg0: i32) -> (i32, i32) {
    %add3A = arith.constant 125 : i32
    %add3A_0 = arith.addi %arg0, %add3A : i32
    %c0_i32 = arith.constant 0 : i32
    %c0_i32_1 = arith.constant 0 : i32
    return %add3A_0, %c0_i32 : i32, i32
  }
  func.func @transform_2(%arg0: i32) -> (i32, i32) {
    %add3A = arith.constant 0 : i32
    %add3A_0 = arith.addi %arg0, %add3A : i32
    %c0_i32 = arith.constant 0 : i32
    %c0_i32_1 = arith.constant 0 : i32
    return %add3A_0, %c0_i32 : i32, i32
  }
  func.func @transform_3(%arg0: i32) -> (i32, i32) {
    %c0_i32 = arith.constant 0 : i32
    %c0_i32_0 = arith.constant 0 : i32
    %c0_i32_1 = arith.constant 0 : i32
    return %c0_i32, %c0_i32_0 : i32, i32
  }
  func.func @transform_4(%arg0: i32) -> (i32, i32) {
    %c0_i32 = arith.constant 0 : i32
    %c0_i32_0 = arith.constant 0 : i32
    %c0_i32_1 = arith.constant 0 : i32
    return %c0_i32, %c0_i32_0 : i32, i32
  }
  func.func @transform_5(%arg0: i32) -> (i32, i32) {
    %c0_i32 = arith.constant 0 : i32
    %c0_i32_0 = arith.constant 0 : i32
    %c0_i32_1 = arith.constant 0 : i32
    return %c0_i32, %c0_i32_0 : i32, i32
  }
  func.func @transform_6(%arg0: i32) -> (i32, i32) {
    %c0_i32 = arith.constant 0 : i32
    %c0_i32_0 = arith.constant 0 : i32
    %c0_i32_1 = arith.constant 0 : i32
    return %c0_i32, %c0_i32_0 : i32, i32
  }
  func.func @transform_7(%arg0: i32) -> (i32, i32) {
    %c0_i32 = arith.constant 0 : i32
    %c0_i32_0 = arith.constant 0 : i32
    %c0_i32_1 = arith.constant 0 : i32
    return %c0_i32, %c0_i32_0 : i32, i32
  }
  func.func @transform_8(%arg0: i32) -> (i32, i32) {
    %c0_i32 = arith.constant 0 : i32
    %c0_i32_0 = arith.constant 0 : i32
    %c0_i32_1 = arith.constant 0 : i32
    return %c0_i32, %c0_i32_0 : i32, i32
  }
  func.func @transform_9(%arg0: i32) -> (i32, i32) {
    %c0_i32 = arith.constant 0 : i32
    %c0_i32_0 = arith.constant 0 : i32
    %c0_i32_1 = arith.constant 0 : i32
    return %c0_i32, %c0_i32_0 : i32, i32
  }
  func.func @transform_10(%arg0: i32) -> (i32, i32) {
    %c0_i32 = arith.constant 0 : i32
    %c0_i32_0 = arith.constant 0 : i32
    %c0_i32_1 = arith.constant 0 : i32
    return %c0_i32, %c0_i32_0 : i32, i32
  }
  func.func @transform_11(%arg0: i32) -> (i32, i32) {
    %c0_i32 = arith.constant 0 : i32
    %c0_i32_0 = arith.constant 0 : i32
    %c0_i32_1 = arith.constant 0 : i32
    return %c0_i32, %c0_i32_0 : i32, i32
  }
  func.func @transform_12(%arg0: i32) -> (i32, i32) {
    %c0_i32 = arith.constant 0 : i32
    %c0_i32_0 = arith.constant 0 : i32
    %c0_i32_1 = arith.constant 0 : i32
    return %c0_i32, %c0_i32_0 : i32, i32
  }
  func.func @transform_13(%arg0: i32) -> (i32, i32) {
    %c0_i32 = arith.constant 0 : i32
    %c0_i32_0 = arith.constant 0 : i32
    %c0_i32_1 = arith.constant 0 : i32
    return %c0_i32, %c0_i32_0 : i32, i32
  }
  func.func @transform_14(%arg0: i32) -> (i32, i32) {
    %c0_i32 = arith.constant 0 : i32
    %c0_i32_0 = arith.constant 0 : i32
    %c0_i32_1 = arith.constant 0 : i32
    return %c0_i32, %c0_i32_0 : i32, i32
  }
  func.func @transform_15(%arg0: i32) -> (i32, i32) {
    %c0_i32 = arith.constant 0 : i32
    %c0_i32_0 = arith.constant 0 : i32
    %c0_i32_1 = arith.constant 0 : i32
    return %c0_i32, %c0_i32_0 : i32, i32
  }
  func.func @transform_16(%arg0: i32) -> (i32, i32) {
    %c0_i32 = arith.constant 0 : i32
    %c0_i32_0 = arith.constant 0 : i32
    return %arg0, %c0_i32 : i32, i32
  }
  func.func @transform_17(%arg0: i32) -> (i32, i32) {
    %c0_i32 = arith.constant 0 : i32
    %c0_i32_0 = arith.constant 0 : i32
    return %arg0, %c0_i32 : i32, i32
  }
}

module attributes {stable_mosaic.version = 14 : i64} {
  func.func @body(%arg0: i32, %arg1: memref<1000x128xf32, #tpu.memory_space<vmem>>, %arg2: memref<1000x128xf32, #tpu.memory_space<vmem>>, %arg3: memref<1000x128xf32, #tpu.memory_space<vmem>>, %arg4: memref<1000x128xf32, #tpu.memory_space<vmem>>, %arg5: memref<1000x128xf32, #tpu.memory_space<vmem>>, %arg6: memref<128x128xbf16, #tpu.memory_space<vmem>>, %arg7: memref<128x128xbf16, #tpu.memory_space<vmem>>, %arg8: memref<1x128xf32, #tpu.memory_space<vmem>>, %arg9: memref<128x128xbf16, #tpu.memory_space<vmem>>, %arg10: memref<1x128xf32, #tpu.memory_space<vmem>>, %arg11: memref<1x128xf32, #tpu.memory_space<vmem>>, %arg12: memref<1x128xf32, #tpu.memory_space<vmem>>, %arg13: memref<1000x128xf32, #tpu.memory_space<vmem>>) attributes {dimension_semantics = [#tpu.dimension_semantics<arbitrary>], iteration_bounds = array<i64: 10>, scalar_prefetch = 0 : i64, scratch_operands = 0 : i64, tpu.core_type = #tpu.core_type<tc>, window_params = [{transform_indices = @transform_0, window_bounds = array<i64: 1000, 128>}, {transform_indices = @transform_1, window_bounds = array<i64: 1000, 128>}, {transform_indices = @transform_2, window_bounds = array<i64: 1000, 128>}, {transform_indices = @transform_3, window_bounds = array<i64: 1000, 128>}, {transform_indices = @transform_4, window_bounds = array<i64: 1000, 128>}, {pipeline_mode = #tpu.pipeline_mode<synchronous>, transform_indices = @transform_5, window_bounds = array<i64: 128, 128>}, {pipeline_mode = #tpu.pipeline_mode<synchronous>, transform_indices = @transform_6, window_bounds = array<i64: 128, 128>}, {pipeline_mode = #tpu.pipeline_mode<synchronous>, transform_indices = @transform_7, window_bounds = array<i64: 1, 128>}, {pipeline_mode = #tpu.pipeline_mode<synchronous>, transform_indices = @transform_8, window_bounds = array<i64: 128, 128>}, {pipeline_mode = #tpu.pipeline_mode<synchronous>, transform_indices = @transform_9, window_bounds = array<i64: 1, 128>}, {pipeline_mode = #tpu.pipeline_mode<synchronous>, transform_indices = @transform_10, window_bounds = array<i64: 1, 128>}, {pipeline_mode = #tpu.pipeline_mode<synchronous>, transform_indices = @transform_11, window_bounds = array<i64: 1, 128>}, {transform_indices = @transform_12, window_bounds = array<i64: 1000, 128>}]} {
    %get3A = arith.constant 0 : index
    %get3A_0 = arith.constant 0 : index
    %get3A_1 = vector.load %arg1[%get3A, %get3A_0] : memref<1000x128xf32, #tpu.memory_space<vmem>>, vector<1000x128xf32>
    %get3A_2 = arith.constant 0 : index
    %get3A_3 = arith.constant 0 : index
    %get3A_4 = vector.load %arg2[%get3A_2, %get3A_3] : memref<1000x128xf32, #tpu.memory_space<vmem>>, vector<1000x128xf32>
    %get3A_5 = arith.constant 0 : index
    %get3A_6 = arith.constant 0 : index
    %get3A_7 = vector.load %arg3[%get3A_5, %get3A_6] : memref<1000x128xf32, #tpu.memory_space<vmem>>, vector<1000x128xf32>
    %add3A = arith.addf %get3A_4, %get3A_7 : vector<1000x128xf32>
    %get3A_8 = arith.constant 0 : index
    %get3A_9 = arith.constant 0 : index
    %get3A_10 = vector.load %arg4[%get3A_8, %get3A_9] : memref<1000x128xf32, #tpu.memory_space<vmem>>, vector<1000x128xf32>
    %add3A_11 = arith.addf %add3A, %get3A_10 : vector<1000x128xf32>
    %get3A_12 = arith.constant 0 : index
    %get3A_13 = arith.constant 0 : index
    %get3A_14 = vector.load %arg5[%get3A_12, %get3A_13] : memref<1000x128xf32, #tpu.memory_space<vmem>>, vector<1000x128xf32>
    %add3A_15 = arith.addf %add3A_11, %get3A_14 : vector<1000x128xf32>
    %convert_element_type3A = arith.truncf %get3A_1 : vector<1000x128xf32> to vector<1000x128xbf16>
    %get3A_16 = arith.constant 0 : index
    %get3A_17 = arith.constant 0 : index
    %get3A_18 = vector.load %arg6[%get3A_16, %get3A_17] : memref<128x128xbf16, #tpu.memory_space<vmem>>, vector<128x128xbf16>
    %dot_general3A = arith.constant dense<0.000000e+00> : vector<1000x128xf32>
    %dot_general3A_19 = tpu.matmul %convert_element_type3A, %get3A_18, %dot_general3A {dimension_numbers = #tpu.dot_dimension_numbers<[1], [0], [0], [1], [0, 0, 1, 1], [], []>, transpose_lhs_hint = false} : vector<1000x128xbf16>, vector<128x128xbf16>, vector<1000x128xf32> -> vector<1000x128xf32>
    %convert_element_type3A_20 = arith.truncf %add3A_15 : vector<1000x128xf32> to vector<1000x128xbf16>
    %get3A_21 = arith.constant 0 : index
    %get3A_22 = arith.constant 0 : index
    %get3A_23 = vector.load %arg7[%get3A_21, %get3A_22] : memref<128x128xbf16, #tpu.memory_space<vmem>>, vector<128x128xbf16>
    %dot_general3A_24 = arith.constant dense<0.000000e+00> : vector<1000x128xf32>
    %dot_general3A_25 = tpu.matmul %convert_element_type3A_20, %get3A_23, %dot_general3A_24 {dimension_numbers = #tpu.dot_dimension_numbers<[1], [0], [0], [1], [0, 0, 1, 1], [], []>, transpose_lhs_hint = false} : vector<1000x128xbf16>, vector<128x128xbf16>, vector<1000x128xf32> -> vector<1000x128xf32>
    %add3A_26 = arith.addf %dot_general3A_19, %dot_general3A_25 : vector<1000x128xf32>
    %get3A_27 = arith.constant 0 : index
    %get3A_28 = arith.constant 0 : index
    %get3A_29 = vector.load %arg8[%get3A_27, %get3A_28] : memref<1x128xf32, #tpu.memory_space<vmem>>, vector<1x128xf32>
    %add3A_30 = vector.broadcast %get3A_29 : vector<1x128xf32> to vector<1000x128xf32>
    %add3A_31 = arith.addf %add3A_26, %add3A_30 : vector<1000x128xf32>
    %mul3A = arith.constant 5.000000e-01 : f32
    %mul3A_32 = vector.broadcast %mul3A : f32 to vector<1000x128xf32>
    %mul3A_33 = arith.mulf %mul3A_32, %add3A_31 : vector<1000x128xf32>
    %mul3A_34 = arith.constant 0.707106769 : f32
    %mul3A_35 = vector.broadcast %mul3A_34 : f32 to vector<1000x128xf32>
    %mul3A_36 = arith.mulf %add3A_31, %mul3A_35 : vector<1000x128xf32>
    %erf3A = math.erf %mul3A_36 : vector<1000x128xf32>
    %add3A_37 = arith.constant 1.000000e+00 : f32
    %add3A_38 = vector.broadcast %add3A_37 : f32 to vector<1000x128xf32>
    %add3A_39 = arith.addf %add3A_38, %erf3A : vector<1000x128xf32>
    %mul3A_40 = arith.mulf %mul3A_33, %add3A_39 : vector<1000x128xf32>
    %convert_element_type3A_41 = arith.truncf %mul3A_40 : vector<1000x128xf32> to vector<1000x128xbf16>
    %get3A_42 = arith.constant 0 : index
    %get3A_43 = arith.constant 0 : index
    %get3A_44 = vector.load %arg9[%get3A_42, %get3A_43] : memref<128x128xbf16, #tpu.memory_space<vmem>>, vector<128x128xbf16>
    %dot_general3A_45 = arith.constant dense<0.000000e+00> : vector<1000x128xf32>
    %dot_general3A_46 = tpu.matmul %convert_element_type3A_41, %get3A_44, %dot_general3A_45 {dimension_numbers = #tpu.dot_dimension_numbers<[1], [0], [0], [1], [0, 0, 1, 1], [], []>, transpose_lhs_hint = false} : vector<1000x128xbf16>, vector<128x128xbf16>, vector<1000x128xf32> -> vector<1000x128xf32>
    %get3A_47 = arith.constant 0 : index
    %get3A_48 = arith.constant 0 : index
    %get3A_49 = vector.load %arg10[%get3A_47, %get3A_48] : memref<1x128xf32, #tpu.memory_space<vmem>>, vector<1x128xf32>
    %add3A_50 = vector.broadcast %get3A_49 : vector<1x128xf32> to vector<1000x128xf32>
    %add3A_51 = arith.addf %dot_general3A_46, %add3A_50 : vector<1000x128xf32>
    %add3A_52 = arith.addf %get3A_1, %add3A_51 : vector<1000x128xf32>
    %reduce_sum3A = arith.constant dense<0.000000e+00> : vector<1000xf32>
    %reduce_sum3A_53 = vector.multi_reduction <add>, %add3A_52, %reduce_sum3A [1] : vector<1000x128xf32> to vector<1000xf32>
    %broadcast_in_dim3A = vector.shape_cast %reduce_sum3A_53 : vector<1000xf32> to vector<1000x1xf32>
    %div3A = arith.constant 1.280000e+02 : f32
    %div3A_54 = vector.broadcast %div3A : f32 to vector<1000x1xf32>
    %div3A_55 = arith.divf %broadcast_in_dim3A, %div3A_54 : vector<1000x1xf32>
    %sub3A = vector.broadcast %div3A_55 : vector<1000x1xf32> to vector<1000x128xf32>
    %sub3A_56 = arith.subf %add3A_52, %sub3A : vector<1000x128xf32>
    %integer_pow3A = arith.mulf %sub3A_56, %sub3A_56 : vector<1000x128xf32>
    %reduce_sum3A_57 = arith.constant dense<0.000000e+00> : vector<1000xf32>
    %reduce_sum3A_58 = vector.multi_reduction <add>, %integer_pow3A, %reduce_sum3A_57 [1] : vector<1000x128xf32> to vector<1000xf32>
    %broadcast_in_dim3A_59 = vector.shape_cast %reduce_sum3A_58 : vector<1000xf32> to vector<1000x1xf32>
    %div3A_60 = arith.constant 1.280000e+02 : f32
    %div3A_61 = vector.broadcast %div3A_60 : f32 to vector<1000x1xf32>
    %div3A_62 = arith.divf %broadcast_in_dim3A_59, %div3A_61 : vector<1000x1xf32>
    %sub3A_63 = vector.broadcast %div3A_55 : vector<1000x1xf32> to vector<1000x128xf32>
    %sub3A_64 = arith.subf %add3A_52, %sub3A_63 : vector<1000x128xf32>
    %add3A_65 = arith.constant 9.99999974E-6 : f32
    %add3A_66 = vector.broadcast %add3A_65 : f32 to vector<1000x1xf32>
    %add3A_67 = arith.addf %div3A_62, %add3A_66 : vector<1000x1xf32>
    %sqrt3A = math.sqrt %add3A_67 : vector<1000x1xf32>
    %div3A_68 = vector.broadcast %sqrt3A : vector<1000x1xf32> to vector<1000x128xf32>
    %div3A_69 = arith.divf %sub3A_64, %div3A_68 : vector<1000x128xf32>
    %get3A_70 = arith.constant 0 : index
    %get3A_71 = arith.constant 0 : index
    %get3A_72 = vector.load %arg11[%get3A_70, %get3A_71] : memref<1x128xf32, #tpu.memory_space<vmem>>, vector<1x128xf32>
    %mul3A_73 = vector.broadcast %get3A_72 : vector<1x128xf32> to vector<1000x128xf32>
    %mul3A_74 = arith.mulf %div3A_69, %mul3A_73 : vector<1000x128xf32>
    %get3A_75 = arith.constant 0 : index
    %get3A_76 = arith.constant 0 : index
    %get3A_77 = vector.load %arg12[%get3A_75, %get3A_76] : memref<1x128xf32, #tpu.memory_space<vmem>>, vector<1x128xf32>
    %add3A_78 = vector.broadcast %get3A_77 : vector<1x128xf32> to vector<1000x128xf32>
    %add3A_79 = arith.addf %mul3A_74, %add3A_78 : vector<1000x128xf32>
    %swap3A = arith.constant 0 : index
    %swap3A_80 = arith.constant 0 : index
    %swap3A_81 = vector.load %arg13[%swap3A, %swap3A_80] : memref<1000x128xf32, #tpu.memory_space<vmem>>, vector<1000x128xf32>
    tpu.vector_store %arg13[%swap3A, %swap3A_80], %add3A_79 {strides = array<i32>} : memref<1000x128xf32, #tpu.memory_space<vmem>>, vector<1000x128xf32>,
    return
  }
  func.func @transform_0(%arg0: i32) -> (i32, i32) {
    %c0_i32 = arith.constant 0 : i32
    %c0_i32_0 = arith.constant 0 : i32
    return %arg0, %c0_i32 : i32, i32
  }
  func.func @transform_1(%arg0: i32) -> (i32, i32) {
    %c0_i32 = arith.constant 0 : i32
    %c0_i32_0 = arith.constant 0 : i32
    return %arg0, %c0_i32 : i32, i32
  }
  func.func @transform_2(%arg0: i32) -> (i32, i32) {
    %add3A = arith.constant 10 : i32
    %add3A_0 = arith.addi %arg0, %add3A : i32
    %c0_i32 = arith.constant 0 : i32
    %c0_i32_1 = arith.constant 0 : i32
    return %add3A_0, %c0_i32 : i32, i32
  }
  func.func @transform_3(%arg0: i32) -> (i32, i32) {
    %c0_i32 = arith.constant 0 : i32
    %c0_i32_0 = arith.constant 0 : i32
    return %arg0, %c0_i32 : i32, i32
  }
  func.func @transform_4(%arg0: i32) -> (i32, i32) {
    %add3A = arith.constant 10 : i32
    %add3A_0 = arith.addi %arg0, %add3A : i32
    %c0_i32 = arith.constant 0 : i32
    %c0_i32_1 = arith.constant 0 : i32
    return %add3A_0, %c0_i32 : i32, i32
  }
  func.func @transform_5(%arg0: i32) -> (i32, i32) {
    %c0_i32 = arith.constant 0 : i32
    %c0_i32_0 = arith.constant 0 : i32
    %c0_i32_1 = arith.constant 0 : i32
    return %c0_i32, %c0_i32_0 : i32, i32
  }
  func.func @transform_6(%arg0: i32) -> (i32, i32) {
    %c0_i32 = arith.constant 0 : i32
    %c0_i32_0 = arith.constant 0 : i32
    %c0_i32_1 = arith.constant 0 : i32
    return %c0_i32, %c0_i32_0 : i32, i32
  }
  func.func @transform_7(%arg0: i32) -> (i32, i32) {
    %c0_i32 = arith.constant 0 : i32
    %c0_i32_0 = arith.constant 0 : i32
    %c0_i32_1 = arith.constant 0 : i32
    return %c0_i32, %c0_i32_0 : i32, i32
  }
  func.func @transform_8(%arg0: i32) -> (i32, i32) {
    %c0_i32 = arith.constant 0 : i32
    %c0_i32_0 = arith.constant 0 : i32
    %c0_i32_1 = arith.constant 0 : i32
    return %c0_i32, %c0_i32_0 : i32, i32
  }
  func.func @transform_9(%arg0: i32) -> (i32, i32) {
    %c0_i32 = arith.constant 0 : i32
    %c0_i32_0 = arith.constant 0 : i32
    %c0_i32_1 = arith.constant 0 : i32
    return %c0_i32, %c0_i32_0 : i32, i32
  }
  func.func @transform_10(%arg0: i32) -> (i32, i32) {
    %c0_i32 = arith.constant 0 : i32
    %c0_i32_0 = arith.constant 0 : i32
    %c0_i32_1 = arith.constant 0 : i32
    return %c0_i32, %c0_i32_0 : i32, i32
  }
  func.func @transform_11(%arg0: i32) -> (i32, i32) {
    %c0_i32 = arith.constant 0 : i32
    %c0_i32_0 = arith.constant 0 : i32
    %c0_i32_1 = arith.constant 0 : i32
    return %c0_i32, %c0_i32_0 : i32, i32
  }
  func.func @transform_12(%arg0: i32) -> (i32, i32) {
    %c0_i32 = arith.constant 0 : i32
    %c0_i32_0 = arith.constant 0 : i32
    return %arg0, %c0_i32 : i32, i32
  }
}

</mosaic_0001>

<sc_bundles>
// kernel: kernel.12.cloned.1.call-start
scs
__scs_entry_jumppad:
0x0: {  	(pc) =	sbr.rel $0x88, $3  }
0x1: {  	(tag) =	ssettag $0x0;
	lr =	simm.s32 $0x1  }
0x2: {  	[smem:$0x3F8C] =	sst lr;
	_ =	strace $0xD0000000  }
0x3: {  	_ = 	snop  }
0x4: {  	_ = 	snop  }
0x5: {  	_ = 	snop  }
0x6: {  	_ = 	snop  }
0x7: {  	_ = 	snop  }
__scs_overlays_trampoline_lowered:
0x8: {  	[smem:$0x3F9B] =	sst s0  }
0x9: {  	[smem:$0x3F9C] =	sst s1  }
0xa: {  	[smem:$0x3F9D] =	sst s2  }
0xb: {  	[smem:$0x3F9E] =	sst s3  }
0xc: {  	[smem:$0x3F9F] =	sst s4  }
0xd: {  	[smem:$0x3FA0] =	sst s5  }
0xe: {  	[smem:$0x3FA1] =	sst s6  }
0xf: {  	[smem:$0x3FA2] =	sst s7  }
0x10: {  	[smem:$0x3FA3] =	sst s8  }
0x11: {  	[smem:$0x3FA4] =	sst s9;
	s0 =	simm.s32 @!p0 $0x0  }
0x12: {  	s1 =	sld [smem:$0x3F8A];
	s0 =	simm.s32 @p0 $0x1  }
0x13: {  	[smem:$0x3FA5] =	sst s0;
	s0 =	simm.s32 @!p1 $0x0  }
0x14: {  	s2 =	sld [smem:$0x3F89];
	s0 =	simm.s32 @p1 $0x1  }
0x15: {  	[smem:$0x3FA6] =	sst s0;
	s0 =	simm.s32 @!p2 $0x0  }
0x16: {  	s3 =	sld [smem:$0x3FDB];
	s0 =	simm.s32 @p2 $0x1  }
0x17: {  	s4 =	simm.s32 $0x1BF5;
	[smem:$0x3FA8] =	sst s0  }
0x18: {  	s0 =	sld [smem:$0x3F8B];
	_ =	swait.ge [sflag:s4], $0x0  }
0x19: {  	s7 =	sld [smem:$0x3F8C]  }
0x1a: {  	s8 =	sadd.s32 $0xFFFFE003, lr  }
0x1b: {  	s9 =	sadd.s32 $0xFFFFFEF7, lr;
	s5 =	simm.s32 $0xFFFFFFFF;
	p2 =	slt.u32 s8, $0xFFFFF086  }
0x1c: {  	p1 =	slt.u32 s9, $0xF7A;
	s5 =	simm.s32 @!p2 $0x0  }
0x1d: {  	s5 =	simm.s32 @p1 $0x1;
	p0 =	seq.s32 s7, s2  }
0x1e: {  	s7 =	smul.u32 @!p0 $0xF7A, s2;
	p2 =	seq.s32 @!p0 s5, $0x0  }
0x1f: {  	s9 =	smul.u32 $0xF7A, s1;
	s8 =	simm.s32 @!p0 $0x1BF5;
	p2 =	por !p2, p0  }
0x20: {  	[sflag:s8] =	ssyncset.s32 @!p0 $0xFFFFF086;
	s6 =	sadd.s32 @!p0 s3, s7;
	s7 =	simm.s32 @!p0 $0x108  }
0x21: {  	s3 =	sadd.s32 s3, s9;
	s6 =	sadd.s32 @!p0 $0x88, s6;
	s7 =	simm.s32 @p2 $0x1082  }
0x22: {  	[simem:s7], [sflag:s8] =	dma.local @!p0 [hbm:s6], $0xF7A  }
0x23: {  	s9 =	sor.u32 $0xD0000000, s2;
	s6 =	simm.s32 $0x108;
	_ =	swait.ge @!p0 [sflag:s8], $0x0  }
0x24: {  	s3 =	sadd.s32 $0x88, s3;
	s6 =	simm.s32 @!p1 $0x1082;
	[sflag:s4] =	ssyncset.s32 $0xFFFFF086  }
0x25: {  	[simem:s6], [sflag:s4] =	dma.local [hbm:s3], $0xF7A  }
0x26: {  	[smem:$0x3F8C] =	sst s1;
	(tag) =	ssettag s2;
	_ =	strace s9  }
0x27: {  	s1 =	sld [smem:$0x3F9C]  }
0x28: {  	s2 =	sld [smem:$0x3F9D]  }
0x29: {  	s4 =	sld [smem:$0x3F9F]  }
0x2a: {  	p0 =	seq.s32 s5, $0x0;
	s5 =	sld [smem:$0x3FA0]  }
0x2b: {  	s6 =	sld [smem:$0x3FA1]  }
0x2c: {  	s7 =	sld [smem:$0x3FA2]  }
0x2d: {  	s3 =	simm.s32 $0x108;
	s8 =	sld [smem:$0x3FA3]  }
0x2e: {  	s3 =	simm.s32 @!p0 $0x1082;
	s9 =	sld [smem:$0x3FA4]  }
0x2f: {  	lr =	sadd.s32 s0, s3;
	s0 =	sld [smem:$0x3F9B]  }
0x30: {  	s3 =	sld [smem:$0x3F9E]  }
0x31: {  	[smem:$0x3FA7] =	sst s10  }
0x32: {  	s10 =	sld [smem:$0x3FA5];
	_ =	sdelay $0x3  }
0x33: {  	p0 =	seq.s32 s10, $0x1;
	s10 =	sld [smem:$0x3FA7];
	_ =	sdelay $0x3  }
0x34: {  	[smem:$0x3FA7] =	sst s10  }
0x35: {  	s10 =	sld [smem:$0x3FA6];
	_ =	sdelay $0x3  }
0x36: {  	p1 =	seq.s32 s10, $0x1;
	s10 =	sld [smem:$0x3FA7];
	_ =	sdelay $0x3  }
0x37: {  	[smem:$0x3FA7] =	sst s10  }
0x38: {  	s10 =	sld [smem:$0x3FA8]  }
0x39: {  	_ = 	snop;
	(pc) =	sbr.ind lr, $3  }
0x3a: {  	_ = 	snop  }
0x3b: {  	_ = 	snop  }
0x3c: {  	p2 =	seq.s32 s10, $0x1;
	s10 =	sld [smem:$0x3FA7]  }
0x3d: {  	_ =	shalt  }
0x3e: {  	_ =	shalt  }
0x3f: {  	_ =	shalt  }
0x40: {  	_ =	shalt  }
0x41: {  	_ =	shalt  }
0x42: {  	_ =	shalt  }
0x43: {  	_ =	shalt  }
0x44: {  	_ =	shalt  }
0x45: {  	_ =	shalt  }
0x46: {  	_ =	shalt  }
0x47: {  	_ =	shalt  }
0x48: {  	_ =	shalt  }
0x49: {  	_ =	shalt  }
0x4a: {  	_ =	shalt  }
0x4b: {  	_ =	shalt  }
0x4c: {  	_ =	shalt  }
0x4d: {  	_ =	shalt  }
0x4e: {  	_ =	shalt  }
0x4f: {  	_ =	shalt  }
0x50: {  	_ =	shalt  }
0x51: {  	_ =	shalt  }
0x52: {  	_ =	shalt  }
0x53: {  	_ =	shalt  }
0x54: {  	_ =	shalt  }
0x55: {  	_ =	shalt  }
0x56: {  	_ =	shalt  }
0x57: {  	_ =	shalt  }
0x58: {  	_ =	shalt  }
0x59: {  	_ =	shalt  }
0x5a: {  	_ =	shalt  }
0x5b: {  	_ =	shalt  }
0x5c: {  	_ =	shalt  }
0x5d: {  	_ =	shalt  }
0x5e: {  	_ =	shalt  }
0x5f: {  	_ =	shalt  }
0x60: {  	_ =	shalt  }
0x61: {  	_ =	shalt  }
0x62: {  	_ =	shalt  }
0x63: {  	_ =	shalt  }
0x64: {  	_ =	shalt  }
0x65: {  	_ =	shalt  }
0x66: {  	_ =	shalt  }
0x67: {  	_ =	shalt  }
0x68: {  	_ =	shalt  }
0x69: {  	_ =	shalt  }
0x6a: {  	_ =	shalt  }
0x6b: {  	_ =	shalt  }
0x6c: {  	_ =	shalt  }
0x6d: {  	_ =	shalt  }
0x6e: {  	_ =	shalt  }
0x6f: {  	_ =	shalt  }
0x70: {  	_ =	shalt  }
0x71: {  	_ =	shalt  }
0x72: {  	_ =	shalt  }
0x73: {  	_ =	shalt  }
0x74: {  	_ =	shalt  }
0x75: {  	_ =	shalt  }
0x76: {  	_ =	shalt  }
0x77: {  	_ =	shalt  }
0x78: {  	_ =	shalt  }
0x79: {  	_ =	shalt  }
0x7a: {  	_ =	shalt  }
0x7b: {  	_ =	shalt  }
0x7c: {  	_ =	shalt  }
0x7d: {  	_ =	shalt  }
0x7e: {  	_ =	shalt  }
0x7f: {  	_ =	shalt  }
0x80: {  	_ =	shalt  }
0x81: {  	_ =	shalt  }
0x82: {  	_ =	shalt  }
0x83: {  	_ =	shalt  }
0x84: {  	_ =	shalt  }
0x85: {  	_ =	shalt  }
0x86: {  	_ =	shalt  }
0x87: {  	_ =	shalt  }
.Lfunc_end0:
.L_simem_size_0:
called_computation.1_lowered:
.L_overlay_start_0:
0x88: {  	s2 =	sld [smem:$0x3FD9]  }
0x89: {  	s3 =	sld [smem:$0x3FFE];
	_ =	sdelay $0x1  }
0x8a: {  	s1 =	srdreg.scid  }
0x8b: {  	s0 =	sand.u32 $0x1, s1  }
0x8c: {  	s17 =	sshll.u32 s0, $0xA;
	s2 =	sadd.s32 s3, s2  }
0x8d: {  	s2 =	sadd.s32 s2, s17  }
0x8e: {  	[smem:$0x3FB3] =	sst s2  }
0x8f: {  	_ = 	snop  }
0x90: {  	(tm) =	ssettm $0x1  }
0x91: {  	s18 =	sld [smem:$0x3FFB];
	_ =	sdelay $0x3  }
0x92: {  	_ =	strace s18  }
0x93: {  	s2 =	sld [smem:$0x3FFC];
	_ =	sdelay $0x3  }
0x94: {  	_ =	strace s2  }
0x95: {  	s2 =	sld [smem:$0x3FFD];
	_ =	sdelay $0x3  }
0x96: {  	_ =	strace s2  }
0x97: {  	_ =	strace $0x8FFFFFFF  }
0x98: {  	s19 =	sld [smem:$0x3FDB];
	_ =	sdelay $0x1  }
0x99: {  	s20 =	simm.s32 $_scs_section_size  }
0x9a: {  	s4 =	simm.s32 $_size__tile_overlayer_lowered;
	s5 =	simm.s32 $_tile_overlayer_lowered  }
0x9b: {  	s6 =	simm.s32 $0x1BFF;
	s21 =	sshll.u32 s5, $0x1;
	s3 =	sadd.s32 s20, s19  }
0x9c: {  	s22 =	simm.s32 $0x0;
	s4 =	sshll.u32 s4, $0x1;
	s5 =	sadd.s32 s21, s3  }
0x9d: {  	[timem:s22], [sflag:s6] =	dma.local [hbm:s5], s4  }
0x9e: {  	_ =	swait.ge [sflag:s6], s4  }
0x9f: {  	s4 =	ssub.s32 $0x0, s4;
	[sflag:s6] =	ssyncset.done $0x0  }
0xa0: {  	[sflag:s6] =	ssyncadd.s32 s4;
	_ =	sdelay $0x1  }
0xa1: {  	s23 =	simm.s32 $0x1B8B  }
0xa2: {  	_ =	swait.ge [sflag:s23], $0x1  }
0xa3: {  	[sflag:s23] =	ssyncset.done $0x0  }
0xa4: {  	[sflag:s23] =	ssyncadd.s32 $0xFFFFFFFF  }
0xa5: {  	s4 =	sld [smem:$0x0]  }
0xa6: {  	s5 =	sand.u32 $0xFFFFFFFE, s1  }
0xa7: {  	p0 =	sne.s32 s1, s5  }
0xa8: {  	s5 =	sshll.u32 @p0 s5, $0xE  }
0xa9: {  	s5 =	sadd.s32 @p0 $0x11B8D, s5;
	s6 =	sshll.u32 @p0 s4, $0x11  }
0xaa: {  	s5 =	sor.u32 @p0 s6, s5  }
0xab: {  	[sflag:s5] =	ssyncadd.remote.s32 @p0 $0x1;
	_ =	sdelay $0x1  }
0xac: {  	s5 =	simm.s32 @p0 $0x1B8D  }
0xad: {  	_ =	swait.eq @p0 [sflag:s5], $0x1  }
0xae: {  	[sflag:s5] =	ssyncadd.s32 @p0 $0xFFFFFFFF  }
0xaf: {  	s6 =	sshll.u32 @!p0 s1, $0xE  }
0xb0: {  	s6 =	sor.u32 @!p0 $0x4000, s6;
	s5 =	simm.s32 @!p0 $0x1B8D  }
0xb1: {  	s4 =	sshll.u32 @!p0 s4, $0x11;
	s6 =	sadd.s32 @!p0 $0x11B8D, s6;
	_ =	swait.eq @!p0 [sflag:s5], $0x1  }
0xb2: {  	s4 =	sor.u32 @!p0 s4, s6;
	[sflag:s5] =	ssyncadd.s32 @!p0 $0xFFFFFFFF  }
0xb3: {  	s25 =	simm.s32 $0x1B8E;
	s24 =	sld [smem:$0x3FFE];
	[sflag:s4] =	ssyncadd.remote.s32 @!p0 $0x1  }
0xb4: {  	s26 =	simm.s32 $execute0_lowered;
	[smem:$0x3FD2] =	sst s25  }
0xb5: {  	s5 =	sshll.u32 s26, $0x1;
	_ =	strace $0x8000004F;
	[dreg:$0x1] =	wrdreg $0xFFFFFFFF  }
0xb6: {  	s28 =	simm.s32 $_size_execute0_lowered;
	s3 =	sadd.s32 s3, s5;
	[dreg:$0x0] =	wrdreg $0x0  }
0xb7: {  	s5 =	sshll.u32 s28, $0x1;
	[dreg:$0x2] =	wrdreg s3  }
0xb8: {  	[dreg:$0x3] =	wrdreg s5  }
0xb9: {  	[dreg:$0x4] =	wrdreg $0xC0  }
0xba: {  	_ =	task [dreg:s22], $0x5FFFF  }
0xbb: {  	[dreg:$0x1] =	wrdreg $0xFFFFFFFF  }
0xbc: {  	[dreg:$0x0] =	wrdreg $0x60  }
0xbd: {  	[dreg:$0x2] =	wrdreg s24  }
0xbe: {  	[dreg:$0x3] =	wrdreg $0x51000  }
0xbf: {  	[dreg:$0x4] =	wrdreg $0x9  }
0xc0: {  	_ =	task.clear_ibuf [dreg:s22], $0x5FFFF;
	_ =	strace $0x9000004F  }
0xc1: {  	s29 =	simm.s32 $0x9;
	_ =	strace $0x80000051  }
0xc2: {  	_ =	swait.ge [sflag:s29], $0x1  }
0xc3: {  	[sflag:s29] =	ssyncadd.s32 $0xFFFFFFFF  }
0xc4: {  	_ =	strace $0x90000051  }
0xc5: {  	_ =	sfence  }
0xc6: {  	s30 =	sld [smem:$0x0];
	_ =	sdelay $0x2  }
0xc7: {  	s31 =	sshll.u32 s1, $0xD;
	s1 =	sshrl.u32 s1, $0x2  }
0xc8: {  	s4 =	sand.u32 $0x4000, s31;
	s1 =	sadd.s32 s1, s30  }
0xc9: {  	s0 =	sor.u32 s4, s0;
	s1 =	sshll.u32 s1, $0x11  }
0xca: {  	s0 =	sor.u32 s1, s0  }
0xcb: {  	s0 =	sadd.s32 $0x8F2B, s0  }
0xcc: {  	[sflag:s0] =	ssyncadd.remote.s32 $0x1  }
0xcd: {  	_ =	sfence.sel $0xFFFF  }
0xce: {  	[dreg:$0x0] =	wrdreg $0xFFFFFFFF;
	(pc) =	sbr.abs _section_cstart, $3  }
0xcf: {  	[dreg:$0x1] =	wrdreg $0xFFFFFFFF  }
0xd0: {  	_ =	task.clear_ibuf [dreg:s22], $0x2FFFF;
	_ =	strace $0x9FFFFFFF  }
0xd1: {  	(tm) =	ssettm $0x7FFFFFFF  }
tec
execute0_lowered:
.L_overlay_start_1:
0x0: {  	(tag) =	ssettag $0x1  }
0x1: {  	s0 =	srdreg.scid  }
0x2: {  	s4 =	rddreg [dreg:$0x0];
	s23 =	sand.u32 $0x1, s0  }
0x3: {  	s2 =	rddreg [dreg:$0x1];
	s3 =	simm.s32 $0x0;
	s20 =	smul.u32 $0x27100, s23  }
0x4: {  	s0 =	stileid.u32;
	s13 =	sadd.s32 $0x1395C00, s4;
	s12 =	smul.u32 $0x3E0, s23  }
0x5: {  	[smem:$0x7FF] =	sst s3;
	s14 =	sadd.s32 $0x4EAA00, s4;
	s17 =	smul.u32 $0x3E, s0  }
0x6: {  	s1 =	sshll.u32 s23, $0x4;
	s7 =	ssub.s32 $0x2, s23;
	s28 =	smul.u32 $0xA000, s0  }
0x7: {  	s22 =	ssub.s32 $0x8C, s0;
	s19 =	smul.u32 $0x500, s0;
	p0 =	sne.s32 s23, $0x0  }
0x8: {  	s23 =	simm.s32 $0x0;
	s5 =	sor.u32 s0, s1;
	s1 =	rddreg [dreg:$0x2]  }
0x9: {  	_ =	strace $0x80000050;
	s21 =	sshrl.u32 s7, $0x1;
	s6 =	smul.u32 $0x3E, s5  }
0xa: {  	s9 =	smin.u32 s5, $0x10;
	s15 =	sadd.s32 s20, s4;
	s11 =	ssub.s32 s7, s21  }
0xb: {  	s4 =	sshrl.u32 s22, $0x4;
	s30 =	sshrl.u32 s28, $0x2;
	s20 =	simm.s32 $0x1  }
0xc: {  	s21 =	simm.s32 $0x50;
	s22 =	simm.s32 $0x2;
	s6 =	sadd.s32 s9, s6  }
0xd: {  	s15 =	sadd.s32 s19, s15;
	s9 =	sor.u32 s12, s9;
	s10 =	smul.u32 $0x50, s6  }
0xe: {  	s19 =	simm.s32 $0x80;
	s6 =	smul.u32 $0x500, s6;
	s17 =	sadd.s32 s17, s9  }
0xf: {  	s12 =	sadd.s32 s30, s2;
	s15 =	sadd.s32 $0x2C7C00, s15;
	s18 =	smul.u32 $0xA, s17  }
0x10: {  	s9 =	smax.u32 s11, $0x1;
	s31 =	smul.u32 $0x500, s17;
	s17 =	simm.s32 $0x3  }
0x11: {  	s8 =	sshrl.u32 s10, $0x3;
	s6 =	sadd.s32 s13, s6;
	s24 =	sadd.s32 $0x1360, s10  }
0x12: {  	s26 =	sadd.s32 $0x1310, s10;
	s5 =	sadd.s32 s14, s8;
	s25 =	sshrl.u32 s24, $0x3  }
0x13: {  	s16 =	sshll.u32 s24, $0x4;
	s10 =	sshll.u32 s26, $0x4;
	s29 =	sshrl.u32 s26, $0x3  }
0x14: {  	s7 =	sadd.s32 s14, s25;
	s8 =	sadd.s32 s13, s16;
	s10 =	sadd.s32 s13, s10  }
0x15: {  	s11 =	sadd.s32 s14, s29;
	s14 =	sadd.s32 s18, s14;
	s13 =	sadd.s32 s31, s13  }
0x16: {  	v0 =	vimm.f32 $0.0e+00;
	s16 =	simm.s32 $0x100;
	s18 =	simm.s32 $0x2900;
	s14 =	sadd.s32 $0x14, s14  }
.LBB2_1:
0x17: {  	s24 =	simm.s32 $0x0;
	s25 =	simm.s32 $0x200  }
.LBB2_2:
0x18: {  	p1 =	sne.s32 s25, $0x9E00;
	[tilespmem:s24+$0x170] =	vst v0  }
0x19: {  	[tilespmem:s24+$0x100] =	vst v0  }
0x1a: {  	[tilespmem:s24+$0x110] =	vst v0  }
.Ltmp0:
0x1b: {  	[tilespmem:s24+$0x120] =	vst v0;
	(pc) =	sbr.rel @p1 .LBB2_2-.Ltmp0, $4  }
0x1c: {  	[tilespmem:s24+$0x130] =	vst v0  }
0x1d: {  	[tilespmem:s24+$0x140] =	vst v0  }
0x1e: {  	[tilespmem:s24+$0x150] =	vst v0  }
0x1f: {  	[tilespmem:s24+$0x160] =	vst v0;
	s24 =	sshra.s32 s25, $0x2;
	s25 =	sadd.s32 $0x200, s25  }
0x20: {  	[tilespmem:s24+$0x170] =	vst v0  }
0x21: {  	[tilespmem:s24+$0x100] =	vst v0  }
0x22: {  	[tilespmem:s24+$0x110] =	vst v0  }
0x23: {  	[tilespmem:s24+$0x120] =	vst v0  }
0x24: {  	[tilespmem:s24+$0x130] =	vst v0  }
0x25: {  	[tilespmem:s24+$0x140] =	vst v0;
	p1 =	sne.s32 s4, $0x1  }
.Ltmp1:
0x26: {  	[tilespmem:s24+$0x150] =	vst v0;
	(pc) =	sbr.rel @!p1 .LBB2_5-.Ltmp1, $4  }
0x27: {  	[tilespmem:s24+$0x160] =	vst v0  }
0x28: {  	[spmem:s12] =	stream.linear.scatter [tilespmem:s16], [sflag:$0x3], $0x2800, $0x38;
	[tilespmem:$0x18980] =	vst v63  }
0x29: {  	_ =	swait.ge [sflag:s17], $0x2800  }
0x2a: {  	s24 =	sadd.s32 $0xFFFFFFFF, s4;
	s25 =	smov.u32 s12;
	[sflag:s17] =	ssyncset.done $0x0  }
.LBB2_4:
0x2b: {  	p2 =	sne.s32 s24, $0x1;
	[sflag:s17] =	ssyncadd.s32 $0xFFFFD800;
	s25 =	sadd.s32 $0x28000, s25  }
.Ltmp2:
0x2c: {  	s24 =	sadd.s32 $0xFFFFFFFF, s24;
	(pc) =	sbr.rel @p2 .LBB2_4-.Ltmp2, $4  }
0x2d: {  	_ = 	snop  }
0x2e: {  	[spmem:s25] =	stream.linear.scatter [tilespmem:s16], [sflag:$0x3], $0x2800, $0x38;
	[tilespmem:$0x18980] =	vst v63  }
0x2f: {  	_ =	swait.ge [sflag:s17], $0x2800  }
0x30: {  	[sflag:s17] =	ssyncset.done $0x0  }
.LBB2_5:
0x31: {  	[sflag:s17] =	ssyncadd.s32 $0xFFFFD800  }
0x32: {  	s24 =	simm.s32 $0x0;
	[bflag:$0x0] =	sbarrier.arrive $0xFFFF  }
0x33: {  	[tilespmem:s24], [sflag:$0x3] =	stream.linear.gather [hbm4b:s5+s24], $0x50, $0x38;
	[tilespmem:$0x18980] =	vst v63  }
0x34: {  	_ =	swait.ge [sflag:s17], $0x50  }
0x35: {  	[sflag:s17] =	ssyncset.done $0x0  }
0x36: {  	s30 =	sadd.s32 $0x0, s13;
	[sflag:s17] =	ssyncadd.s32 $0xFFFFFFB0  }
0x37: {  	[tilespmem:s16], [sflag:$0x1] =	stream.linear.gather [hbm4b:s6+s24], $0x2800, $0x38;
	[tilespmem:$0x18980] =	vst v63  }
0x38: {  	s25 =	sadd.s32 $0x500, s30  }
0x39: {  	[tilespmem:s18], [sflag:$0x2] =	stream.linear.gather [hbm4b:s25+s3], $0x2800, $0x38;
	[tilespmem:$0x18980] =	vst v63  }
0x3a: {  	s31 =	sadd.s32 $0xFFFFFFF6, s14  }
0x3b: {  	[tilespmem:s19], [sflag:$0x3] =	stream.linear.gather [hbm4b:s31+s3], $0x50, $0x38;
	[tilespmem:$0x18980] =	vst v63  }
0x3c: {  	_ =	swait.ge [sflag:s17], $0x50  }
0x3d: {  	[sflag:s17] =	ssyncset.done $0x0  }
0x3e: {  	[sflag:s17] =	ssyncadd.s32 $0xFFFFFFB0  }
0x3f: {  	_ =	swait.ge [sflag:s20], $0x2800  }
0x40: {  	[sflag:s20] =	ssyncset.done $0x0  }
0x41: {  	[sflag:s20] =	ssyncadd.s32 $0xFFFFD800  }
0x42: {  	[spmem:s2] =	stream.indirect.scatter.add.f32 [tilespmem:s16], [sflag:$0x3], $0x80, s3, s21, $0xb8;
	[tilespmem:$0x18980] =	vst v63  }
0x43: {  	_ =	swait.ge [sflag:s17], $0x2800  }
0x44: {  	[sflag:s17] =	ssyncset.done $0x0  }
0x45: {  	s24 =	sadd.s32 $0xA00, s30;
	[sflag:s17] =	ssyncadd.s32 $0xFFFFD800  }
0x46: {  	[tilespmem:s16], [sflag:$0x1] =	stream.linear.gather [hbm4b:s24+s3], $0x2800, $0x38;
	[tilespmem:$0x18980] =	vst v63  }
0x47: {  	_ = 	snop  }
0x48: {  	[tilespmem:s3], [sflag:$0x3] =	stream.linear.gather [hbm4b:s14+s3], $0x50, $0x38;
	[tilespmem:$0x18980] =	vst v63  }
0x49: {  	_ =	swait.ge [sflag:s17], $0x50  }
0x4a: {  	[sflag:s17] =	ssyncset.done $0x0  }
0x4b: {  	[sflag:s17] =	ssyncadd.s32 $0xFFFFFFB0  }
0x4c: {  	_ =	swait.ge [sflag:s22], $0x2800  }
0x4d: {  	[sflag:s22] =	ssyncset.done $0x0  }
0x4e: {  	[sflag:s22] =	ssyncadd.s32 $0xFFFFD800  }
0x4f: {  	[spmem:s2] =	stream.indirect.scatter.add.f32 [tilespmem:s18], [sflag:$0x3], $0x80, s19, s21, $0xb8;
	[tilespmem:$0x18980] =	vst v63  }
0x50: {  	s26 =	simm.s32 $0x1400;
	_ =	swait.ge [sflag:s17], $0x2800  }
0x51: {  	s25 =	sadd.s32 $0xA00, s13;
	s24 =	sadd.s32 $0x14, s14;
	[sflag:s17] =	ssyncset.done $0x0  }
.LBB2_6:
0x52: {  	s28 =	sadd.s32 $0x500, s25  }
0x53: {  	[sflag:s17] =	ssyncadd.s32 $0xFFFFD800;
	s29 =	smov.u32 s26;
	s30 =	sadd.s32 $0xA00, s26  }
0x54: {  	[tilespmem:s18], [sflag:$0x2] =	stream.linear.gather [hbm4b:s28+s3], $0x2800, $0x38;
	[tilespmem:$0x18980] =	vst v63  }
0x55: {  	p2 =	sne.s32 s26, $0x12200;
	s26 =	sadd.s32 $0xFFFFFFF6, s24  }
0x56: {  	[tilespmem:s19], [sflag:$0x3] =	stream.linear.gather [hbm4b:s26+s3], $0x50, $0x38;
	[tilespmem:$0x18980] =	vst v63  }
0x57: {  	_ =	swait.ge [sflag:s17], $0x50  }
0x58: {  	[sflag:s17] =	ssyncset.done $0x0  }
0x59: {  	[sflag:s17] =	ssyncadd.s32 $0xFFFFFFB0  }
0x5a: {  	_ =	swait.ge [sflag:s20], $0x2800  }
0x5b: {  	[sflag:s20] =	ssyncset.done $0x0  }
0x5c: {  	[sflag:s20] =	ssyncadd.s32 $0xFFFFD800  }
0x5d: {  	[spmem:s2] =	stream.indirect.scatter.add.f32 [tilespmem:s16], [sflag:$0x3], $0x80, s3, s21, $0xb8;
	[tilespmem:$0x18980] =	vst v63  }
0x5e: {  	_ =	swait.ge [sflag:s17], $0x2800  }
0x5f: {  	[sflag:s17] =	ssyncset.done $0x0  }
0x60: {  	s25 =	sadd.s32 $0xA00, s25;
	[sflag:s17] =	ssyncadd.s32 $0xFFFFD800  }
0x61: {  	[tilespmem:s16], [sflag:$0x1] =	stream.linear.gather [hbm4b:s25+s3], $0x2800, $0x38;
	[tilespmem:$0x18980] =	vst v63  }
0x62: {  	_ = 	snop  }
0x63: {  	[tilespmem:s3], [sflag:$0x3] =	stream.linear.gather [hbm4b:s24+s3], $0x50, $0x38;
	[tilespmem:$0x18980] =	vst v63  }
0x64: {  	_ =	swait.ge [sflag:s17], $0x50  }
0x65: {  	[sflag:s17] =	ssyncset.done $0x0  }
0x66: {  	[sflag:s17] =	ssyncadd.s32 $0xFFFFFFB0  }
0x67: {  	_ =	swait.ge [sflag:s22], $0x2800  }
.Ltmp3:
0x68: {  	[sflag:s22] =	ssyncset.done $0x0;
	(pc) =	sbr.rel @p2 .LBB2_6-.Ltmp3, $4  }
0x69: {  	[sflag:s22] =	ssyncadd.s32 $0xFFFFD800  }
0x6a: {  	[spmem:s2] =	stream.indirect.scatter.add.f32 [tilespmem:s18], [sflag:$0x3], $0x80, s19, s21, $0xb8;
	[tilespmem:$0x18980] =	vst v63  }
0x6b: {  	s26 =	smov.u32 s30;
	_ =	swait.ge [sflag:s17], $0x2800  }
0x6c: {  	s25 =	sadd.s32 s29, s13;
	s24 =	sadd.s32 $0x14, s24;
	[sflag:s17] =	ssyncset.done $0x0  }
0x6d: {  	s26 =	sadd.s32 $0x500, s25;
	[sflag:s17] =	ssyncadd.s32 $0xFFFFD800  }
0x6e: {  	[tilespmem:s18], [sflag:$0x2] =	stream.linear.gather [hbm4b:s26+s3], $0x2800, $0x38;
	[tilespmem:$0x18980] =	vst v63  }
0x6f: {  	s30 =	sadd.s32 $0xFFFFFFF6, s24  }
0x70: {  	[tilespmem:s19], [sflag:$0x3] =	stream.linear.gather [hbm4b:s30+s3], $0x50, $0x38;
	[tilespmem:$0x18980] =	vst v63  }
0x71: {  	_ =	swait.ge [sflag:s17], $0x50  }
0x72: {  	[sflag:s17] =	ssyncset.done $0x0  }
0x73: {  	[sflag:s17] =	ssyncadd.s32 $0xFFFFFFB0  }
0x74: {  	_ =	swait.ge [sflag:s20], $0x2800  }
0x75: {  	[sflag:s20] =	ssyncset.done $0x0  }
0x76: {  	[sflag:s20] =	ssyncadd.s32 $0xFFFFD800  }
0x77: {  	[spmem:s2] =	stream.indirect.scatter.add.f32 [tilespmem:s16], [sflag:$0x3], $0x80, s3, s21, $0xb8;
	[tilespmem:$0x18980] =	vst v63  }
0x78: {  	_ =	swait.ge [sflag:s17], $0x2800  }
0x79: {  	[sflag:s17] =	ssyncset.done $0x0  }
0x7a: {  	s31 =	sadd.s32 $0xA00, s25;
	[sflag:s17] =	ssyncadd.s32 $0xFFFFD800  }
0x7b: {  	[tilespmem:s16], [sflag:$0x1] =	stream.linear.gather [hbm4b:s31+s3], $0x2800, $0x38;
	[tilespmem:$0x18980] =	vst v63  }
0x7c: {  	_ = 	snop  }
0x7d: {  	[tilespmem:s3], [sflag:$0x3] =	stream.linear.gather [hbm4b:s24+s3], $0x50, $0x38;
	[tilespmem:$0x18980] =	vst v63  }
0x7e: {  	_ =	swait.ge [sflag:s17], $0x50  }
0x7f: {  	[sflag:s17] =	ssyncset.done $0x0  }
0x80: {  	[sflag:s17] =	ssyncadd.s32 $0xFFFFFFB0  }
0x81: {  	_ =	swait.ge [sflag:s22], $0x2800  }
0x82: {  	[sflag:s22] =	ssyncset.done $0x0  }
0x83: {  	[sflag:s22] =	ssyncadd.s32 $0xFFFFD800  }
0x84: {  	[spmem:s2] =	stream.indirect.scatter.add.f32 [tilespmem:s18], [sflag:$0x3], $0x80, s19, s21, $0xb8;
	[tilespmem:$0x18980] =	vst v63  }
0x85: {  	_ =	swait.ge [sflag:s17], $0x2800  }
0x86: {  	[sflag:s17] =	ssyncset.done $0x0  }
0x87: {  	[sflag:s17] =	ssyncadd.s32 $0xFFFFD800  }
0x88: {  	[tilespmem:s18], [sflag:$0x2] =	stream.linear.gather [hbm4b:s10+s3], $0x2800, $0x38;
	[tilespmem:$0x18980] =	vst v63  }
0x89: {  	_ = 	snop  }
0x8a: {  	[tilespmem:s19], [sflag:$0x3] =	stream.linear.gather [hbm4b:s11+s3], $0x50, $0x38;
	[tilespmem:$0x18980] =	vst v63  }
0x8b: {  	_ =	swait.ge [sflag:s17], $0x50  }
0x8c: {  	[sflag:s17] =	ssyncset.done $0x0  }
0x8d: {  	[sflag:s17] =	ssyncadd.s32 $0xFFFFFFB0  }
0x8e: {  	_ =	swait.ge [sflag:s20], $0x2800  }
0x8f: {  	[sflag:s20] =	ssyncset.done $0x0  }
0x90: {  	[sflag:s20] =	ssyncadd.s32 $0xFFFFD800  }
0x91: {  	[spmem:s2] =	stream.indirect.scatter.add.f32 [tilespmem:s16], [sflag:$0x3], $0x80, s3, s21, $0xb8;
	[tilespmem:$0x18980] =	vst v63  }
0x92: {  	_ =	swait.ge [sflag:s17], $0x2800  }
0x93: {  	[sflag:s17] =	ssyncset.done $0x0  }
0x94: {  	[sflag:s17] =	ssyncadd.s32 $0xFFFFD800  }
0x95: {  	_ =	swait.ge [sflag:s22], $0x2800  }
0x96: {  	[sflag:s22] =	ssyncset.done $0x0  }
0x97: {  	[sflag:s22] =	ssyncadd.s32 $0xFFFFD800  }
0x98: {  	[spmem:s2] =	stream.indirect.scatter.add.f32 [tilespmem:s18], [sflag:$0x3], $0x80, s19, s21, $0xb8;
	[tilespmem:$0x18980] =	vst v63  }
0x99: {  	_ =	swait.ge [sflag:s17], $0x2800  }
0x9a: {  	[sflag:s17] =	ssyncset.done $0x0  }
0x9b: {  	s25 =	simm.s32 @!p0 $0x3;
	s24 =	simm.s32 @!p0 $0x0;
	[sflag:s17] =	ssyncadd.s32 $0xFFFFD800  }
0x9c: {  	[tilespmem:s24], [sflag:$0x3] =	stream.linear.gather @!p0 [hbm4b:s7+s24], $0x50, $0x38;
	[tilespmem:$0x18980] =	vst v63  }
0x9d: {  	_ =	swait.ge @!p0 [sflag:s25], $0x50  }
0x9e: {  	[sflag:s25] =	ssyncset.done @!p0 $0x0  }
0x9f: {  	s26 =	simm.s32 @!p0 $0x100;
	[sflag:s25] =	ssyncadd.s32 @!p0 $0xFFFFFFB0  }
0xa0: {  	[tilespmem:s26], [sflag:$0x3] =	stream.linear.gather @!p0 [hbm4b:s8+s24], $0x2800, $0x38;
	[tilespmem:$0x18980] =	vst v63  }
0xa1: {  	_ =	swait.ge @!p0 [sflag:s25], $0x2800  }
0xa2: {  	[sflag:s25] =	ssyncset.done @!p0 $0x0  }
0xa3: {  	s28 =	simm.s32 @!p0 $0x50;
	[sflag:s25] =	ssyncadd.s32 @!p0 $0xFFFFD800  }
0xa4: {  	[spmem:s2] =	stream.indirect.scatter.add.f32 @!p0 [tilespmem:s26], [sflag:$0x3], $0x80, s24, s28, $0xb8;
	[tilespmem:$0x18980] =	vst v63  }
0xa5: {  	_ =	swait.ge @!p0 [sflag:s25], $0x2800  }
0xa6: {  	[sflag:s25] =	ssyncset.done @!p0 $0x0  }
0xa7: {  	[sflag:s25] =	ssyncadd.s32 @!p0 $0xFFFFD800  }
0xa8: {  	[bflag:$0x0] =	sbarrier.arrive $0xFFFF  }
0xa9: {  	[tilespmem:s16], [sflag:$0x3] =	stream.linear.gather [spmem:s12], $0x2800, $0x38;
	[tilespmem:$0x18980] =	vst v63  }
0xaa: {  	_ =	swait.ge [sflag:s17], $0x2800  }
.Ltmp4:
0xab: {  	[sflag:s17] =	ssyncset.done $0x0;
	(pc) =	sbr.rel @!p1 .LBB2_9-.Ltmp4, $4  }
0xac: {  	[sflag:s17] =	ssyncadd.s32 $0xFFFFD800  }
0xad: {  	[hbm4b:s15+s3] =	stream.linear.scatter [tilespmem:s16], [sflag:$0x3], $0x2800, $0x38;
	[tilespmem:$0x18980] =	vst v63  }
0xae: {  	s24 =	sadd.s32 $0xFFFFFFFF, s4;
	_ =	swait.ge [sflag:s17], $0x2800  }
0xaf: {  	s26 =	smov.u32 s15;
	s25 =	smov.u32 s12;
	[sflag:s17] =	ssyncset.done $0x0  }
.LBB2_8:
0xb0: {  	[sflag:s17] =	ssyncadd.s32 $0xFFFFD800;
	s25 =	sadd.s32 $0x28000, s25;
	s26 =	sadd.s32 $0x5000, s26  }
0xb1: {  	[tilespmem:s16], [sflag:$0x3] =	stream.linear.gather [spmem:s25], $0x2800, $0x38;
	[tilespmem:$0x18980] =	vst v63  }
0xb2: {  	p1 =	sne.s32 s24, $0x1;
	s24 =	sadd.s32 $0xFFFFFFFF, s24;
	_ =	swait.ge [sflag:s17], $0x2800  }
.Ltmp5:
0xb3: {  	[sflag:s17] =	ssyncset.done $0x0;
	(pc) =	sbr.rel @p1 .LBB2_8-.Ltmp5, $4  }
0xb4: {  	[sflag:s17] =	ssyncadd.s32 $0xFFFFD800  }
0xb5: {  	[hbm4b:s26+s3] =	stream.linear.scatter [tilespmem:s16], [sflag:$0x3], $0x2800, $0x38;
	[tilespmem:$0x18980] =	vst v63  }
0xb6: {  	_ =	swait.ge [sflag:s17], $0x2800  }
0xb7: {  	[sflag:s17] =	ssyncset.done $0x0  }
.LBB2_9:
0xb8: {  	s23 =	sadd.s32 $0x1, s23  }
0xb9: {  	p1 =	sne.s32 s23, s9  }
.Ltmp6:
0xba: {  	_ = 	snop;
	(pc) =	sbr.rel @p1 .LBB2_1-.Ltmp6, $2  }
0xbb: {  	_ =	sdelay $0x2  }
0xbc: {  	[sflag:s17] =	ssyncadd.s32 $0xFFFFD800  }
0xbd: {  	_ =	sfence.sel $0x180000  }
0xbe: {  	[bflag:$0x0] =	sbarrier.arrive $0xFFFF  }
0xbf: {  	p0 =	sne.s32 s0, $0x0;
	_ =	strace $0x90000050  }
0xc0: {  	s0 =	sadd.s32 @!p0 $0x100000, s1;
	[bflag:$0x2] =	sbarrier.arrive $0xFFFF  }
0xc1: {  	[sflag:s0] =	ssyncadd.tile.s32 @!p0 $0x1;
	_ =	shalt  }
.Lfunc_end2:
_tile_overlayer_lowered:
.L_overlay_start_2:
0xc2: {  	(tag) =	ssettag $0x2  }
0xc3: {  	s0 =	rddreg [dreg:$0x0];
	s2 =	stileid.u32  }
0xc4: {  	s1 =	rddreg [dreg:$0x1];
	p0 =	sne.s32 s2, $0x0  }
0xc5: {  	s3 =	rddreg [dreg:$0x2];
	[bflag:$0x3] =	sbarrier.arrive $0xFFFF;
	s2 =	simm.s32 @!p0 $0x1C03  }
0xc6: {  	[timem:s3], [sflag:s2] =	dma.local @!p0 [hbm:s0], s1  }
0xc7: {  	s0 =	simm.s32 @!p0 $0x3  }
0xc8: {  	_ =	swait.ge @!p0 [sflag:s0], s1  }
0xc9: {  	s1 =	ssub.s32 @!p0 $0x0, s1;
	[sflag:s0] =	ssyncset.done @!p0 $0x0  }
0xca: {  	[sflag:s0] =	ssyncadd.s32 @!p0 s1  }
0xcb: {  	[bflag:$0x3] =	sbarrier.arrive $0xFFFF  }
0xcc: {  	_ =	shalt  }

// kernel: kernel.15.cloned.1.call-start
scs
__scs_entry_jumppad:
0x0: {  	(pc) =	sbr.rel $0x88, $3  }
0x1: {  	(tag) =	ssettag $0x0;
	lr =	simm.s32 $0x1  }
0x2: {  	[smem:$0x3F8C] =	sst lr;
	_ =	strace $0xD0000000  }
0x3: {  	_ = 	snop  }
0x4: {  	_ = 	snop  }
0x5: {  	_ = 	snop  }
0x6: {  	_ = 	snop  }
0x7: {  	_ = 	snop  }
__scs_overlays_trampoline_lowered:
0x8: {  	[smem:$0x3F9B] =	sst s0  }
0x9: {  	[smem:$0x3F9C] =	sst s1  }
0xa: {  	[smem:$0x3F9D] =	sst s2  }
0xb: {  	[smem:$0x3F9E] =	sst s3  }
0xc: {  	[smem:$0x3F9F] =	sst s4  }
0xd: {  	[smem:$0x3FA0] =	sst s5  }
0xe: {  	[smem:$0x3FA1] =	sst s6  }
0xf: {  	[smem:$0x3FA2] =	sst s7  }
0x10: {  	[smem:$0x3FA3] =	sst s8  }
0x11: {  	[smem:$0x3FA4] =	sst s9;
	s0 =	simm.s32 @!p0 $0x0  }
0x12: {  	s1 =	sld [smem:$0x3F8A];
	s0 =	simm.s32 @p0 $0x1  }
0x13: {  	[smem:$0x3FA5] =	sst s0;
	s0 =	simm.s32 @!p1 $0x0  }
0x14: {  	s2 =	sld [smem:$0x3F89];
	s0 =	simm.s32 @p1 $0x1  }
0x15: {  	[smem:$0x3FA6] =	sst s0;
	s0 =	simm.s32 @!p2 $0x0  }
0x16: {  	s3 =	sld [smem:$0x3FDB];
	s0 =	simm.s32 @p2 $0x1  }
0x17: {  	s4 =	simm.s32 $0x1BF5;
	[smem:$0x3FA8] =	sst s0  }
0x18: {  	s0 =	sld [smem:$0x3F8B];
	_ =	swait.ge [sflag:s4], $0x0  }
0x19: {  	s7 =	sld [smem:$0x3F8C]  }
0x1a: {  	s8 =	sadd.s32 $0xFFFFE003, lr  }
0x1b: {  	s9 =	sadd.s32 $0xFFFFFEF7, lr;
	s5 =	simm.s32 $0xFFFFFFFF;
	p2 =	slt.u32 s8, $0xFFFFF086  }
0x1c: {  	p1 =	slt.u32 s9, $0xF7A;
	s5 =	simm.s32 @!p2 $0x0  }
0x1d: {  	s5 =	simm.s32 @p1 $0x1;
	p0 =	seq.s32 s7, s2  }
0x1e: {  	s7 =	smul.u32 @!p0 $0xF7A, s2;
	p2 =	seq.s32 @!p0 s5, $0x0  }
0x1f: {  	s9 =	smul.u32 $0xF7A, s1;
	s8 =	simm.s32 @!p0 $0x1BF5;
	p2 =	por !p2, p0  }
0x20: {  	[sflag:s8] =	ssyncset.s32 @!p0 $0xFFFFF086;
	s6 =	sadd.s32 @!p0 s3, s7;
	s7 =	simm.s32 @!p0 $0x108  }
0x21: {  	s3 =	sadd.s32 s3, s9;
	s6 =	sadd.s32 @!p0 $0x88, s6;
	s7 =	simm.s32 @p2 $0x1082  }
0x22: {  	[simem:s7], [sflag:s8] =	dma.local @!p0 [hbm:s6], $0xF7A  }
0x23: {  	s9 =	sor.u32 $0xD0000000, s2;
	s6 =	simm.s32 $0x108;
	_ =	swait.ge @!p0 [sflag:s8], $0x0  }
0x24: {  	s3 =	sadd.s32 $0x88, s3;
	s6 =	simm.s32 @!p1 $0x1082;
	[sflag:s4] =	ssyncset.s32 $0xFFFFF086  }
0x25: {  	[simem:s6], [sflag:s4] =	dma.local [hbm:s3], $0xF7A  }
0x26: {  	[smem:$0x3F8C] =	sst s1;
	(tag) =	ssettag s2;
	_ =	strace s9  }
0x27: {  	s1 =	sld [smem:$0x3F9C]  }
0x28: {  	s2 =	sld [smem:$0x3F9D]  }
0x29: {  	s4 =	sld [smem:$0x3F9F]  }
0x2a: {  	p0 =	seq.s32 s5, $0x0;
	s5 =	sld [smem:$0x3FA0]  }
0x2b: {  	s6 =	sld [smem:$0x3FA1]  }
0x2c: {  	s7 =	sld [smem:$0x3FA2]  }
0x2d: {  	s3 =	simm.s32 $0x108;
	s8 =	sld [smem:$0x3FA3]  }
0x2e: {  	s3 =	simm.s32 @!p0 $0x1082;
	s9 =	sld [smem:$0x3FA4]  }
0x2f: {  	lr =	sadd.s32 s0, s3;
	s0 =	sld [smem:$0x3F9B]  }
0x30: {  	s3 =	sld [smem:$0x3F9E]  }
0x31: {  	[smem:$0x3FA7] =	sst s10  }
0x32: {  	s10 =	sld [smem:$0x3FA5];
	_ =	sdelay $0x3  }
0x33: {  	p0 =	seq.s32 s10, $0x1;
	s10 =	sld [smem:$0x3FA7];
	_ =	sdelay $0x3  }
0x34: {  	[smem:$0x3FA7] =	sst s10  }
0x35: {  	s10 =	sld [smem:$0x3FA6];
	_ =	sdelay $0x3  }
0x36: {  	p1 =	seq.s32 s10, $0x1;
	s10 =	sld [smem:$0x3FA7];
	_ =	sdelay $0x3  }
0x37: {  	[smem:$0x3FA7] =	sst s10  }
0x38: {  	s10 =	sld [smem:$0x3FA8]  }
0x39: {  	_ = 	snop;
	(pc) =	sbr.ind lr, $3  }
0x3a: {  	_ = 	snop  }
0x3b: {  	_ = 	snop  }
0x3c: {  	p2 =	seq.s32 s10, $0x1;
	s10 =	sld [smem:$0x3FA7]  }
0x3d: {  	_ =	shalt  }
0x3e: {  	_ =	shalt  }
0x3f: {  	_ =	shalt  }
0x40: {  	_ =	shalt  }
0x41: {  	_ =	shalt  }
0x42: {  	_ =	shalt  }
0x43: {  	_ =	shalt  }
0x44: {  	_ =	shalt  }
0x45: {  	_ =	shalt  }
0x46: {  	_ =	shalt  }
0x47: {  	_ =	shalt  }
0x48: {  	_ =	shalt  }
0x49: {  	_ =	shalt  }
0x4a: {  	_ =	shalt  }
0x4b: {  	_ =	shalt  }
0x4c: {  	_ =	shalt  }
0x4d: {  	_ =	shalt  }
0x4e: {  	_ =	shalt  }
0x4f: {  	_ =	shalt  }
0x50: {  	_ =	shalt  }
0x51: {  	_ =	shalt  }
0x52: {  	_ =	shalt  }
0x53: {  	_ =	shalt  }
0x54: {  	_ =	shalt  }
0x55: {  	_ =	shalt  }
0x56: {  	_ =	shalt  }
0x57: {  	_ =	shalt  }
0x58: {  	_ =	shalt  }
0x59: {  	_ =	shalt  }
0x5a: {  	_ =	shalt  }
0x5b: {  	_ =	shalt  }
0x5c: {  	_ =	shalt  }
0x5d: {  	_ =	shalt  }
0x5e: {  	_ =	shalt  }
0x5f: {  	_ =	shalt  }
0x60: {  	_ =	shalt  }
0x61: {  	_ =	shalt  }
0x62: {  	_ =	shalt  }
0x63: {  	_ =	shalt  }
0x64: {  	_ =	shalt  }
0x65: {  	_ =	shalt  }
0x66: {  	_ =	shalt  }
0x67: {  	_ =	shalt  }
0x68: {  	_ =	shalt  }
0x69: {  	_ =	shalt  }
0x6a: {  	_ =	shalt  }
0x6b: {  	_ =	shalt  }
0x6c: {  	_ =	shalt  }
0x6d: {  	_ =	shalt  }
0x6e: {  	_ =	shalt  }
0x6f: {  	_ =	shalt  }
0x70: {  	_ =	shalt  }
0x71: {  	_ =	shalt  }
0x72: {  	_ =	shalt  }
0x73: {  	_ =	shalt  }
0x74: {  	_ =	shalt  }
0x75: {  	_ =	shalt  }
0x76: {  	_ =	shalt  }
0x77: {  	_ =	shalt  }
0x78: {  	_ =	shalt  }
0x79: {  	_ =	shalt  }
0x7a: {  	_ =	shalt  }
0x7b: {  	_ =	shalt  }
0x7c: {  	_ =	shalt  }
0x7d: {  	_ =	shalt  }
0x7e: {  	_ =	shalt  }
0x7f: {  	_ =	shalt  }
0x80: {  	_ =	shalt  }
0x81: {  	_ =	shalt  }
0x82: {  	_ =	shalt  }
0x83: {  	_ =	shalt  }
0x84: {  	_ =	shalt  }
0x85: {  	_ =	shalt  }
0x86: {  	_ =	shalt  }
0x87: {  	_ =	shalt  }
.Lfunc_end0:
.L_simem_size_0:
called_computation.2_lowered:
.L_overlay_start_0:
0x88: {  	s2 =	sld [smem:$0x3FD9]  }
0x89: {  	s3 =	sld [smem:$0x3FFE];
	_ =	sdelay $0x1  }
0x8a: {  	s1 =	srdreg.scid  }
0x8b: {  	s0 =	sand.u32 $0x1, s1  }
0x8c: {  	s14 =	sshll.u32 s0, $0xA;
	s2 =	sadd.s32 s3, s2  }
0x8d: {  	s2 =	sadd.s32 s2, s14  }
0x8e: {  	[smem:$0x3FB3] =	sst s2  }
0x8f: {  	_ = 	snop  }
0x90: {  	s2 =	sld [smem:$0x3FD0];
	_ =	sdelay $0x2  }
0x91: {  	s4 =	simm.s32 $0xB;
	s5 =	simm.s32 $0x10;
	s15 =	sld [smem:$0x3FC9]  }
0x92: {  	[smem:s5], [sflag:s4] =	dma.local [hbm:s2], $0x1  }
0x93: {  	_ =	swait.eq [sflag:s4], $0x1  }
0x94: {  	[sflag:s4] =	ssyncset.done $0x0  }
0x95: {  	[sflag:s4] =	ssyncadd.s32 $0xFFFFFFFF  }
0x96: {  	s16 =	sld [smem:$0x11];
	(tm) =	ssettm $0x1  }
0x97: {  	s17 =	sld [smem:$0x3FFB];
	_ =	sdelay $0x3  }
0x98: {  	_ =	strace s17  }
0x99: {  	s4 =	sld [smem:$0x3FFC];
	_ =	sdelay $0x3  }
0x9a: {  	_ =	strace s4  }
0x9b: {  	s4 =	sld [smem:$0x3FFD];
	_ =	sdelay $0x3  }
0x9c: {  	_ =	strace s4  }
0x9d: {  	_ =	strace $0x8FFFFFFF  }
0x9e: {  	s18 =	sld [smem:$0x3FDB];
	_ =	sdelay $0x1  }
0x9f: {  	s19 =	simm.s32 $_scs_section_size  }
0xa0: {  	s6 =	simm.s32 $_size__tile_overlayer_lowered;
	s7 =	simm.s32 $_tile_overlayer_lowered  }
0xa1: {  	s22 =	simm.s32 $0x1BFF;
	s21 =	sshll.u32 s7, $0x1;
	s4 =	sadd.s32 s19, s18  }
0xa2: {  	s8 =	simm.s32 $0x0;
	s20 =	sshll.u32 s6, $0x1;
	s6 =	sadd.s32 s21, s4  }
0xa3: {  	[timem:s8], [sflag:s22] =	dma.local [hbm:s6], s20  }
0xa4: {  	_ =	swait.ge [sflag:s22], s20  }
0xa5: {  	s5 =	ssub.s32 $0x0, s20;
	[sflag:s22] =	ssyncset.done $0x0  }
0xa6: {  	[sflag:s22] =	ssyncadd.s32 s5;
	_ =	sdelay $0x1  }
0xa7: {  	s23 =	simm.s32 $0x1B8B  }
0xa8: {  	_ =	swait.ge [sflag:s23], $0x1  }
0xa9: {  	[sflag:s23] =	ssyncset.done $0x0  }
0xaa: {  	s25 =	simm.s32 $0x1B8E;
	s24 =	sld [smem:$0x3FFE];
	[sflag:s23] =	ssyncadd.s32 $0xFFFFFFFF  }
0xab: {  	s26 =	simm.s32 $execute0_lowered;
	[smem:$0x3FD2] =	sst s25  }
0xac: {  	s6 =	sshll.u32 s26, $0x1;
	_ =	strace $0x80000046;
	[dreg:$0x1] =	wrdreg $0xFFFFFFFF  }
0xad: {  	s28 =	simm.s32 $_size_execute0_lowered;
	s4 =	sadd.s32 s4, s6;
	[dreg:$0x0] =	wrdreg $0x0  }
0xae: {  	s6 =	sshll.u32 s28, $0x1;
	[dreg:$0x2] =	wrdreg s4  }
0xaf: {  	[dreg:$0x3] =	wrdreg s6  }
0xb0: {  	[dreg:$0x4] =	wrdreg $0xC0  }
0xb1: {  	_ =	task [dreg:s8], $0x5FFFF  }
0xb2: {  	[dreg:$0x1] =	wrdreg $0xFFFFFFFF  }
0xb3: {  	[dreg:$0x0] =	wrdreg $0x60  }
0xb4: {  	[dreg:$0x2] =	wrdreg s15  }
0xb5: {  	[dreg:$0x3] =	wrdreg s16  }
0xb6: {  	[dreg:$0x4] =	wrdreg s24  }
0xb7: {  	[dreg:$0x5] =	wrdreg $0xA  }
0xb8: {  	_ =	task.clear_ibuf [dreg:s8], $0x6FFFF;
	_ =	strace $0x90000046  }
0xb9: {  	s29 =	simm.s32 $0xA;
	_ =	strace $0x80000048  }
0xba: {  	_ =	swait.ge [sflag:s29], $0x1  }
0xbb: {  	[sflag:s29] =	ssyncadd.s32 $0xFFFFFFFF  }
0xbc: {  	_ =	strace $0x90000048  }
0xbd: {  	_ =	sfence  }
0xbe: {  	s30 =	sld [smem:$0x0];
	_ =	sdelay $0x2  }
0xbf: {  	s31 =	sshll.u32 s1, $0xD;
	s1 =	sshrl.u32 s1, $0x2  }
0xc0: {  	s3 =	sand.u32 $0x4000, s31;
	s1 =	sadd.s32 s1, s30  }
0xc1: {  	s0 =	sor.u32 s3, s0;
	s1 =	sshll.u32 s1, $0x11  }
0xc2: {  	s0 =	sor.u32 s1, s0  }
0xc3: {  	s0 =	sadd.s32 $0x8F2B, s0  }
0xc4: {  	[sflag:s0] =	ssyncadd.remote.s32 $0x1  }
0xc5: {  	_ =	sfence.sel $0xFFFF  }
0xc6: {  	[dreg:$0x0] =	wrdreg $0xFFFFFFFF;
	(pc) =	sbr.abs _section_cstart, $3  }
0xc7: {  	[dreg:$0x1] =	wrdreg $0xFFFFFFFF  }
0xc8: {  	_ =	task.clear_ibuf [dreg:s8], $0x2FFFF;
	_ =	strace $0x9FFFFFFF  }
0xc9: {  	(tm) =	ssettm $0x7FFFFFFF  }
tec
execute0_lowered:
.L_overlay_start_1:
0x0: {  	(tag) =	ssettag $0x1  }
0x1: {  	s0 =	rddreg [dreg:$0x0]  }
0x2: {  	s1 =	srdreg.scid;
	s4 =	rddreg [dreg:$0x1]  }
0x3: {  	s6 =	rddreg [dreg:$0x2];
	s2 =	stileid.u32  }
0x4: {  	s3 =	simm.s32 $0x0;
	s13 =	simm.s32 $0x4F80;
	s14 =	simm.s32 $0x1  }
0x5: {  	s15 =	simm.s32 $0x2;
	s16 =	simm.s32 $0x3;
	s17 =	simm.s32 $0xA0  }
0x6: {  	s18 =	simm.s32 $0x4;
	s19 =	simm.s32 $0x26C0;
	s5 =	sand.u32 $0x1, s1  }
0x7: {  	s20 =	simm.s32 $0x0;
	s31 =	smul.u32 $0x27100, s2;
	s7 =	sshll.u32 s5, $0x4  }
0x8: {  	s1 =	rddreg [dreg:$0x3];
	s29 =	smul.u32 $0x271000, s5;
	s7 =	sor.u32 s2, s7  }
0x9: {  	[smem:$0x7FF] =	sst s3;
	s8 =	ssub.s32 $0x2, s5;
	s9 =	smul.u32 $0x2710, s7  }
0xa: {  	s12 =	sadd.s32 $0x8A00, s6;
	s10 =	sshrl.u32 s8, $0x1;
	s11 =	smul.u32 $0x138800, s7  }
0xb: {  	_ =	strace $0x80000047;
	s8 =	ssub.s32 s8, s10;
	s25 =	smul.u32 $0x27100, s7  }
.Ltmp0:
0xc: {  	s10 =	sadd.s32 s29, s12;
	s7 =	smax.u32 s8, $0x1;
	(pc) =	sbr.rel .LBB2_1-.Ltmp0, $4  }
0xd: {  	s26 =	sshrl.u32 s9, $0x3;
	s28 =	sshrl.u32 s11, $0x3;
	s6 =	sadd.s32 s12, s25  }
0xe: {  	s9 =	sadd.s32 s31, s10;
	s10 =	simm.s32 $0x5;
	s11 =	simm.s32 $0x50  }
0xf: {  	s4 =	sadd.s32 s4, s26;
	s30 =	sadd.s32 s12, s28;
	s8 =	sadd.s32 $0x500, s6  }
0x10: {  	s9 =	sadd.s32 $0xA00, s9;
	s12 =	simm.s32 $0x2780;
	s5 =	sadd.s32 $0x26C00, s30  }
.LBB2_4:
0x11: {  	_ =	swait.ge [sflag:s18], $0x2800  }
0x12: {  	[sflag:s18] =	ssyncset.done $0x0  }
0x13: {  	[sflag:s18] =	ssyncadd.s32 $0xFFFFD800  }
0x14: {  	[tilespmem:s12], [sflag:$0x1] =	stream.indirect.gather [hbm4b:s0+s11], $0x80, s19, s11, $0xb8;
	[tilespmem:$0x7780] =	vst v63  }
0x15: {  	s20 =	sadd.s32 $0x1, s20;
	_ =	swait.ge [sflag:s14], $0x2800  }
0x16: {  	p0 =	sne.s32 s20, s7;
	[sflag:s14] =	ssyncset.done $0x0  }
.Ltmp1:
0x17: {  	[sflag:s14] =	ssyncadd.s32 $0xFFFFD800;
	(pc) =	sbr.rel @!p0 .LBB2_5-.Ltmp1, $4  }
0x18: {  	[hbm4b:s5+s3] =	stream.linear.scatter [tilespmem:s12], [sflag:$0x5], $0x2800, $0x38;
	[tilespmem:$0x7780] =	vst v63  }
0x19: {  	_ =	swait.ge [sflag:s10], $0x2800  }
0x1a: {  	[sflag:s10] =	ssyncset.done $0x0  }
0x1b: {  	[sflag:s10] =	ssyncadd.s32 $0xFFFFD800  }
.LBB2_1:
0x1c: {  	[tilespmem:s3], [sflag:$0x5] =	stream.linear.gather [hbm4b:s4+s3], $0x2710, $0x38;
	[tilespmem:$0x7780] =	vst v63  }
0x1d: {  	_ =	swait.ge [sflag:s10], $0x2710  }
0x1e: {  	[sflag:s10] =	ssyncset.done $0x0  }
0x1f: {  	[sflag:s10] =	ssyncadd.s32 $0xFFFFD8F0  }
0x20: {  	[tilespmem:s12], [sflag:$0x1] =	stream.indirect.gather [hbm4b:s0+s11], $0x80, s3, s11, $0xb8;
	[tilespmem:$0x7780] =	vst v63  }
0x21: {  	_ = 	snop  }
0x22: {  	[tilespmem:s13], [sflag:$0x2] =	stream.indirect.gather [hbm4b:s0+s11], $0x80, s11, s11, $0xb8;
	[tilespmem:$0x7780] =	vst v63  }
0x23: {  	_ =	swait.ge [sflag:s14], $0x2800  }
0x24: {  	[sflag:s14] =	ssyncset.done $0x0  }
0x25: {  	[sflag:s14] =	ssyncadd.s32 $0xFFFFD800  }
0x26: {  	[hbm4b:s6+s3] =	stream.linear.scatter [tilespmem:s12], [sflag:$0x3], $0x2800, $0x38;
	[tilespmem:$0x7780] =	vst v63  }
0x27: {  	_ =	swait.ge [sflag:s15], $0x2800  }
0x28: {  	[sflag:s15] =	ssyncset.done $0x0  }
0x29: {  	[sflag:s15] =	ssyncadd.s32 $0xFFFFD800  }
0x2a: {  	[hbm4b:s8+s3] =	stream.linear.scatter [tilespmem:s13], [sflag:$0x4], $0x2800, $0x38;
	[tilespmem:$0x7780] =	vst v63  }
0x2b: {  	_ =	swait.ge [sflag:s16], $0x2800  }
0x2c: {  	[sflag:s16] =	ssyncset.done $0x0  }
0x2d: {  	s21 =	smov.u32 s9;
	s22 =	simm.s32 $0x0;
	[sflag:s16] =	ssyncadd.s32 $0xFFFFD800  }
0x2e: {  	[tilespmem:s12], [sflag:$0x1] =	stream.indirect.gather [hbm4b:s0+s11], $0x80, s17, s11, $0xb8;
	[tilespmem:$0x7780] =	vst v63  }
.LBB2_2:
0x2f: {  	_ =	swait.ge [sflag:s18], $0x2800  }
0x30: {  	s23 =	sshra.s32 s22, $0x2;
	[sflag:s18] =	ssyncset.done $0x0  }
0x31: {  	s24 =	sadd.s32 $0xF0, s23;
	[sflag:s18] =	ssyncadd.s32 $0xFFFFD800  }
0x32: {  	[tilespmem:s13], [sflag:$0x2] =	stream.indirect.gather [hbm4b:s0+s11], $0x80, s24, s11, $0xb8;
	[tilespmem:$0x7780] =	vst v63  }
0x33: {  	_ =	swait.ge [sflag:s14], $0x2800  }
0x34: {  	[sflag:s14] =	ssyncset.done $0x0  }
0x35: {  	[sflag:s14] =	ssyncadd.s32 $0xFFFFD800  }
0x36: {  	[hbm4b:s21+s3] =	stream.linear.scatter [tilespmem:s12], [sflag:$0x3], $0x2800, $0x38;
	[tilespmem:$0x7780] =	vst v63  }
0x37: {  	_ =	swait.ge [sflag:s15], $0x2800  }
0x38: {  	p0 =	seq.s32 s22, $0x9600;
	[sflag:s15] =	ssyncset.done $0x0  }
.Ltmp2:
0x39: {  	s31 =	sadd.s32 $0x500, s21;
	[sflag:s15] =	ssyncadd.s32 $0xFFFFD800;
	(pc) =	sbr.rel @p0 .LBB2_4-.Ltmp2, $4  }
0x3a: {  	[hbm4b:s31+s3] =	stream.linear.scatter [tilespmem:s13], [sflag:$0x4], $0x2800, $0x38;
	[tilespmem:$0x7780] =	vst v63  }
0x3b: {  	_ =	swait.ge [sflag:s16], $0x2800  }
0x3c: {  	[sflag:s16] =	ssyncset.done $0x0  }
0x3d: {  	[sflag:s16] =	ssyncadd.s32 $0xFFFFD800  }
.Ltmp3:
0x3e: {  	(pc) =	sbr.rel .LBB2_2-.Ltmp3, $3  }
0x3f: {  	_ =	sdelay $0x1  }
0x40: {  	s23 =	sadd.s32 $0x140, s23;
	s22 =	sadd.s32 $0x280, s22;
	s21 =	sadd.s32 $0xA00, s21  }
0x41: {  	[tilespmem:s12], [sflag:$0x1] =	stream.indirect.gather [hbm4b:s0+s11], $0x80, s23, s11, $0xb8;
	[tilespmem:$0x7780] =	vst v63  }
.LBB2_5:
0x42: {  	_ =	sfence.sel $0x180000  }
0x43: {  	[bflag:$0x0] =	sbarrier.arrive $0xFFFF  }
0x44: {  	p0 =	sne.s32 s2, $0x0;
	_ =	strace $0x90000047  }
0x45: {  	s0 =	sadd.s32 @!p0 $0x100000, s1;
	[bflag:$0x2] =	sbarrier.arrive $0xFFFF  }
0x46: {  	[sflag:s0] =	ssyncadd.tile.s32 @!p0 $0x1;
	_ =	shalt  }
.Lfunc_end2:
_tile_overlayer_lowered:
.L_overlay_start_2:
0x47: {  	(tag) =	ssettag $0x2  }
0x48: {  	s0 =	rddreg [dreg:$0x0];
	s2 =	stileid.u32  }
0x49: {  	s1 =	rddreg [dreg:$0x1];
	p0 =	sne.s32 s2, $0x0  }
0x4a: {  	s3 =	rddreg [dreg:$0x2];
	[bflag:$0x3] =	sbarrier.arrive $0xFFFF;
	s2 =	simm.s32 @!p0 $0x1C05  }
0x4b: {  	[timem:s3], [sflag:s2] =	dma.local @!p0 [hbm:s0], s1  }
0x4c: {  	s0 =	simm.s32 @!p0 $0x5  }
0x4d: {  	_ =	swait.ge @!p0 [sflag:s0], s1  }
0x4e: {  	s1 =	ssub.s32 @!p0 $0x0, s1;
	[sflag:s0] =	ssyncset.done @!p0 $0x0  }
0x4f: {  	[sflag:s0] =	ssyncadd.s32 @!p0 s1  }
0x50: {  	[bflag:$0x3] =	sbarrier.arrive $0xFFFF  }
0x51: {  	_ =	shalt  }

// kernel: kernel.18.cloned.1.call-start
scs
__scs_entry_jumppad:
0x0: {  	(pc) =	sbr.rel $0x88, $3  }
0x1: {  	(tag) =	ssettag $0x0;
	lr =	simm.s32 $0x1  }
0x2: {  	[smem:$0x3F8C] =	sst lr;
	_ =	strace $0xD0000000  }
0x3: {  	_ = 	snop  }
0x4: {  	_ = 	snop  }
0x5: {  	_ = 	snop  }
0x6: {  	_ = 	snop  }
0x7: {  	_ = 	snop  }
__scs_overlays_trampoline_lowered:
0x8: {  	[smem:$0x3F9B] =	sst s0  }
0x9: {  	[smem:$0x3F9C] =	sst s1  }
0xa: {  	[smem:$0x3F9D] =	sst s2  }
0xb: {  	[smem:$0x3F9E] =	sst s3  }
0xc: {  	[smem:$0x3F9F] =	sst s4  }
0xd: {  	[smem:$0x3FA0] =	sst s5  }
0xe: {  	[smem:$0x3FA1] =	sst s6  }
0xf: {  	[smem:$0x3FA2] =	sst s7  }
0x10: {  	[smem:$0x3FA3] =	sst s8  }
0x11: {  	[smem:$0x3FA4] =	sst s9;
	s0 =	simm.s32 @!p0 $0x0  }
0x12: {  	s1 =	sld [smem:$0x3F8A];
	s0 =	simm.s32 @p0 $0x1  }
0x13: {  	[smem:$0x3FA5] =	sst s0;
	s0 =	simm.s32 @!p1 $0x0  }
0x14: {  	s2 =	sld [smem:$0x3F89];
	s0 =	simm.s32 @p1 $0x1  }
0x15: {  	[smem:$0x3FA6] =	sst s0;
	s0 =	simm.s32 @!p2 $0x0  }
0x16: {  	s3 =	sld [smem:$0x3FDB];
	s0 =	simm.s32 @p2 $0x1  }
0x17: {  	s4 =	simm.s32 $0x1BF5;
	[smem:$0x3FA8] =	sst s0  }
0x18: {  	s0 =	sld [smem:$0x3F8B];
	_ =	swait.ge [sflag:s4], $0x0  }
0x19: {  	s7 =	sld [smem:$0x3F8C]  }
0x1a: {  	s8 =	sadd.s32 $0xFFFFE003, lr  }
0x1b: {  	s9 =	sadd.s32 $0xFFFFFEF7, lr;
	s5 =	simm.s32 $0xFFFFFFFF;
	p2 =	slt.u32 s8, $0xFFFFF086  }
0x1c: {  	p1 =	slt.u32 s9, $0xF7A;
	s5 =	simm.s32 @!p2 $0x0  }
0x1d: {  	s5 =	simm.s32 @p1 $0x1;
	p0 =	seq.s32 s7, s2  }
0x1e: {  	s7 =	smul.u32 @!p0 $0xF7A, s2;
	p2 =	seq.s32 @!p0 s5, $0x0  }
0x1f: {  	s9 =	smul.u32 $0xF7A, s1;
	s8 =	simm.s32 @!p0 $0x1BF5;
	p2 =	por !p2, p0  }
0x20: {  	[sflag:s8] =	ssyncset.s32 @!p0 $0xFFFFF086;
	s6 =	sadd.s32 @!p0 s3, s7;
	s7 =	simm.s32 @!p0 $0x108  }
0x21: {  	s3 =	sadd.s32 s3, s9;
	s6 =	sadd.s32 @!p0 $0x88, s6;
	s7 =	simm.s32 @p2 $0x1082  }
0x22: {  	[simem:s7], [sflag:s8] =	dma.local @!p0 [hbm:s6], $0xF7A  }
0x23: {  	s9 =	sor.u32 $0xD0000000, s2;
	s6 =	simm.s32 $0x108;
	_ =	swait.ge @!p0 [sflag:s8], $0x0  }
0x24: {  	s3 =	sadd.s32 $0x88, s3;
	s6 =	simm.s32 @!p1 $0x1082;
	[sflag:s4] =	ssyncset.s32 $0xFFFFF086  }
0x25: {  	[simem:s6], [sflag:s4] =	dma.local [hbm:s3], $0xF7A  }
0x26: {  	[smem:$0x3F8C] =	sst s1;
	(tag) =	ssettag s2;
	_ =	strace s9  }
0x27: {  	s1 =	sld [smem:$0x3F9C]  }
0x28: {  	s2 =	sld [smem:$0x3F9D]  }
0x29: {  	s4 =	sld [smem:$0x3F9F]  }
0x2a: {  	p0 =	seq.s32 s5, $0x0;
	s5 =	sld [smem:$0x3FA0]  }
0x2b: {  	s6 =	sld [smem:$0x3FA1]  }
0x2c: {  	s7 =	sld [smem:$0x3FA2]  }
0x2d: {  	s3 =	simm.s32 $0x108;
	s8 =	sld [smem:$0x3FA3]  }
0x2e: {  	s3 =	simm.s32 @!p0 $0x1082;
	s9 =	sld [smem:$0x3FA4]  }
0x2f: {  	lr =	sadd.s32 s0, s3;
	s0 =	sld [smem:$0x3F9B]  }
0x30: {  	s3 =	sld [smem:$0x3F9E]  }
0x31: {  	[smem:$0x3FA7] =	sst s10  }
0x32: {  	s10 =	sld [smem:$0x3FA5];
	_ =	sdelay $0x3  }
0x33: {  	p0 =	seq.s32 s10, $0x1;
	s10 =	sld [smem:$0x3FA7];
	_ =	sdelay $0x3  }
0x34: {  	[smem:$0x3FA7] =	sst s10  }
0x35: {  	s10 =	sld [smem:$0x3FA6];
	_ =	sdelay $0x3  }
0x36: {  	p1 =	seq.s32 s10, $0x1;
	s10 =	sld [smem:$0x3FA7];
	_ =	sdelay $0x3  }
0x37: {  	[smem:$0x3FA7] =	sst s10  }
0x38: {  	s10 =	sld [smem:$0x3FA8]  }
0x39: {  	_ = 	snop;
	(pc) =	sbr.ind lr, $3  }
0x3a: {  	_ = 	snop  }
0x3b: {  	_ = 	snop  }
0x3c: {  	p2 =	seq.s32 s10, $0x1;
	s10 =	sld [smem:$0x3FA7]  }
0x3d: {  	_ =	shalt  }
0x3e: {  	_ =	shalt  }
0x3f: {  	_ =	shalt  }
0x40: {  	_ =	shalt  }
0x41: {  	_ =	shalt  }
0x42: {  	_ =	shalt  }
0x43: {  	_ =	shalt  }
0x44: {  	_ =	shalt  }
0x45: {  	_ =	shalt  }
0x46: {  	_ =	shalt  }
0x47: {  	_ =	shalt  }
0x48: {  	_ =	shalt  }
0x49: {  	_ =	shalt  }
0x4a: {  	_ =	shalt  }
0x4b: {  	_ =	shalt  }
0x4c: {  	_ =	shalt  }
0x4d: {  	_ =	shalt  }
0x4e: {  	_ =	shalt  }
0x4f: {  	_ =	shalt  }
0x50: {  	_ =	shalt  }
0x51: {  	_ =	shalt  }
0x52: {  	_ =	shalt  }
0x53: {  	_ =	shalt  }
0x54: {  	_ =	shalt  }
0x55: {  	_ =	shalt  }
0x56: {  	_ =	shalt  }
0x57: {  	_ =	shalt  }
0x58: {  	_ =	shalt  }
0x59: {  	_ =	shalt  }
0x5a: {  	_ =	shalt  }
0x5b: {  	_ =	shalt  }
0x5c: {  	_ =	shalt  }
0x5d: {  	_ =	shalt  }
0x5e: {  	_ =	shalt  }
0x5f: {  	_ =	shalt  }
0x60: {  	_ =	shalt  }
0x61: {  	_ =	shalt  }
0x62: {  	_ =	shalt  }
0x63: {  	_ =	shalt  }
0x64: {  	_ =	shalt  }
0x65: {  	_ =	shalt  }
0x66: {  	_ =	shalt  }
0x67: {  	_ =	shalt  }
0x68: {  	_ =	shalt  }
0x69: {  	_ =	shalt  }
0x6a: {  	_ =	shalt  }
0x6b: {  	_ =	shalt  }
0x6c: {  	_ =	shalt  }
0x6d: {  	_ =	shalt  }
0x6e: {  	_ =	shalt  }
0x6f: {  	_ =	shalt  }
0x70: {  	_ =	shalt  }
0x71: {  	_ =	shalt  }
0x72: {  	_ =	shalt  }
0x73: {  	_ =	shalt  }
0x74: {  	_ =	shalt  }
0x75: {  	_ =	shalt  }
0x76: {  	_ =	shalt  }
0x77: {  	_ =	shalt  }
0x78: {  	_ =	shalt  }
0x79: {  	_ =	shalt  }
0x7a: {  	_ =	shalt  }
0x7b: {  	_ =	shalt  }
0x7c: {  	_ =	shalt  }
0x7d: {  	_ =	shalt  }
0x7e: {  	_ =	shalt  }
0x7f: {  	_ =	shalt  }
0x80: {  	_ =	shalt  }
0x81: {  	_ =	shalt  }
0x82: {  	_ =	shalt  }
0x83: {  	_ =	shalt  }
0x84: {  	_ =	shalt  }
0x85: {  	_ =	shalt  }
0x86: {  	_ =	shalt  }
0x87: {  	_ =	shalt  }
.Lfunc_end0:
.L_simem_size_0:
called_computation.3_lowered:
.L_overlay_start_0:
0x88: {  	s2 =	sld [smem:$0x3FD9]  }
0x89: {  	s3 =	sld [smem:$0x3FFE];
	_ =	sdelay $0x1  }
0x8a: {  	s1 =	srdreg.scid  }
0x8b: {  	s0 =	sand.u32 $0x1, s1  }
0x8c: {  	s17 =	sshll.u32 s0, $0xA;
	s2 =	sadd.s32 s3, s2  }
0x8d: {  	s2 =	sadd.s32 s2, s17  }
0x8e: {  	[smem:$0x3FB3] =	sst s2  }
0x8f: {  	_ = 	snop  }
0x90: {  	(tm) =	ssettm $0x1  }
0x91: {  	s18 =	sld [smem:$0x3FFB];
	_ =	sdelay $0x3  }
0x92: {  	_ =	strace s18  }
0x93: {  	s2 =	sld [smem:$0x3FFC];
	_ =	sdelay $0x3  }
0x94: {  	_ =	strace s2  }
0x95: {  	s2 =	sld [smem:$0x3FFD];
	_ =	sdelay $0x3  }
0x96: {  	_ =	strace s2  }
0x97: {  	_ =	strace $0x8FFFFFFF  }
0x98: {  	s19 =	sld [smem:$0x3FDB];
	_ =	sdelay $0x1  }
0x99: {  	s20 =	simm.s32 $_scs_section_size  }
0x9a: {  	s4 =	simm.s32 $_size__tile_overlayer_lowered;
	s5 =	simm.s32 $_tile_overlayer_lowered  }
0x9b: {  	s6 =	simm.s32 $0x1BFF;
	s21 =	sshll.u32 s5, $0x1;
	s3 =	sadd.s32 s20, s19  }
0x9c: {  	s22 =	simm.s32 $0x0;
	s4 =	sshll.u32 s4, $0x1;
	s5 =	sadd.s32 s21, s3  }
0x9d: {  	[timem:s22], [sflag:s6] =	dma.local [hbm:s5], s4  }
0x9e: {  	_ =	swait.ge [sflag:s6], s4  }
0x9f: {  	s4 =	ssub.s32 $0x0, s4;
	[sflag:s6] =	ssyncset.done $0x0  }
0xa0: {  	[sflag:s6] =	ssyncadd.s32 s4;
	_ =	sdelay $0x1  }
0xa1: {  	s23 =	simm.s32 $0x1B8B  }
0xa2: {  	_ =	swait.ge [sflag:s23], $0x1  }
0xa3: {  	[sflag:s23] =	ssyncset.done $0x0  }
0xa4: {  	[sflag:s23] =	ssyncadd.s32 $0xFFFFFFFF  }
0xa5: {  	s4 =	sld [smem:$0x0]  }
0xa6: {  	s5 =	sand.u32 $0xFFFFFFFE, s1  }
0xa7: {  	p0 =	sne.s32 s1, s5  }
0xa8: {  	s5 =	sshll.u32 @p0 s5, $0xE  }
0xa9: {  	s5 =	sadd.s32 @p0 $0x11B8D, s5;
	s6 =	sshll.u32 @p0 s4, $0x11  }
0xaa: {  	s5 =	sor.u32 @p0 s6, s5  }
0xab: {  	[sflag:s5] =	ssyncadd.remote.s32 @p0 $0x1;
	_ =	sdelay $0x1  }
0xac: {  	s5 =	simm.s32 @p0 $0x1B8D  }
0xad: {  	_ =	swait.eq @p0 [sflag:s5], $0x1  }
0xae: {  	[sflag:s5] =	ssyncadd.s32 @p0 $0xFFFFFFFF  }
0xaf: {  	s6 =	sshll.u32 @!p0 s1, $0xE  }
0xb0: {  	s6 =	sor.u32 @!p0 $0x4000, s6;
	s5 =	simm.s32 @!p0 $0x1B8D  }
0xb1: {  	s4 =	sshll.u32 @!p0 s4, $0x11;
	s6 =	sadd.s32 @!p0 $0x11B8D, s6;
	_ =	swait.eq @!p0 [sflag:s5], $0x1  }
0xb2: {  	s4 =	sor.u32 @!p0 s4, s6;
	[sflag:s5] =	ssyncadd.s32 @!p0 $0xFFFFFFFF  }
0xb3: {  	s25 =	simm.s32 $0x1B8E;
	s24 =	sld [smem:$0x3FFE];
	[sflag:s4] =	ssyncadd.remote.s32 @!p0 $0x1  }
0xb4: {  	s26 =	simm.s32 $execute0_lowered;
	[smem:$0x3FD2] =	sst s25  }
0xb5: {  	s5 =	sshll.u32 s26, $0x1;
	_ =	strace $0x8000004C;
	[dreg:$0x1] =	wrdreg $0xFFFFFFFF  }
0xb6: {  	s28 =	simm.s32 $_size_execute0_lowered;
	s3 =	sadd.s32 s3, s5;
	[dreg:$0x0] =	wrdreg $0x0  }
0xb7: {  	s5 =	sshll.u32 s28, $0x1;
	[dreg:$0x2] =	wrdreg s3  }
0xb8: {  	[dreg:$0x3] =	wrdreg s5  }
0xb9: {  	[dreg:$0x4] =	wrdreg $0xC0  }
0xba: {  	_ =	task [dreg:s22], $0x5FFFF  }
0xbb: {  	[dreg:$0x1] =	wrdreg $0xFFFFFFFF  }
0xbc: {  	[dreg:$0x0] =	wrdreg $0x60  }
0xbd: {  	[dreg:$0x2] =	wrdreg s24  }
0xbe: {  	[dreg:$0x3] =	wrdreg $0x51000  }
0xbf: {  	[dreg:$0x4] =	wrdreg $0xA  }
0xc0: {  	_ =	task.clear_ibuf [dreg:s22], $0x5FFFF;
	_ =	strace $0x9000004C  }
0xc1: {  	s29 =	simm.s32 $0xA;
	_ =	strace $0x8000004E  }
0xc2: {  	_ =	swait.ge [sflag:s29], $0x1  }
0xc3: {  	[sflag:s29] =	ssyncadd.s32 $0xFFFFFFFF  }
0xc4: {  	_ =	strace $0x9000004E  }
0xc5: {  	_ =	sfence  }
0xc6: {  	s30 =	sld [smem:$0x0];
	_ =	sdelay $0x2  }
0xc7: {  	s31 =	sshll.u32 s1, $0xD;
	s1 =	sshrl.u32 s1, $0x2  }
0xc8: {  	s4 =	sand.u32 $0x4000, s31;
	s1 =	sadd.s32 s1, s30  }
0xc9: {  	s0 =	sor.u32 s4, s0;
	s1 =	sshll.u32 s1, $0x11  }
0xca: {  	s0 =	sor.u32 s1, s0  }
0xcb: {  	s0 =	sadd.s32 $0x8F2B, s0  }
0xcc: {  	[sflag:s0] =	ssyncadd.remote.s32 $0x1  }
0xcd: {  	_ =	sfence.sel $0xFFFF  }
0xce: {  	[dreg:$0x0] =	wrdreg $0xFFFFFFFF;
	(pc) =	sbr.abs _section_cstart, $3  }
0xcf: {  	[dreg:$0x1] =	wrdreg $0xFFFFFFFF  }
0xd0: {  	_ =	task.clear_ibuf [dreg:s22], $0x2FFFF;
	_ =	strace $0x9FFFFFFF  }
0xd1: {  	(tm) =	ssettm $0x7FFFFFFF  }
tec
execute0_lowered:
.L_overlay_start_1:
0x0: {  	(tag) =	ssettag $0x1  }
0x1: {  	s0 =	srdreg.scid;
	s4 =	rddreg [dreg:$0x0]  }
0x2: {  	s2 =	rddreg [dreg:$0x1];
	s23 =	sand.u32 $0x1, s0  }
0x3: {  	s3 =	simm.s32 $0x0;
	s0 =	stileid.u32;
	s20 =	smul.u32 $0x27100, s23  }
0x4: {  	[smem:$0x7FF] =	sst s3;
	s12 =	smul.u32 $0x3E0, s23  }
0x5: {  	s13 =	sadd.s32 $0x1124C00, s4;
	s14 =	sadd.s32 $0x3A00, s4;
	s17 =	smul.u32 $0x3E, s0  }
0x6: {  	s1 =	sshll.u32 s23, $0x4;
	s7 =	ssub.s32 $0x2, s23;
	s28 =	smul.u32 $0xA000, s0  }
0x7: {  	s22 =	ssub.s32 $0x8C, s0;
	s19 =	smul.u32 $0x500, s0;
	p0 =	sne.s32 s23, $0x0  }
0x8: {  	s23 =	simm.s32 $0x0;
	s5 =	sor.u32 s0, s1;
	s1 =	rddreg [dreg:$0x2]  }
0x9: {  	_ =	strace $0x8000004D;
	s21 =	sshrl.u32 s7, $0x1;
	s6 =	smul.u32 $0x3E, s5  }
0xa: {  	s9 =	smin.u32 s5, $0x10;
	s15 =	sadd.s32 s20, s4;
	s11 =	ssub.s32 s7, s21  }
0xb: {  	s4 =	sshrl.u32 s22, $0x4;
	s30 =	sshrl.u32 s28, $0x2;
	s20 =	simm.s32 $0x1  }
0xc: {  	s21 =	simm.s32 $0x50;
	s22 =	simm.s32 $0x2;
	s6 =	sadd.s32 s9, s6  }
0xd: {  	s15 =	sadd.s32 s19, s15;
	s9 =	sor.u32 s12, s9;
	s10 =	smul.u32 $0x50, s6  }
0xe: {  	s19 =	simm.s32 $0x80;
	s6 =	smul.u32 $0x500, s6;
	s17 =	sadd.s32 s17, s9  }
0xf: {  	s12 =	sadd.s32 s30, s2;
	s15 =	sadd.s32 $0x8A00, s15;
	s18 =	smul.u32 $0xA, s17  }
0x10: {  	s9 =	smax.u32 s11, $0x1;
	s31 =	smul.u32 $0x500, s17;
	s17 =	simm.s32 $0x3  }
0x11: {  	s8 =	sshrl.u32 s10, $0x3;
	s6 =	sadd.s32 s13, s6;
	s24 =	sadd.s32 $0x1360, s10  }
0x12: {  	s26 =	sadd.s32 $0x1310, s10;
	s5 =	sadd.s32 s14, s8;
	s25 =	sshrl.u32 s24, $0x3  }
0x13: {  	s16 =	sshll.u32 s24, $0x4;
	s10 =	sshll.u32 s26, $0x4;
	s29 =	sshrl.u32 s26, $0x3  }
0x14: {  	s7 =	sadd.s32 s14, s25;
	s8 =	sadd.s32 s13, s16;
	s10 =	sadd.s32 s13, s10  }
0x15: {  	s11 =	sadd.s32 s14, s29;
	s14 =	sadd.s32 s18, s14;
	s13 =	sadd.s32 s31, s13  }
0x16: {  	v0 =	vimm.f32 $0.0e+00;
	s16 =	simm.s32 $0x100;
	s18 =	simm.s32 $0x2900;
	s14 =	sadd.s32 $0x14, s14  }
.LBB2_1:
0x17: {  	s24 =	simm.s32 $0x0;
	s25 =	simm.s32 $0x200  }
.LBB2_2:
0x18: {  	p1 =	sne.s32 s25, $0x9E00;
	[tilespmem:s24+$0x170] =	vst v0  }
0x19: {  	[tilespmem:s24+$0x100] =	vst v0  }
0x1a: {  	[tilespmem:s24+$0x110] =	vst v0  }
.Ltmp0:
0x1b: {  	[tilespmem:s24+$0x120] =	vst v0;
	(pc) =	sbr.rel @p1 .LBB2_2-.Ltmp0, $4  }
0x1c: {  	[tilespmem:s24+$0x130] =	vst v0  }
0x1d: {  	[tilespmem:s24+$0x140] =	vst v0  }
0x1e: {  	[tilespmem:s24+$0x150] =	vst v0  }
0x1f: {  	[tilespmem:s24+$0x160] =	vst v0;
	s24 =	sshra.s32 s25, $0x2;
	s25 =	sadd.s32 $0x200, s25  }
0x20: {  	[tilespmem:s24+$0x170] =	vst v0  }
0x21: {  	[tilespmem:s24+$0x100] =	vst v0  }
0x22: {  	[tilespmem:s24+$0x110] =	vst v0  }
0x23: {  	[tilespmem:s24+$0x120] =	vst v0  }
0x24: {  	[tilespmem:s24+$0x130] =	vst v0  }
0x25: {  	[tilespmem:s24+$0x140] =	vst v0;
	p1 =	sne.s32 s4, $0x1  }
.Ltmp1:
0x26: {  	[tilespmem:s24+$0x150] =	vst v0;
	(pc) =	sbr.rel @!p1 .LBB2_5-.Ltmp1, $4  }
0x27: {  	[tilespmem:s24+$0x160] =	vst v0  }
0x28: {  	[spmem:s12] =	stream.linear.scatter [tilespmem:s16], [sflag:$0x3], $0x2800, $0x38;
	[tilespmem:$0x18980] =	vst v63  }
0x29: {  	_ =	swait.ge [sflag:s17], $0x2800  }
0x2a: {  	s24 =	sadd.s32 $0xFFFFFFFF, s4;
	s25 =	smov.u32 s12;
	[sflag:s17] =	ssyncset.done $0x0  }
.LBB2_4:
0x2b: {  	p2 =	sne.s32 s24, $0x1;
	[sflag:s17] =	ssyncadd.s32 $0xFFFFD800;
	s25 =	sadd.s32 $0x28000, s25  }
.Ltmp2:
0x2c: {  	s24 =	sadd.s32 $0xFFFFFFFF, s24;
	(pc) =	sbr.rel @p2 .LBB2_4-.Ltmp2, $4  }
0x2d: {  	_ = 	snop  }
0x2e: {  	[spmem:s25] =	stream.linear.scatter [tilespmem:s16], [sflag:$0x3], $0x2800, $0x38;
	[tilespmem:$0x18980] =	vst v63  }
0x2f: {  	_ =	swait.ge [sflag:s17], $0x2800  }
0x30: {  	[sflag:s17] =	ssyncset.done $0x0  }
.LBB2_5:
0x31: {  	[sflag:s17] =	ssyncadd.s32 $0xFFFFD800  }
0x32: {  	s24 =	simm.s32 $0x0;
	[bflag:$0x0] =	sbarrier.arrive $0xFFFF  }
0x33: {  	[tilespmem:s24], [sflag:$0x3] =	stream.linear.gather [hbm4b:s5+s24], $0x50, $0x38;
	[tilespmem:$0x18980] =	vst v63  }
0x34: {  	_ =	swait.ge [sflag:s17], $0x50  }
0x35: {  	[sflag:s17] =	ssyncset.done $0x0  }
0x36: {  	s30 =	sadd.s32 $0x0, s13;
	[sflag:s17] =	ssyncadd.s32 $0xFFFFFFB0  }
0x37: {  	[tilespmem:s16], [sflag:$0x1] =	stream.linear.gather [hbm4b:s6+s24], $0x2800, $0x38;
	[tilespmem:$0x18980] =	vst v63  }
0x38: {  	s25 =	sadd.s32 $0x500, s30  }
0x39: {  	[tilespmem:s18], [sflag:$0x2] =	stream.linear.gather [hbm4b:s25+s3], $0x2800, $0x38;
	[tilespmem:$0x18980] =	vst v63  }
0x3a: {  	s31 =	sadd.s32 $0xFFFFFFF6, s14  }
0x3b: {  	[tilespmem:s19], [sflag:$0x3] =	stream.linear.gather [hbm4b:s31+s3], $0x50, $0x38;
	[tilespmem:$0x18980] =	vst v63  }
0x3c: {  	_ =	swait.ge [sflag:s17], $0x50  }
0x3d: {  	[sflag:s17] =	ssyncset.done $0x0  }
0x3e: {  	[sflag:s17] =	ssyncadd.s32 $0xFFFFFFB0  }
0x3f: {  	_ =	swait.ge [sflag:s20], $0x2800  }
0x40: {  	[sflag:s20] =	ssyncset.done $0x0  }
0x41: {  	[sflag:s20] =	ssyncadd.s32 $0xFFFFD800  }
0x42: {  	[spmem:s2] =	stream.indirect.scatter.add.f32 [tilespmem:s16], [sflag:$0x3], $0x80, s3, s21, $0xb8;
	[tilespmem:$0x18980] =	vst v63  }
0x43: {  	_ =	swait.ge [sflag:s17], $0x2800  }
0x44: {  	[sflag:s17] =	ssyncset.done $0x0  }
0x45: {  	s24 =	sadd.s32 $0xA00, s30;
	[sflag:s17] =	ssyncadd.s32 $0xFFFFD800  }
0x46: {  	[tilespmem:s16], [sflag:$0x1] =	stream.linear.gather [hbm4b:s24+s3], $0x2800, $0x38;
	[tilespmem:$0x18980] =	vst v63  }
0x47: {  	_ = 	snop  }
0x48: {  	[tilespmem:s3], [sflag:$0x3] =	stream.linear.gather [hbm4b:s14+s3], $0x50, $0x38;
	[tilespmem:$0x18980] =	vst v63  }
0x49: {  	_ =	swait.ge [sflag:s17], $0x50  }
0x4a: {  	[sflag:s17] =	ssyncset.done $0x0  }
0x4b: {  	[sflag:s17] =	ssyncadd.s32 $0xFFFFFFB0  }
0x4c: {  	_ =	swait.ge [sflag:s22], $0x2800  }
0x4d: {  	[sflag:s22] =	ssyncset.done $0x0  }
0x4e: {  	[sflag:s22] =	ssyncadd.s32 $0xFFFFD800  }
0x4f: {  	[spmem:s2] =	stream.indirect.scatter.add.f32 [tilespmem:s18], [sflag:$0x3], $0x80, s19, s21, $0xb8;
	[tilespmem:$0x18980] =	vst v63  }
0x50: {  	s26 =	simm.s32 $0x1400;
	_ =	swait.ge [sflag:s17], $0x2800  }
0x51: {  	s25 =	sadd.s32 $0xA00, s13;
	s24 =	sadd.s32 $0x14, s14;
	[sflag:s17] =	ssyncset.done $0x0  }
.LBB2_6:
0x52: {  	s28 =	sadd.s32 $0x500, s25  }
0x53: {  	[sflag:s17] =	ssyncadd.s32 $0xFFFFD800;
	s29 =	smov.u32 s26;
	s30 =	sadd.s32 $0xA00, s26  }
0x54: {  	[tilespmem:s18], [sflag:$0x2] =	stream.linear.gather [hbm4b:s28+s3], $0x2800, $0x38;
	[tilespmem:$0x18980] =	vst v63  }
0x55: {  	p2 =	sne.s32 s26, $0x12200;
	s26 =	sadd.s32 $0xFFFFFFF6, s24  }
0x56: {  	[tilespmem:s19], [sflag:$0x3] =	stream.linear.gather [hbm4b:s26+s3], $0x50, $0x38;
	[tilespmem:$0x18980] =	vst v63  }
0x57: {  	_ =	swait.ge [sflag:s17], $0x50  }
0x58: {  	[sflag:s17] =	ssyncset.done $0x0  }
0x59: {  	[sflag:s17] =	ssyncadd.s32 $0xFFFFFFB0  }
0x5a: {  	_ =	swait.ge [sflag:s20], $0x2800  }
0x5b: {  	[sflag:s20] =	ssyncset.done $0x0  }
0x5c: {  	[sflag:s20] =	ssyncadd.s32 $0xFFFFD800  }
0x5d: {  	[spmem:s2] =	stream.indirect.scatter.add.f32 [tilespmem:s16], [sflag:$0x3], $0x80, s3, s21, $0xb8;
	[tilespmem:$0x18980] =	vst v63  }
0x5e: {  	_ =	swait.ge [sflag:s17], $0x2800  }
0x5f: {  	[sflag:s17] =	ssyncset.done $0x0  }
0x60: {  	s25 =	sadd.s32 $0xA00, s25;
	[sflag:s17] =	ssyncadd.s32 $0xFFFFD800  }
0x61: {  	[tilespmem:s16], [sflag:$0x1] =	stream.linear.gather [hbm4b:s25+s3], $0x2800, $0x38;
	[tilespmem:$0x18980] =	vst v63  }
0x62: {  	_ = 	snop  }
0x63: {  	[tilespmem:s3], [sflag:$0x3] =	stream.linear.gather [hbm4b:s24+s3], $0x50, $0x38;
	[tilespmem:$0x18980] =	vst v63  }
0x64: {  	_ =	swait.ge [sflag:s17], $0x50  }
0x65: {  	[sflag:s17] =	ssyncset.done $0x0  }
0x66: {  	[sflag:s17] =	ssyncadd.s32 $0xFFFFFFB0  }
0x67: {  	_ =	swait.ge [sflag:s22], $0x2800  }
.Ltmp3:
0x68: {  	[sflag:s22] =	ssyncset.done $0x0;
	(pc) =	sbr.rel @p2 .LBB2_6-.Ltmp3, $4  }
0x69: {  	[sflag:s22] =	ssyncadd.s32 $0xFFFFD800  }
0x6a: {  	[spmem:s2] =	stream.indirect.scatter.add.f32 [tilespmem:s18], [sflag:$0x3], $0x80, s19, s21, $0xb8;
	[tilespmem:$0x18980] =	vst v63  }
0x6b: {  	s26 =	smov.u32 s30;
	_ =	swait.ge [sflag:s17], $0x2800  }
0x6c: {  	s25 =	sadd.s32 s29, s13;
	s24 =	sadd.s32 $0x14, s24;
	[sflag:s17] =	ssyncset.done $0x0  }
0x6d: {  	s26 =	sadd.s32 $0x500, s25;
	[sflag:s17] =	ssyncadd.s32 $0xFFFFD800  }
0x6e: {  	[tilespmem:s18], [sflag:$0x2] =	stream.linear.gather [hbm4b:s26+s3], $0x2800, $0x38;
	[tilespmem:$0x18980] =	vst v63  }
0x6f: {  	s30 =	sadd.s32 $0xFFFFFFF6, s24  }
0x70: {  	[tilespmem:s19], [sflag:$0x3] =	stream.linear.gather [hbm4b:s30+s3], $0x50, $0x38;
	[tilespmem:$0x18980] =	vst v63  }
0x71: {  	_ =	swait.ge [sflag:s17], $0x50  }
0x72: {  	[sflag:s17] =	ssyncset.done $0x0  }
0x73: {  	[sflag:s17] =	ssyncadd.s32 $0xFFFFFFB0  }
0x74: {  	_ =	swait.ge [sflag:s20], $0x2800  }
0x75: {  	[sflag:s20] =	ssyncset.done $0x0  }
0x76: {  	[sflag:s20] =	ssyncadd.s32 $0xFFFFD800  }
0x77: {  	[spmem:s2] =	stream.indirect.scatter.add.f32 [tilespmem:s16], [sflag:$0x3], $0x80, s3, s21, $0xb8;
	[tilespmem:$0x18980] =	vst v63  }
0x78: {  	_ =	swait.ge [sflag:s17], $0x2800  }
0x79: {  	[sflag:s17] =	ssyncset.done $0x0  }
0x7a: {  	s31 =	sadd.s32 $0xA00, s25;
	[sflag:s17] =	ssyncadd.s32 $0xFFFFD800  }
0x7b: {  	[tilespmem:s16], [sflag:$0x1] =	stream.linear.gather [hbm4b:s31+s3], $0x2800, $0x38;
	[tilespmem:$0x18980] =	vst v63  }
0x7c: {  	_ = 	snop  }
0x7d: {  	[tilespmem:s3], [sflag:$0x3] =	stream.linear.gather [hbm4b:s24+s3], $0x50, $0x38;
	[tilespmem:$0x18980] =	vst v63  }
0x7e: {  	_ =	swait.ge [sflag:s17], $0x50  }
0x7f: {  	[sflag:s17] =	ssyncset.done $0x0  }
0x80: {  	[sflag:s17] =	ssyncadd.s32 $0xFFFFFFB0  }
0x81: {  	_ =	swait.ge [sflag:s22], $0x2800  }
0x82: {  	[sflag:s22] =	ssyncset.done $0x0  }
0x83: {  	[sflag:s22] =	ssyncadd.s32 $0xFFFFD800  }
0x84: {  	[spmem:s2] =	stream.indirect.scatter.add.f32 [tilespmem:s18], [sflag:$0x3], $0x80, s19, s21, $0xb8;
	[tilespmem:$0x18980] =	vst v63  }
0x85: {  	_ =	swait.ge [sflag:s17], $0x2800  }
0x86: {  	[sflag:s17] =	ssyncset.done $0x0  }
0x87: {  	[sflag:s17] =	ssyncadd.s32 $0xFFFFD800  }
0x88: {  	[tilespmem:s18], [sflag:$0x2] =	stream.linear.gather [hbm4b:s10+s3], $0x2800, $0x38;
	[tilespmem:$0x18980] =	vst v63  }
0x89: {  	_ = 	snop  }
0x8a: {  	[tilespmem:s19], [sflag:$0x3] =	stream.linear.gather [hbm4b:s11+s3], $0x50, $0x38;
	[tilespmem:$0x18980] =	vst v63  }
0x8b: {  	_ =	swait.ge [sflag:s17], $0x50  }
0x8c: {  	[sflag:s17] =	ssyncset.done $0x0  }
0x8d: {  	[sflag:s17] =	ssyncadd.s32 $0xFFFFFFB0  }
0x8e: {  	_ =	swait.ge [sflag:s20], $0x2800  }
0x8f: {  	[sflag:s20] =	ssyncset.done $0x0  }
0x90: {  	[sflag:s20] =	ssyncadd.s32 $0xFFFFD800  }
0x91: {  	[spmem:s2] =	stream.indirect.scatter.add.f32 [tilespmem:s16], [sflag:$0x3], $0x80, s3, s21, $0xb8;
	[tilespmem:$0x18980] =	vst v63  }
0x92: {  	_ =	swait.ge [sflag:s17], $0x2800  }
0x93: {  	[sflag:s17] =	ssyncset.done $0x0  }
0x94: {  	[sflag:s17] =	ssyncadd.s32 $0xFFFFD800  }
0x95: {  	_ =	swait.ge [sflag:s22], $0x2800  }
0x96: {  	[sflag:s22] =	ssyncset.done $0x0  }
0x97: {  	[sflag:s22] =	ssyncadd.s32 $0xFFFFD800  }
0x98: {  	[spmem:s2] =	stream.indirect.scatter.add.f32 [tilespmem:s18], [sflag:$0x3], $0x80, s19, s21, $0xb8;
	[tilespmem:$0x18980] =	vst v63  }
0x99: {  	_ =	swait.ge [sflag:s17], $0x2800  }
0x9a: {  	[sflag:s17] =	ssyncset.done $0x0  }
0x9b: {  	s25 =	simm.s32 @!p0 $0x3;
	s24 =	simm.s32 @!p0 $0x0;
	[sflag:s17] =	ssyncadd.s32 $0xFFFFD800  }
0x9c: {  	[tilespmem:s24], [sflag:$0x3] =	stream.linear.gather @!p0 [hbm4b:s7+s24], $0x50, $0x38;
	[tilespmem:$0x18980] =	vst v63  }
0x9d: {  	_ =	swait.ge @!p0 [sflag:s25], $0x50  }
0x9e: {  	[sflag:s25] =	ssyncset.done @!p0 $0x0  }
0x9f: {  	s26 =	simm.s32 @!p0 $0x100;
	[sflag:s25] =	ssyncadd.s32 @!p0 $0xFFFFFFB0  }
0xa0: {  	[tilespmem:s26], [sflag:$0x3] =	stream.linear.gather @!p0 [hbm4b:s8+s24], $0x2800, $0x38;
	[tilespmem:$0x18980] =	vst v63  }
0xa1: {  	_ =	swait.ge @!p0 [sflag:s25], $0x2800  }
0xa2: {  	[sflag:s25] =	ssyncset.done @!p0 $0x0  }
0xa3: {  	s28 =	simm.s32 @!p0 $0x50;
	[sflag:s25] =	ssyncadd.s32 @!p0 $0xFFFFD800  }
0xa4: {  	[spmem:s2] =	stream.indirect.scatter.add.f32 @!p0 [tilespmem:s26], [sflag:$0x3], $0x80, s24, s28, $0xb8;
	[tilespmem:$0x18980] =	vst v63  }
0xa5: {  	_ =	swait.ge @!p0 [sflag:s25], $0x2800  }
0xa6: {  	[sflag:s25] =	ssyncset.done @!p0 $0x0  }
0xa7: {  	[sflag:s25] =	ssyncadd.s32 @!p0 $0xFFFFD800  }
0xa8: {  	[bflag:$0x0] =	sbarrier.arrive $0xFFFF  }
0xa9: {  	[tilespmem:s16], [sflag:$0x3] =	stream.linear.gather [spmem:s12], $0x2800, $0x38;
	[tilespmem:$0x18980] =	vst v63  }
0xaa: {  	_ =	swait.ge [sflag:s17], $0x2800  }
.Ltmp4:
0xab: {  	[sflag:s17] =	ssyncset.done $0x0;
	(pc) =	sbr.rel @!p1 .LBB2_9-.Ltmp4, $4  }
0xac: {  	[sflag:s17] =	ssyncadd.s32 $0xFFFFD800  }
0xad: {  	[hbm4b:s15+s3] =	stream.linear.scatter [tilespmem:s16], [sflag:$0x3], $0x2800, $0x38;
	[tilespmem:$0x18980] =	vst v63  }
0xae: {  	s24 =	sadd.s32 $0xFFFFFFFF, s4;
	_ =	swait.ge [sflag:s17], $0x2800  }
0xaf: {  	s26 =	smov.u32 s15;
	s25 =	smov.u32 s12;
	[sflag:s17] =	ssyncset.done $0x0  }
.LBB2_8:
0xb0: {  	[sflag:s17] =	ssyncadd.s32 $0xFFFFD800;
	s25 =	sadd.s32 $0x28000, s25;
	s26 =	sadd.s32 $0x5000, s26  }
0xb1: {  	[tilespmem:s16], [sflag:$0x3] =	stream.linear.gather [spmem:s25], $0x2800, $0x38;
	[tilespmem:$0x18980] =	vst v63  }
0xb2: {  	p1 =	sne.s32 s24, $0x1;
	s24 =	sadd.s32 $0xFFFFFFFF, s24;
	_ =	swait.ge [sflag:s17], $0x2800  }
.Ltmp5:
0xb3: {  	[sflag:s17] =	ssyncset.done $0x0;
	(pc) =	sbr.rel @p1 .LBB2_8-.Ltmp5, $4  }
0xb4: {  	[sflag:s17] =	ssyncadd.s32 $0xFFFFD800  }
0xb5: {  	[hbm4b:s26+s3] =	stream.linear.scatter [tilespmem:s16], [sflag:$0x3], $0x2800, $0x38;
	[tilespmem:$0x18980] =	vst v63  }
0xb6: {  	_ =	swait.ge [sflag:s17], $0x2800  }
0xb7: {  	[sflag:s17] =	ssyncset.done $0x0  }
.LBB2_9:
0xb8: {  	s23 =	sadd.s32 $0x1, s23  }
0xb9: {  	p1 =	sne.s32 s23, s9  }
.Ltmp6:
0xba: {  	_ = 	snop;
	(pc) =	sbr.rel @p1 .LBB2_1-.Ltmp6, $2  }
0xbb: {  	_ =	sdelay $0x2  }
0xbc: {  	[sflag:s17] =	ssyncadd.s32 $0xFFFFD800  }
0xbd: {  	_ =	sfence.sel $0x180000  }
0xbe: {  	[bflag:$0x0] =	sbarrier.arrive $0xFFFF  }
0xbf: {  	p0 =	sne.s32 s0, $0x0;
	_ =	strace $0x9000004D  }
0xc0: {  	s0 =	sadd.s32 @!p0 $0x100000, s1;
	[bflag:$0x2] =	sbarrier.arrive $0xFFFF  }
0xc1: {  	[sflag:s0] =	ssyncadd.tile.s32 @!p0 $0x1;
	_ =	shalt  }
.Lfunc_end2:
_tile_overlayer_lowered:
.L_overlay_start_2:
0xc2: {  	(tag) =	ssettag $0x2  }
0xc3: {  	s0 =	rddreg [dreg:$0x0];
	s2 =	stileid.u32  }
0xc4: {  	s1 =	rddreg [dreg:$0x1];
	p0 =	sne.s32 s2, $0x0  }
0xc5: {  	s3 =	rddreg [dreg:$0x2];
	[bflag:$0x3] =	sbarrier.arrive $0xFFFF;
	s2 =	simm.s32 @!p0 $0x1C03  }
0xc6: {  	[timem:s3], [sflag:s2] =	dma.local @!p0 [hbm:s0], s1  }
0xc7: {  	s0 =	simm.s32 @!p0 $0x3  }
0xc8: {  	_ =	swait.ge @!p0 [sflag:s0], s1  }
0xc9: {  	s1 =	ssub.s32 @!p0 $0x0, s1;
	[sflag:s0] =	ssyncset.done @!p0 $0x0  }
0xca: {  	[sflag:s0] =	ssyncadd.s32 @!p0 s1  }
0xcb: {  	[bflag:$0x3] =	sbarrier.arrive $0xFFFF  }
0xcc: {  	_ =	shalt  }

// kernel: kernel.9.cloned.1.call-start
scs
__scs_entry_jumppad:
0x0: {  	(pc) =	sbr.rel $0x88, $3  }
0x1: {  	(tag) =	ssettag $0x0;
	lr =	simm.s32 $0x1  }
0x2: {  	[smem:$0x3F8C] =	sst lr;
	_ =	strace $0xD0000000  }
0x3: {  	_ = 	snop  }
0x4: {  	_ = 	snop  }
0x5: {  	_ = 	snop  }
0x6: {  	_ = 	snop  }
0x7: {  	_ = 	snop  }
__scs_overlays_trampoline_lowered:
0x8: {  	[smem:$0x3F9B] =	sst s0  }
0x9: {  	[smem:$0x3F9C] =	sst s1  }
0xa: {  	[smem:$0x3F9D] =	sst s2  }
0xb: {  	[smem:$0x3F9E] =	sst s3  }
0xc: {  	[smem:$0x3F9F] =	sst s4  }
0xd: {  	[smem:$0x3FA0] =	sst s5  }
0xe: {  	[smem:$0x3FA1] =	sst s6  }
0xf: {  	[smem:$0x3FA2] =	sst s7  }
0x10: {  	[smem:$0x3FA3] =	sst s8  }
0x11: {  	[smem:$0x3FA4] =	sst s9;
	s0 =	simm.s32 @!p0 $0x0  }
0x12: {  	s1 =	sld [smem:$0x3F8A];
	s0 =	simm.s32 @p0 $0x1  }
0x13: {  	[smem:$0x3FA5] =	sst s0;
	s0 =	simm.s32 @!p1 $0x0  }
0x14: {  	s2 =	sld [smem:$0x3F89];
	s0 =	simm.s32 @p1 $0x1  }
0x15: {  	[smem:$0x3FA6] =	sst s0;
	s0 =	simm.s32 @!p2 $0x0  }
0x16: {  	s3 =	sld [smem:$0x3FDB];
	s0 =	simm.s32 @p2 $0x1  }
0x17: {  	s4 =	simm.s32 $0x1BF5;
	[smem:$0x3FA8] =	sst s0  }
0x18: {  	s0 =	sld [smem:$0x3F8B];
	_ =	swait.ge [sflag:s4], $0x0  }
0x19: {  	s7 =	sld [smem:$0x3F8C]  }
0x1a: {  	s8 =	sadd.s32 $0xFFFFE003, lr  }
0x1b: {  	s9 =	sadd.s32 $0xFFFFFEF7, lr;
	s5 =	simm.s32 $0xFFFFFFFF;
	p2 =	slt.u32 s8, $0xFFFFF086  }
0x1c: {  	p1 =	slt.u32 s9, $0xF7A;
	s5 =	simm.s32 @!p2 $0x0  }
0x1d: {  	s5 =	simm.s32 @p1 $0x1;
	p0 =	seq.s32 s7, s2  }
0x1e: {  	s7 =	smul.u32 @!p0 $0xF7A, s2;
	p2 =	seq.s32 @!p0 s5, $0x0  }
0x1f: {  	s9 =	smul.u32 $0xF7A, s1;
	s8 =	simm.s32 @!p0 $0x1BF5;
	p2 =	por !p2, p0  }
0x20: {  	[sflag:s8] =	ssyncset.s32 @!p0 $0xFFFFF086;
	s6 =	sadd.s32 @!p0 s3, s7;
	s7 =	simm.s32 @!p0 $0x108  }
0x21: {  	s3 =	sadd.s32 s3, s9;
	s6 =	sadd.s32 @!p0 $0x88, s6;
	s7 =	simm.s32 @p2 $0x1082  }
0x22: {  	[simem:s7], [sflag:s8] =	dma.local @!p0 [hbm:s6], $0xF7A  }
0x23: {  	s9 =	sor.u32 $0xD0000000, s2;
	s6 =	simm.s32 $0x108;
	_ =	swait.ge @!p0 [sflag:s8], $0x0  }
0x24: {  	s3 =	sadd.s32 $0x88, s3;
	s6 =	simm.s32 @!p1 $0x1082;
	[sflag:s4] =	ssyncset.s32 $0xFFFFF086  }
0x25: {  	[simem:s6], [sflag:s4] =	dma.local [hbm:s3], $0xF7A  }
0x26: {  	[smem:$0x3F8C] =	sst s1;
	(tag) =	ssettag s2;
	_ =	strace s9  }
0x27: {  	s1 =	sld [smem:$0x3F9C]  }
0x28: {  	s2 =	sld [smem:$0x3F9D]  }
0x29: {  	s4 =	sld [smem:$0x3F9F]  }
0x2a: {  	p0 =	seq.s32 s5, $0x0;
	s5 =	sld [smem:$0x3FA0]  }
0x2b: {  	s6 =	sld [smem:$0x3FA1]  }
0x2c: {  	s7 =	sld [smem:$0x3FA2]  }
0x2d: {  	s3 =	simm.s32 $0x108;
	s8 =	sld [smem:$0x3FA3]  }
0x2e: {  	s3 =	simm.s32 @!p0 $0x1082;
	s9 =	sld [smem:$0x3FA4]  }
0x2f: {  	lr =	sadd.s32 s0, s3;
	s0 =	sld [smem:$0x3F9B]  }
0x30: {  	s3 =	sld [smem:$0x3F9E]  }
0x31: {  	[smem:$0x3FA7] =	sst s10  }
0x32: {  	s10 =	sld [smem:$0x3FA5];
	_ =	sdelay $0x3  }
0x33: {  	p0 =	seq.s32 s10, $0x1;
	s10 =	sld [smem:$0x3FA7];
	_ =	sdelay $0x3  }
0x34: {  	[smem:$0x3FA7] =	sst s10  }
0x35: {  	s10 =	sld [smem:$0x3FA6];
	_ =	sdelay $0x3  }
0x36: {  	p1 =	seq.s32 s10, $0x1;
	s10 =	sld [smem:$0x3FA7];
	_ =	sdelay $0x3  }
0x37: {  	[smem:$0x3FA7] =	sst s10  }
0x38: {  	s10 =	sld [smem:$0x3FA8]  }
0x39: {  	_ = 	snop;
	(pc) =	sbr.ind lr, $3  }
0x3a: {  	_ = 	snop  }
0x3b: {  	_ = 	snop  }
0x3c: {  	p2 =	seq.s32 s10, $0x1;
	s10 =	sld [smem:$0x3FA7]  }
0x3d: {  	_ =	shalt  }
0x3e: {  	_ =	shalt  }
0x3f: {  	_ =	shalt  }
0x40: {  	_ =	shalt  }
0x41: {  	_ =	shalt  }
0x42: {  	_ =	shalt  }
0x43: {  	_ =	shalt  }
0x44: {  	_ =	shalt  }
0x45: {  	_ =	shalt  }
0x46: {  	_ =	shalt  }
0x47: {  	_ =	shalt  }
0x48: {  	_ =	shalt  }
0x49: {  	_ =	shalt  }
0x4a: {  	_ =	shalt  }
0x4b: {  	_ =	shalt  }
0x4c: {  	_ =	shalt  }
0x4d: {  	_ =	shalt  }
0x4e: {  	_ =	shalt  }
0x4f: {  	_ =	shalt  }
0x50: {  	_ =	shalt  }
0x51: {  	_ =	shalt  }
0x52: {  	_ =	shalt  }
0x53: {  	_ =	shalt  }
0x54: {  	_ =	shalt  }
0x55: {  	_ =	shalt  }
0x56: {  	_ =	shalt  }
0x57: {  	_ =	shalt  }
0x58: {  	_ =	shalt  }
0x59: {  	_ =	shalt  }
0x5a: {  	_ =	shalt  }
0x5b: {  	_ =	shalt  }
0x5c: {  	_ =	shalt  }
0x5d: {  	_ =	shalt  }
0x5e: {  	_ =	shalt  }
0x5f: {  	_ =	shalt  }
0x60: {  	_ =	shalt  }
0x61: {  	_ =	shalt  }
0x62: {  	_ =	shalt  }
0x63: {  	_ =	shalt  }
0x64: {  	_ =	shalt  }
0x65: {  	_ =	shalt  }
0x66: {  	_ =	shalt  }
0x67: {  	_ =	shalt  }
0x68: {  	_ =	shalt  }
0x69: {  	_ =	shalt  }
0x6a: {  	_ =	shalt  }
0x6b: {  	_ =	shalt  }
0x6c: {  	_ =	shalt  }
0x6d: {  	_ =	shalt  }
0x6e: {  	_ =	shalt  }
0x6f: {  	_ =	shalt  }
0x70: {  	_ =	shalt  }
0x71: {  	_ =	shalt  }
0x72: {  	_ =	shalt  }
0x73: {  	_ =	shalt  }
0x74: {  	_ =	shalt  }
0x75: {  	_ =	shalt  }
0x76: {  	_ =	shalt  }
0x77: {  	_ =	shalt  }
0x78: {  	_ =	shalt  }
0x79: {  	_ =	shalt  }
0x7a: {  	_ =	shalt  }
0x7b: {  	_ =	shalt  }
0x7c: {  	_ =	shalt  }
0x7d: {  	_ =	shalt  }
0x7e: {  	_ =	shalt  }
0x7f: {  	_ =	shalt  }
0x80: {  	_ =	shalt  }
0x81: {  	_ =	shalt  }
0x82: {  	_ =	shalt  }
0x83: {  	_ =	shalt  }
0x84: {  	_ =	shalt  }
0x85: {  	_ =	shalt  }
0x86: {  	_ =	shalt  }
0x87: {  	_ =	shalt  }
.Lfunc_end0:
.L_simem_size_0:
called_computation_lowered:
.L_overlay_start_0:
0x88: {  	s2 =	sld [smem:$0x3FD9]  }
0x89: {  	s3 =	sld [smem:$0x3FFE];
	_ =	sdelay $0x1  }
0x8a: {  	s1 =	srdreg.scid  }
0x8b: {  	s0 =	sand.u32 $0x1, s1  }
0x8c: {  	s15 =	sshll.u32 s0, $0xA;
	s2 =	sadd.s32 s3, s2  }
0x8d: {  	s2 =	sadd.s32 s2, s15  }
0x8e: {  	[smem:$0x3FB3] =	sst s2  }
0x8f: {  	_ = 	snop  }
0x90: {  	s16 =	sld [smem:$0x3FD0];
	_ =	sdelay $0x2  }
0x91: {  	s4 =	simm.s32 $0xB;
	s5 =	simm.s32 $0x10;
	s2 =	sld [smem:$0x3FC9]  }
0x92: {  	[smem:s5], [sflag:s4] =	dma.local [hbm:s16], $0x1  }
0x93: {  	_ =	swait.eq [sflag:s4], $0x1  }
0x94: {  	[sflag:s4] =	ssyncset.done $0x0  }
0x95: {  	[sflag:s4] =	ssyncadd.s32 $0xFFFFFFFF  }
0x96: {  	s17 =	sld [smem:$0x10];
	(tm) =	ssettm $0x1  }
0x97: {  	s18 =	sld [smem:$0x3FFB];
	_ =	sdelay $0x3  }
0x98: {  	_ =	strace s18  }
0x99: {  	s3 =	sld [smem:$0x3FFC];
	_ =	sdelay $0x3  }
0x9a: {  	_ =	strace s3  }
0x9b: {  	s3 =	sld [smem:$0x3FFD];
	_ =	sdelay $0x3  }
0x9c: {  	_ =	strace s3  }
0x9d: {  	_ =	strace $0x8FFFFFFF  }
0x9e: {  	s19 =	sld [smem:$0x3FDB];
	_ =	sdelay $0x1  }
0x9f: {  	s20 =	simm.s32 $_scs_section_size  }
0xa0: {  	s6 =	simm.s32 $_size__tile_overlayer_lowered;
	s7 =	simm.s32 $_tile_overlayer_lowered  }
0xa1: {  	s8 =	simm.s32 $0x1BFF;
	s21 =	sshll.u32 s7, $0x1;
	s5 =	sadd.s32 s20, s19  }
0xa2: {  	s22 =	simm.s32 $0x0;
	s6 =	sshll.u32 s6, $0x1;
	s7 =	sadd.s32 s21, s5  }
0xa3: {  	[timem:s22], [sflag:s8] =	dma.local [hbm:s7], s6  }
0xa4: {  	_ =	swait.ge [sflag:s8], s6  }
0xa5: {  	s6 =	ssub.s32 $0x0, s6;
	[sflag:s8] =	ssyncset.done $0x0  }
0xa6: {  	[sflag:s8] =	ssyncadd.s32 s6;
	_ =	sdelay $0x1  }
0xa7: {  	s23 =	simm.s32 $0x1B8B  }
0xa8: {  	_ =	swait.ge [sflag:s23], $0x1  }
0xa9: {  	[sflag:s23] =	ssyncset.done $0x0  }
0xaa: {  	[sflag:s23] =	ssyncadd.s32 $0xFFFFFFFF  }
0xab: {  	s6 =	sld [smem:$0x0]  }
0xac: {  	s7 =	sand.u32 $0xFFFFFFFE, s1  }
0xad: {  	p0 =	sne.s32 s1, s7  }
0xae: {  	s7 =	sshll.u32 @p0 s7, $0xE  }
0xaf: {  	s7 =	sadd.s32 @p0 $0x11B8D, s7;
	s8 =	sshll.u32 @p0 s6, $0x11  }
0xb0: {  	s7 =	sor.u32 @p0 s8, s7  }
0xb1: {  	[sflag:s7] =	ssyncadd.remote.s32 @p0 $0x1;
	_ =	sdelay $0x1  }
0xb2: {  	s7 =	simm.s32 @p0 $0x1B8D  }
0xb3: {  	_ =	swait.eq @p0 [sflag:s7], $0x1  }
0xb4: {  	[sflag:s7] =	ssyncadd.s32 @p0 $0xFFFFFFFF  }
0xb5: {  	s8 =	sshll.u32 @!p0 s1, $0xE  }
0xb6: {  	s8 =	sor.u32 @!p0 $0x4000, s8;
	s7 =	simm.s32 @!p0 $0x1B8D  }
0xb7: {  	s6 =	sshll.u32 @!p0 s6, $0x11;
	s8 =	sadd.s32 @!p0 $0x11B8D, s8;
	_ =	swait.eq @!p0 [sflag:s7], $0x1  }
0xb8: {  	s6 =	sor.u32 @!p0 s6, s8;
	[sflag:s7] =	ssyncadd.s32 @!p0 $0xFFFFFFFF  }
0xb9: {  	s25 =	simm.s32 $0x1B8E;
	s24 =	sld [smem:$0x3FFE];
	[sflag:s6] =	ssyncadd.remote.s32 @!p0 $0x1  }
0xba: {  	s26 =	simm.s32 $execute0_lowered;
	[smem:$0x3FD2] =	sst s25  }
0xbb: {  	s7 =	sshll.u32 s26, $0x1;
	_ =	strace $0x80000049;
	[dreg:$0x1] =	wrdreg $0xFFFFFFFF  }
0xbc: {  	s28 =	simm.s32 $_size_execute0_lowered;
	s5 =	sadd.s32 s5, s7;
	[dreg:$0x0] =	wrdreg $0x0  }
0xbd: {  	s7 =	sshll.u32 s28, $0x1;
	[dreg:$0x2] =	wrdreg s5  }
0xbe: {  	[dreg:$0x3] =	wrdreg s7  }
0xbf: {  	[dreg:$0x4] =	wrdreg $0xC0  }
0xc0: {  	_ =	task [dreg:s22], $0x5FFFF  }
0xc1: {  	[dreg:$0x1] =	wrdreg $0xFFFFFFFF  }
0xc2: {  	[dreg:$0x0] =	wrdreg $0x60  }
0xc3: {  	[dreg:$0x2] =	wrdreg s2  }
0xc4: {  	[dreg:$0x3] =	wrdreg s17  }
0xc5: {  	[dreg:$0x4] =	wrdreg s24  }
0xc6: {  	[dreg:$0x5] =	wrdreg $0x9  }
0xc7: {  	_ =	task.clear_ibuf [dreg:s22], $0x6FFFF;
	_ =	strace $0x90000049  }
0xc8: {  	s29 =	simm.s32 $0x9;
	_ =	strace $0x8000004B  }
0xc9: {  	_ =	swait.ge [sflag:s29], $0x1  }
0xca: {  	[sflag:s29] =	ssyncadd.s32 $0xFFFFFFFF  }
0xcb: {  	_ =	strace $0x9000004B  }
0xcc: {  	_ =	sfence  }
0xcd: {  	s30 =	sld [smem:$0x0];
	_ =	sdelay $0x2  }
0xce: {  	s31 =	sshll.u32 s1, $0xD;
	s1 =	sshrl.u32 s1, $0x2  }
0xcf: {  	s4 =	sand.u32 $0x4000, s31;
	s1 =	sadd.s32 s1, s30  }
0xd0: {  	s0 =	sor.u32 s4, s0;
	s1 =	sshll.u32 s1, $0x11  }
0xd1: {  	s0 =	sor.u32 s1, s0  }
0xd2: {  	s0 =	sadd.s32 $0x8F2B, s0  }
0xd3: {  	[sflag:s0] =	ssyncadd.remote.s32 $0x1  }
0xd4: {  	_ =	sfence.sel $0xFFFF  }
0xd5: {  	[dreg:$0x0] =	wrdreg $0xFFFFFFFF;
	(pc) =	sbr.abs _section_cstart, $3  }
0xd6: {  	[dreg:$0x1] =	wrdreg $0xFFFFFFFF  }
0xd7: {  	_ =	task.clear_ibuf [dreg:s22], $0x2FFFF;
	_ =	strace $0x9FFFFFFF  }
0xd8: {  	(tm) =	ssettm $0x7FFFFFFF  }
0xd9: {  	_ =	shalt  }
tec
execute0_lowered:
.L_overlay_start_1:
0x0: {  	(tag) =	ssettag $0x1  }
0x1: {  	s0 =	rddreg [dreg:$0x0]  }
0x2: {  	s1 =	srdreg.scid;
	s4 =	rddreg [dreg:$0x1]  }
0x3: {  	s6 =	rddreg [dreg:$0x2];
	s2 =	stileid.u32  }
0x4: {  	s3 =	simm.s32 $0x0;
	s13 =	simm.s32 $0x4F80;
	s14 =	simm.s32 $0x1  }
0x5: {  	s15 =	simm.s32 $0x2;
	s16 =	simm.s32 $0x3;
	s17 =	simm.s32 $0xA0  }
0x6: {  	s18 =	simm.s32 $0x4;
	s19 =	simm.s32 $0x26C0;
	s5 =	sand.u32 $0x1, s1  }
0x7: {  	s20 =	simm.s32 $0x0;
	s31 =	smul.u32 $0x27100, s2;
	s7 =	sshll.u32 s5, $0x4  }
0x8: {  	s1 =	rddreg [dreg:$0x3];
	s29 =	smul.u32 $0x271000, s5;
	s7 =	sor.u32 s2, s7  }
0x9: {  	[smem:$0x7FF] =	sst s3;
	s8 =	ssub.s32 $0x2, s5;
	s9 =	smul.u32 $0x2710, s7  }
0xa: {  	s12 =	sadd.s32 $0x4EFA00, s6;
	s10 =	sshrl.u32 s8, $0x1;
	s11 =	smul.u32 $0x138800, s7  }
0xb: {  	_ =	strace $0x8000004A;
	s8 =	ssub.s32 s8, s10;
	s25 =	smul.u32 $0x27100, s7  }
.Ltmp0:
0xc: {  	s10 =	sadd.s32 s29, s12;
	s7 =	smax.u32 s8, $0x1;
	(pc) =	sbr.rel .LBB2_1-.Ltmp0, $4  }
0xd: {  	s26 =	sshrl.u32 s9, $0x3;
	s28 =	sshrl.u32 s11, $0x3;
	s6 =	sadd.s32 s12, s25  }
0xe: {  	s9 =	sadd.s32 s31, s10;
	s10 =	simm.s32 $0x5;
	s11 =	simm.s32 $0x50  }
0xf: {  	s4 =	sadd.s32 s4, s26;
	s30 =	sadd.s32 s12, s28;
	s8 =	sadd.s32 $0x500, s6  }
0x10: {  	s9 =	sadd.s32 $0xA00, s9;
	s12 =	simm.s32 $0x2780;
	s5 =	sadd.s32 $0x26C00, s30  }
.LBB2_4:
0x11: {  	_ =	swait.ge [sflag:s18], $0x2800  }
0x12: {  	[sflag:s18] =	ssyncset.done $0x0  }
0x13: {  	[sflag:s18] =	ssyncadd.s32 $0xFFFFD800  }
0x14: {  	[tilespmem:s12], [sflag:$0x1] =	stream.indirect.gather [hbm4b:s0+s11], $0x80, s19, s11, $0xb8;
	[tilespmem:$0x7780] =	vst v63  }
0x15: {  	s20 =	sadd.s32 $0x1, s20;
	_ =	swait.ge [sflag:s14], $0x2800  }
0x16: {  	p0 =	sne.s32 s20, s7;
	[sflag:s14] =	ssyncset.done $0x0  }
.Ltmp1:
0x17: {  	[sflag:s14] =	ssyncadd.s32 $0xFFFFD800;
	(pc) =	sbr.rel @!p0 .LBB2_5-.Ltmp1, $4  }
0x18: {  	[hbm4b:s5+s3] =	stream.linear.scatter [tilespmem:s12], [sflag:$0x5], $0x2800, $0x38;
	[tilespmem:$0x7780] =	vst v63  }
0x19: {  	_ =	swait.ge [sflag:s10], $0x2800  }
0x1a: {  	[sflag:s10] =	ssyncset.done $0x0  }
0x1b: {  	[sflag:s10] =	ssyncadd.s32 $0xFFFFD800  }
.LBB2_1:
0x1c: {  	[tilespmem:s3], [sflag:$0x5] =	stream.linear.gather [hbm4b:s4+s3], $0x2710, $0x38;
	[tilespmem:$0x7780] =	vst v63  }
0x1d: {  	_ =	swait.ge [sflag:s10], $0x2710  }
0x1e: {  	[sflag:s10] =	ssyncset.done $0x0  }
0x1f: {  	[sflag:s10] =	ssyncadd.s32 $0xFFFFD8F0  }
0x20: {  	[tilespmem:s12], [sflag:$0x1] =	stream.indirect.gather [hbm4b:s0+s11], $0x80, s3, s11, $0xb8;
	[tilespmem:$0x7780] =	vst v63  }
0x21: {  	_ = 	snop  }
0x22: {  	[tilespmem:s13], [sflag:$0x2] =	stream.indirect.gather [hbm4b:s0+s11], $0x80, s11, s11, $0xb8;
	[tilespmem:$0x7780] =	vst v63  }
0x23: {  	_ =	swait.ge [sflag:s14], $0x2800  }
0x24: {  	[sflag:s14] =	ssyncset.done $0x0  }
0x25: {  	[sflag:s14] =	ssyncadd.s32 $0xFFFFD800  }
0x26: {  	[hbm4b:s6+s3] =	stream.linear.scatter [tilespmem:s12], [sflag:$0x3], $0x2800, $0x38;
	[tilespmem:$0x7780] =	vst v63  }
0x27: {  	_ =	swait.ge [sflag:s15], $0x2800  }
0x28: {  	[sflag:s15] =	ssyncset.done $0x0  }
0x29: {  	[sflag:s15] =	ssyncadd.s32 $0xFFFFD800  }
0x2a: {  	[hbm4b:s8+s3] =	stream.linear.scatter [tilespmem:s13], [sflag:$0x4], $0x2800, $0x38;
	[tilespmem:$0x7780] =	vst v63  }
0x2b: {  	_ =	swait.ge [sflag:s16], $0x2800  }
0x2c: {  	[sflag:s16] =	ssyncset.done $0x0  }
0x2d: {  	s21 =	smov.u32 s9;
	s22 =	simm.s32 $0x0;
	[sflag:s16] =	ssyncadd.s32 $0xFFFFD800  }
0x2e: {  	[tilespmem:s12], [sflag:$0x1] =	stream.indirect.gather [hbm4b:s0+s11], $0x80, s17, s11, $0xb8;
	[tilespmem:$0x7780] =	vst v63  }
.LBB2_2:
0x2f: {  	_ =	swait.ge [sflag:s18], $0x2800  }
0x30: {  	s23 =	sshra.s32 s22, $0x2;
	[sflag:s18] =	ssyncset.done $0x0  }
0x31: {  	s24 =	sadd.s32 $0xF0, s23;
	[sflag:s18] =	ssyncadd.s32 $0xFFFFD800  }
0x32: {  	[tilespmem:s13], [sflag:$0x2] =	stream.indirect.gather [hbm4b:s0+s11], $0x80, s24, s11, $0xb8;
	[tilespmem:$0x7780] =	vst v63  }
0x33: {  	_ =	swait.ge [sflag:s14], $0x2800  }
0x34: {  	[sflag:s14] =	ssyncset.done $0x0  }
0x35: {  	[sflag:s14] =	ssyncadd.s32 $0xFFFFD800  }
0x36: {  	[hbm4b:s21+s3] =	stream.linear.scatter [tilespmem:s12], [sflag:$0x3], $0x2800, $0x38;
	[tilespmem:$0x7780] =	vst v63  }
0x37: {  	_ =	swait.ge [sflag:s15], $0x2800  }
0x38: {  	p0 =	seq.s32 s22, $0x9600;
	[sflag:s15] =	ssyncset.done $0x0  }
.Ltmp2:
0x39: {  	s31 =	sadd.s32 $0x500, s21;
	[sflag:s15] =	ssyncadd.s32 $0xFFFFD800;
	(pc) =	sbr.rel @p0 .LBB2_4-.Ltmp2, $4  }
0x3a: {  	[hbm4b:s31+s3] =	stream.linear.scatter [tilespmem:s13], [sflag:$0x4], $0x2800, $0x38;
	[tilespmem:$0x7780] =	vst v63  }
0x3b: {  	_ =	swait.ge [sflag:s16], $0x2800  }
0x3c: {  	[sflag:s16] =	ssyncset.done $0x0  }
0x3d: {  	[sflag:s16] =	ssyncadd.s32 $0xFFFFD800  }
.Ltmp3:
0x3e: {  	(pc) =	sbr.rel .LBB2_2-.Ltmp3, $3  }
0x3f: {  	_ =	sdelay $0x1  }
0x40: {  	s23 =	sadd.s32 $0x140, s23;
	s22 =	sadd.s32 $0x280, s22;
	s21 =	sadd.s32 $0xA00, s21  }
0x41: {  	[tilespmem:s12], [sflag:$0x1] =	stream.indirect.gather [hbm4b:s0+s11], $0x80, s23, s11, $0xb8;
	[tilespmem:$0x7780] =	vst v63  }
.LBB2_5:
0x42: {  	_ =	sfence.sel $0x180000  }
0x43: {  	[bflag:$0x0] =	sbarrier.arrive $0xFFFF  }
0x44: {  	p0 =	sne.s32 s2, $0x0;
	_ =	strace $0x9000004A  }
0x45: {  	s0 =	sadd.s32 @!p0 $0x100000, s1;
	[bflag:$0x2] =	sbarrier.arrive $0xFFFF  }
0x46: {  	[sflag:s0] =	ssyncadd.tile.s32 @!p0 $0x1;
	_ =	shalt  }
.Lfunc_end2:
_tile_overlayer_lowered:
.L_overlay_start_2:
0x47: {  	(tag) =	ssettag $0x2  }
0x48: {  	s0 =	rddreg [dreg:$0x0];
	s2 =	stileid.u32  }
0x49: {  	s1 =	rddreg [dreg:$0x1];
	p0 =	sne.s32 s2, $0x0  }
0x4a: {  	s3 =	rddreg [dreg:$0x2];
	[bflag:$0x3] =	sbarrier.arrive $0xFFFF;
	s2 =	simm.s32 @!p0 $0x1C05  }
0x4b: {  	[timem:s3], [sflag:s2] =	dma.local @!p0 [hbm:s0], s1  }
0x4c: {  	s0 =	simm.s32 @!p0 $0x5  }
0x4d: {  	_ =	swait.ge @!p0 [sflag:s0], s1  }
0x4e: {  	s1 =	ssub.s32 @!p0 $0x0, s1;
	[sflag:s0] =	ssyncset.done @!p0 $0x0  }
0x4f: {  	[sflag:s0] =	ssyncadd.s32 @!p0 s1  }
0x50: {  	[bflag:$0x3] =	sbarrier.arrive $0xFFFF  }
0x51: {  	_ =	shalt  }

</sc_bundles>
